<compile_context>
chip_gen: v7x
topology: tpu7x:2x2x1
jax: 0.10.2.dev20260603
libtpu: 0.0.44.dev20260713+nightly
codegen_flags: <defaults>
</compile_context>

<pallas_src>
import functools

import jax
import jax.numpy as jnp
from jax import lax
from jax.experimental import pallas as pl
from jax.experimental.pallas import tpu as pltpu
from jax.experimental.pallas import tpu_sc as plsc

_NUM_FIELDS = 26
_FIELD_DIM = 100000
_EMBED_DIM = 16
_BATCH = 16384
_NW = 32
_BPW = _BATCH // _NW
_NVEC = _BPW // 16

_NROW = 2600001
_R = 1024
_NFULL = _NROW // _R
_TAILROW = _NFULL * _R
_TAIL = _NROW - _TAILROW
_CPW_HI = _NFULL - (_NFULL // _NW) * _NW


@functools.partial(
    pl.kernel,
    out_type=jax.ShapeDtypeStruct((_NROW * 16,), jnp.float32),
    mesh=plsc.VectorSubcoreMesh(core_axis_name="c", subcore_axis_name="s"),
    compiler_params=pltpu.CompilerParams(
        use_tc_tiling_on_sc=True, needs_layout_passes=False
    ),
    scratch_types=[
        pltpu.VMEM((16, _R), jnp.float32),
        pltpu.VMEM((16, _R), jnp.float32),
        pltpu.VMEM((_R * 16,), jnp.float32),
        pltpu.VMEM((_R * 16,), jnp.float32),
        pltpu.VMEM((16, _TAIL), jnp.float32),
        pltpu.VMEM((16,), jnp.int32),
        pltpu.SemaphoreType.DMA,
        pltpu.SemaphoreType.DMA,
        pltpu.SemaphoreType.DMA,
        pltpu.SemaphoreType.DMA,
    ],
)
def _linearize_table(tt_hbm, tlin_hbm, in_v0, in_v1, out_v0, out_v1, tin_v,
                     iota_v, is0, is1, os0, os1):
    wid = lax.axis_index("s") * 2 + lax.axis_index("c")
    iota_v[...] = lax.iota(jnp.int32, 16) * 16
    ii16 = iota_v[...]

    nch = jnp.where(wid < _CPW_HI, _NFULL // _NW + 1, _NFULL // _NW)
    in_bufs = (in_v0, in_v1)
    out_bufs = (out_v0, out_v1)
    in_sems = (is0, is1)
    out_sems = (os0, os1)

    def src_at(k):
        return tt_hbm.at[:, pl.ds((wid + _NW * k) * _R, _R)]

    def dst_at(k):
        return tlin_hbm.at[pl.ds((wid + _NW * k) * _R * 16, _R * 16)]

    pltpu.async_copy(src_at(0), in_v0, is0)
    pltpu.async_copy(src_at(1), in_v1, is1)

    def do_pair(kk, carry):
        for b in range(2):
            k = kk * 2 + b

            @pl.when(k < nch)
            def _step(k=k, b=b):
                iv, ov = in_bufs[b], out_bufs[b]
                pltpu.make_async_copy(src_at(k), iv, in_sems[b]).wait()

                @pl.when(k >= 2)
                def _drain_out():
                    pltpu.make_async_copy(ov, dst_at(k - 2), out_sems[b]).wait()

                def tr_vec(g, c2):
                    for c in range(16):
                        plsc.store_scatter(ov, [ii16 + (g * 256 + c)],
                                           iv[c, pl.ds(g * 16, 16)])
                    return c2

                lax.fori_loop(0, _R // 16, tr_vec, 0)
                pltpu.async_copy(ov, dst_at(k), out_sems[b])

                @pl.when(k + 2 < nch)
                def _next_in():
                    pltpu.async_copy(src_at(k + 2), iv, in_sems[b])

        return carry

    lax.fori_loop(0, (_NFULL // _NW + 2) // 2, do_pair, 0)
    pltpu.make_async_copy(out_v0, dst_at(0), os0).wait()
    pltpu.make_async_copy(out_v1, dst_at(1), os1).wait()

    @pl.when(wid == _NW - 1)
    def _tail():
        pltpu.sync_copy(tt_hbm.at[:, pl.ds(_TAILROW, _TAIL)], tin_v)
        starts = [g * 16 for g in range(_TAIL // 16)] + [_TAIL - 16]
        for s in starts:
            for c in range(16):
                plsc.store_scatter(out_v0, [ii16 + (s * 16 + c)],
                                   tin_v[c, pl.ds(s, 16)])
        pltpu.sync_copy(out_v0.at[pl.ds(0, _TAIL * 16)],
                        tlin_hbm.at[pl.ds(_TAILROW * 16, _TAIL * 16)])


@functools.partial(
    pl.kernel,
    out_type=jax.ShapeDtypeStruct((_NUM_FIELDS * _BATCH,), jnp.int32),
    mesh=plsc.VectorSubcoreMesh(core_axis_name="c", subcore_axis_name="s"),
    compiler_params=pltpu.CompilerParams(
        use_tc_tiling_on_sc=True, needs_layout_passes=False
    ),
    scratch_types=[
        pltpu.VMEM((_BPW,), jnp.int32),
        pltpu.VMEM((_BPW,), jnp.int32),
    ],
)
def _make_indices(xt_hbm, idx_hbm, x_v, idx_v):
    wid = lax.axis_index("s") * 2 + lax.axis_index("c")
    b0 = wid * _BPW

    def do_field(f, carry):
        pltpu.sync_copy(xt_hbm.at[f].at[pl.ds(b0, _BPW)], x_v)
        off = f * _FIELD_DIM

        def compute(vi, c2):
            p = pl.ds(vi * 16, 16)
            xv = x_v[p]
            idx_v[p] = jnp.where(xv == 0, 0, xv + off)
            return c2

        lax.fori_loop(0, _NVEC, compute, 0)
        pltpu.sync_copy(idx_v, idx_hbm.at[pl.ds(f * _BATCH + b0, _BPW)])
        return carry

    lax.fori_loop(0, _NUM_FIELDS, do_field, 0)


@functools.partial(
    pl.kernel,
    out_type=jax.ShapeDtypeStruct((_NUM_FIELDS, _EMBED_DIM, _BATCH), jnp.float32),
    mesh=plsc.VectorSubcoreMesh(core_axis_name="c", subcore_axis_name="s"),
    compiler_params=pltpu.CompilerParams(
        use_tc_tiling_on_sc=False, needs_layout_passes=False
    ),
    scratch_types=[
        pltpu.VMEM((_BPW,), jnp.int32),
        pltpu.VMEM((_BPW, _EMBED_DIM), jnp.float32),
        pltpu.VMEM((_EMBED_DIM, _BPW), jnp.float32),
        pltpu.VMEM((16,), jnp.int32),
        pltpu.SemaphoreType.DMA,
    ],
)
def _emb_lookup(idx_hbm, table_hbm, out_hbm, idx_v, rows_v, valt_v, iota_v, sem):
    wid = lax.axis_index("s") * 2 + lax.axis_index("c")
    b0 = wid * _BPW
    iota_v[...] = lax.iota(jnp.int32, 16)

    def do_field(f, carry):
        pltpu.sync_copy(idx_hbm.at[pl.ds(f * _BATCH + b0, _BPW)], idx_v)

        copies = [
            pltpu.async_copy(
                table_hbm.at[idx_v.at[pl.ds(j * 128, 128)]],
                rows_v.at[pl.ds(j * 128, 128)],
                sem,
            )
            for j in range(_BPW // 128)
        ]
        for cp in copies:
            cp.wait()

        def transpose16(g, c2):
            ii = iota_v[...]
            for r16 in range(16):
                r = g * 16 + r16
                rv = jnp.full((16,), r, jnp.int32)
                plsc.store_scatter(valt_v, [ii, rv], rows_v[r, :])
            return c2

        lax.fori_loop(0, _NVEC, transpose16, 0)
        pltpu.sync_copy(valt_v, out_hbm.at[f].at[:, pl.ds(b0, _BPW)])
        return carry

    lax.fori_loop(0, _NUM_FIELDS, do_field, 0)


def kernel(x, table):
    tlin = _linearize_table(table.T)
    t2d = tlin.reshape(_NROW, _EMBED_DIM)
    idx = _make_indices(x.T)
    out = _emb_lookup(idx, t2d)
    return jnp.transpose(out, (2, 0, 1))

# --- scband reference (transcript-rebuilt; emitter-appended) ---
"""Pipeline reference for scband-features-embedding-38792144617592 (READ-ONLY COPY).

The authoritative reference and input builder live on the scoring server;
editing this copy changes nothing except your own understanding.
"""

import jax, jax.numpy as jnp
import numpy as np

FIELD_DIMS = [100000] * 26
EMBED_DIM = 16
OFFSETS = np.array((0, *np.cumsum(FIELD_DIMS)[:-1]), dtype=np.int64)
NUM_EMB = 1 + int(sum(FIELD_DIMS))
BATCH = 16384


def setup_inputs(seed: int = 0) -> dict:
    key = jax.random.key(seed)
    k1, k2 = jax.random.split(key)
    # values in [0, field_dims[i]] inclusive; 0 means null
    x = jax.random.randint(k1, (BATCH, len(FIELD_DIMS)), 0, 100001, dtype=jnp.int32)
    table = jax.random.normal(k2, (NUM_EMB, EMBED_DIM), dtype=jnp.float32)
    # padding_idx=0 -> row 0 is the all-zero embedding
    table = table.at[0].set(0.0)
    return {"x": x, "table": table}


def reference(x, table):
    offsets = jnp.asarray(OFFSETS, dtype=x.dtype)
    zero_bf = x == 0
    ixs_bf = x + offsets[None, :]
    ixs_bf = jnp.where(zero_bf, 0, ixs_bf)
    out = jnp.take(table, ixs_bf, axis=0)
    # mask to enforce padding_idx semantics (row 0 stays zero, no grad)
    out = out * (~zero_bf)[..., None].astype(out.dtype)
    return out

if __name__ == "__main__":
    import jax
    _d = setup_inputs()
    print(jax.jit(kernel)(*tuple(_d.values())))

</pallas_src>

<mosaic_0001>
#map = affine_map<(d0, d1) -> (0, 0)>
#map1 = affine_map<(d0, d1) -> (0)>
module attributes {stable_mosaic.version = 14 : i64} {
  func.func @_make_indices(%arg0: i32, %arg1: i32, %arg2: memref<26x16384xi32, #tpu.memory_space<hbm>>, %arg3: memref<425984xi32, #tpu.memory_space<hbm>>, %arg4: memref<512xi32, #tpu.memory_space<vmem>>, %arg5: memref<512xi32, #tpu.memory_space<vmem>>) attributes {dimension_semantics = [#tpu.dimension_semantics<core_parallel>, #tpu.dimension_semantics<subcore_parallel>], iteration_bounds = array<i64: 2, 16>, scalar_prefetch = 0 : i64, scratch_operands = 2 : i64, tpu.core_type = #tpu.core_type<sc_vector_subcore>, window_params = [{transform_indices = #map}, {transform_indices = #map1}]} {
    %mul3A = arith.constant 2 : i32
    %mul3A_0 = arith.muli %arg1, %mul3A : i32
    %add3A = arith.addi %mul3A_0, %arg0 : i32
    %mul3A_1 = arith.constant 512 : i32
    %mul3A_2 = arith.muli %add3A, %mul3A_1 : i32
    %scan3A = arith.constant 0 : i32
    %scan3A_3 = arith.constant 0 : i32
    %scan3A_4 = arith.constant 26 : i32
    %scan3A_5 = arith.addi %scan3A_3, %scan3A_4 : i32
    %scan3A_6 = arith.constant 1 : i32
    scf.for %scan3A_8 = %scan3A_3 to %scan3A_5 step %scan3A_6  : i32 {
      "tpu.region"() ({
        %run_scoped3A = tpu.sem_alloc : memref<!tpu.dma_semaphore, #tpu.memory_space<semaphore_mem>>
        %dma_start3A = arith.constant 0 : i32
        %dma_start3A_20 = tpu.memref_slice %arg2[%scan3A_8, %dma_start3A] : memref<26x16384xi32, #tpu.memory_space<hbm>> -> memref<1x16384xi32, #tpu.memory_space<hbm>>
        %dma_start3A_21 = tpu.memref_squeeze %dma_start3A_20 : memref<1x16384xi32, #tpu.memory_space<hbm>> -> memref<16384xi32, #tpu.memory_space<hbm>>
        %dma_start3A_22 = tpu.memref_slice %dma_start3A_21[%mul3A_2] : memref<16384xi32, #tpu.memory_space<hbm>> -> memref<512xi32, #tpu.memory_space<hbm>>
        %dma_start3A_23 = arith.constant 0 : i32
        %dma_start3A_24 = tpu.memref_slice %arg2[%scan3A_8, %dma_start3A_23] : memref<26x16384xi32, #tpu.memory_space<hbm>> -> memref<1x16384xi32, #tpu.memory_space<hbm>>
        %dma_start3A_25 = tpu.memref_squeeze %dma_start3A_24 : memref<1x16384xi32, #tpu.memory_space<hbm>> -> memref<16384xi32, #tpu.memory_space<hbm>>
        %dma_start3A_26 = tpu.memref_slice %dma_start3A_25[%mul3A_2] : memref<16384xi32, #tpu.memory_space<hbm>> -> memref<512xi32, #tpu.memory_space<hbm>>
        tpu.enqueue_dma source(%dma_start3A_26 : memref<512xi32, #tpu.memory_space<hbm>>) target(%arg4 : memref<512xi32, #tpu.memory_space<vmem>>) target_semaphore(%run_scoped3A : memref<!tpu.dma_semaphore, #tpu.memory_space<semaphore_mem>>)
        %dma_wait3A = arith.constant 0 : i32
        %dma_wait3A_27 = tpu.memref_slice %arg2[%scan3A_8, %dma_wait3A] : memref<26x16384xi32, #tpu.memory_space<hbm>> -> memref<1x16384xi32, #tpu.memory_space<hbm>>
        %dma_wait3A_28 = tpu.memref_squeeze %dma_wait3A_27 : memref<1x16384xi32, #tpu.memory_space<hbm>> -> memref<16384xi32, #tpu.memory_space<hbm>>
        %dma_wait3A_29 = tpu.memref_slice %dma_wait3A_28[%mul3A_2] : memref<16384xi32, #tpu.memory_space<hbm>> -> memref<512xi32, #tpu.memory_space<hbm>>
        %dma_wait3A_30 = arith.constant 0 : i32
        %dma_wait3A_31 = tpu.memref_slice %arg2[%scan3A_8, %dma_wait3A_30] : memref<26x16384xi32, #tpu.memory_space<hbm>> -> memref<1x16384xi32, #tpu.memory_space<hbm>>
        %dma_wait3A_32 = tpu.memref_squeeze %dma_wait3A_31 : memref<1x16384xi32, #tpu.memory_space<hbm>> -> memref<16384xi32, #tpu.memory_space<hbm>>
        %dma_wait3A_33 = tpu.memref_slice %dma_wait3A_32[%mul3A_2] : memref<16384xi32, #tpu.memory_space<hbm>> -> memref<512xi32, #tpu.memory_space<hbm>>
        tpu.wait_dma2 semaphore(%run_scoped3A : memref<!tpu.dma_semaphore, #tpu.memory_space<semaphore_mem>>) src(%dma_wait3A_33 : memref<512xi32, #tpu.memory_space<hbm>>) dst(%arg4 : memref<512xi32, #tpu.memory_space<vmem>>)
        tpu.yield
      }) : () -> ()
      %mul3A_9 = arith.constant 100000 : i32
      %mul3A_10 = arith.muli %scan3A_8, %mul3A_9 : i32
      %scan3A_11 = arith.constant 0 : i32
      %scan3A_12 = arith.constant 0 : i32
      %scan3A_13 = arith.constant 32 : i32
      %scan3A_14 = arith.addi %scan3A_12, %scan3A_13 : i32
      %scan3A_15 = arith.constant 1 : i32
      scf.for %scan3A_20 = %scan3A_12 to %scan3A_14 step %scan3A_15  : i32 {
        %mul3A_21 = arith.constant 16 : i32
        %mul3A_22 = arith.muli %scan3A_20, %mul3A_21 : i32
        %get3A = arith.index_cast %mul3A_22 : i32 to index
        %get3A_23 = tpu.vector_load %arg4[%get3A] {strides = array<i32>} : memref<512xi32, #tpu.memory_space<vmem>>, vector<16xi32>,
        %eq3A = arith.constant 0 : i32
        %eq3A_24 = vector.broadcast %eq3A : i32 to vector<16xi32>
        %eq3A_25 = arith.cmpi eq, %get3A_23, %eq3A_24 : vector<16xi32>
        %add3A_26 = vector.broadcast %mul3A_10 : i32 to vector<16xi32>
        %add3A_27 = arith.addi %get3A_23, %add3A_26 : vector<16xi32>
        %jit3A = arith.constant 0 : i32
        %broadcast_in_dim3A = vector.broadcast %jit3A : i32 to vector<16xi32>
        %select_n3A = arith.select %eq3A_25, %broadcast_in_dim3A, %add3A_27 : vector<16xi1>, vector<16xi32>
        %swap3A = arith.index_cast %mul3A_22 : i32 to index
        %swap3A_28 = tpu.vector_load %arg5[%swap3A] {strides = array<i32>} : memref<512xi32, #tpu.memory_space<vmem>>, vector<16xi32>,
        tpu.vector_store %arg5[%swap3A], %select_n3A {strides = array<i32>} : memref<512xi32, #tpu.memory_space<vmem>>, vector<16xi32>,
      }
      %scan3A_16 = arith.constant 32 : i32
      %mul3A_17 = arith.constant 16384 : i32
      %mul3A_18 = arith.muli %scan3A_8, %mul3A_17 : i32
      %add3A_19 = arith.addi %mul3A_18, %mul3A_2 : i32
      "tpu.region"() ({
        %run_scoped3A = tpu.sem_alloc : memref<!tpu.dma_semaphore, #tpu.memory_space<semaphore_mem>>
        %dma_start3A = tpu.memref_slice %arg3[%add3A_19] : memref<425984xi32, #tpu.memory_space<hbm>> -> memref<512xi32, #tpu.memory_space<hbm>>
        %dma_start3A_20 = tpu.memref_slice %arg3[%add3A_19] : memref<425984xi32, #tpu.memory_space<hbm>> -> memref<512xi32, #tpu.memory_space<hbm>>
        tpu.enqueue_dma source(%arg5 : memref<512xi32, #tpu.memory_space<vmem>>) target(%dma_start3A_20 : memref<512xi32, #tpu.memory_space<hbm>>) target_semaphore(%run_scoped3A : memref<!tpu.dma_semaphore, #tpu.memory_space<semaphore_mem>>)
        %dma_wait3A = tpu.memref_slice %arg3[%add3A_19] : memref<425984xi32, #tpu.memory_space<hbm>> -> memref<512xi32, #tpu.memory_space<hbm>>
        %dma_wait3A_21 = tpu.memref_slice %arg3[%add3A_19] : memref<425984xi32, #tpu.memory_space<hbm>> -> memref<512xi32, #tpu.memory_space<hbm>>
        tpu.wait_dma2 semaphore(%run_scoped3A : memref<!tpu.dma_semaphore, #tpu.memory_space<semaphore_mem>>) src(%arg5 : memref<512xi32, #tpu.memory_space<vmem>>) dst(%dma_wait3A_21 : memref<512xi32, #tpu.memory_space<hbm>>)
        tpu.yield
      }) : () -> ()
    }
    %scan3A_7 = arith.constant 26 : i32
    return
  }
}

#map = affine_map<(d0, d1) -> (0, 0)>
#map1 = affine_map<(d0, d1) -> (0)>
module attributes {stable_mosaic.version = 14 : i64} {
  func.func @_linearize_table(%arg0: i32, %arg1: i32, %arg2: memref<16x2600001xf32, #tpu.memory_space<hbm>>, %arg3: memref<41600016xf32, #tpu.memory_space<hbm>>, %arg4: memref<16x1024xf32, #tpu.memory_space<vmem>>, %arg5: memref<16x1024xf32, #tpu.memory_space<vmem>>, %arg6: memref<16384xf32, #tpu.memory_space<vmem>>, %arg7: memref<16384xf32, #tpu.memory_space<vmem>>, %arg8: memref<16x65xf32, #tpu.memory_space<vmem>>, %arg9: memref<16xi32, #tpu.memory_space<vmem>>, %arg10: memref<!tpu.dma_semaphore, #tpu.memory_space<semaphore_mem>>, %arg11: memref<!tpu.dma_semaphore, #tpu.memory_space<semaphore_mem>>, %arg12: memref<!tpu.dma_semaphore, #tpu.memory_space<semaphore_mem>>, %arg13: memref<!tpu.dma_semaphore, #tpu.memory_space<semaphore_mem>>) attributes {dimension_semantics = [#tpu.dimension_semantics<core_parallel>, #tpu.dimension_semantics<subcore_parallel>], iteration_bounds = array<i64: 2, 16>, scalar_prefetch = 0 : i64, scratch_operands = 10 : i64, tpu.core_type = #tpu.core_type<sc_vector_subcore>, window_params = [{transform_indices = #map}, {transform_indices = #map1}]} {
    %mul3A = arith.constant 2 : i32
    %mul3A_0 = arith.muli %arg1, %mul3A : i32
    %add3A = arith.addi %mul3A_0, %arg0 : i32
    %iota3A = tpu.iota {dimensions = array<i32: 0>} : vector<16xi32>
    %mul3A_1 = arith.constant 16 : i32
    %mul3A_2 = vector.broadcast %mul3A_1 : i32 to vector<16xi32>
    %mul3A_3 = arith.muli %iota3A, %mul3A_2 : vector<16xi32>
    %swap3A = arith.constant 0 : index
    %swap3A_4 = tpu.vector_load %arg9[%swap3A] {strides = array<i32>} : memref<16xi32, #tpu.memory_space<vmem>>, vector<16xi32>,
    tpu.vector_store %arg9[%swap3A], %mul3A_3 {strides = array<i32>} : memref<16xi32, #tpu.memory_space<vmem>>, vector<16xi32>,
    %get3A = arith.constant 0 : index
    %get3A_5 = tpu.vector_load %arg9[%get3A] {strides = array<i32>} : memref<16xi32, #tpu.memory_space<vmem>>, vector<16xi32>,
    %lt3A = arith.constant 11 : i32
    %lt3A_6 = arith.cmpi slt, %add3A, %lt3A : i32
    %jit3A = arith.constant 80 : i32
    %jit3A_7 = arith.constant 79 : i32
    %select_n3A = arith.select %lt3A_6, %jit3A, %jit3A_7 : i32
    %add3A_8 = arith.constant 0 : i32
    %add3A_9 = arith.addi %add3A, %add3A_8 : i32
    %mul3A_10 = arith.constant 1024 : i32
    %mul3A_11 = arith.muli %add3A_9, %mul3A_10 : i32
    %dma_start3A = arith.constant 0 : i32
    %dma_start3A_12 = tpu.memref_slice %arg2[%dma_start3A, %mul3A_11] : memref<16x2600001xf32, #tpu.memory_space<hbm>> -> memref<16x1024xf32, #tpu.memory_space<hbm>>
    %dma_start3A_13 = arith.constant 0 : i32
    %dma_start3A_14 = tpu.memref_slice %arg2[%dma_start3A_13, %mul3A_11] : memref<16x2600001xf32, #tpu.memory_space<hbm>> -> memref<16x1024xf32, #tpu.memory_space<hbm>>
    tpu.enqueue_dma source(%dma_start3A_14 : memref<16x1024xf32, #tpu.memory_space<hbm>>) target(%arg4 : memref<16x1024xf32, #tpu.memory_space<vmem>>) target_semaphore(%arg10 : memref<!tpu.dma_semaphore, #tpu.memory_space<semaphore_mem>>)
    %add3A_15 = arith.constant 32 : i32
    %add3A_16 = arith.addi %add3A, %add3A_15 : i32
    %mul3A_17 = arith.constant 1024 : i32
    %mul3A_18 = arith.muli %add3A_16, %mul3A_17 : i32
    %dma_start3A_19 = arith.constant 0 : i32
    %dma_start3A_20 = tpu.memref_slice %arg2[%dma_start3A_19, %mul3A_18] : memref<16x2600001xf32, #tpu.memory_space<hbm>> -> memref<16x1024xf32, #tpu.memory_space<hbm>>
    %dma_start3A_21 = arith.constant 0 : i32
    %dma_start3A_22 = tpu.memref_slice %arg2[%dma_start3A_21, %mul3A_18] : memref<16x2600001xf32, #tpu.memory_space<hbm>> -> memref<16x1024xf32, #tpu.memory_space<hbm>>
    tpu.enqueue_dma source(%dma_start3A_22 : memref<16x1024xf32, #tpu.memory_space<hbm>>) target(%arg5 : memref<16x1024xf32, #tpu.memory_space<vmem>>) target_semaphore(%arg11 : memref<!tpu.dma_semaphore, #tpu.memory_space<semaphore_mem>>)
    %scan3A = arith.constant 0 : i32
    %scan3A_23 = arith.constant 0 : i32
    %scan3A_24 = arith.constant 40 : i32
    %scan3A_25 = arith.addi %scan3A_23, %scan3A_24 : i32
    %scan3A_26 = arith.constant 1 : i32
    scf.for %scan3A_45 = %scan3A_23 to %scan3A_25 step %scan3A_26  : i32 {
      %mul3A_46 = arith.constant 2 : i32
      %mul3A_47 = arith.muli %scan3A_45, %mul3A_46 : i32
      %add3A_48 = arith.constant 0 : i32
      %add3A_49 = arith.addi %mul3A_47, %add3A_48 : i32
      %lt3A_50 = arith.cmpi slt, %add3A_49, %select_n3A : i32
      %convert_element_type3A_51 = arith.extui %lt3A_50 : i1 to i32
      %cond3A_52 = arith.constant 0 : i32
      %cond3A_53 = arith.cmpi ne, %convert_element_type3A_51, %cond3A_52 : i32
      scf.if %cond3A_53 {
        %mul3A_62 = arith.constant 32 : i32
        %mul3A_63 = arith.muli %mul3A_62, %add3A_49 : i32
        %add3A_64 = arith.addi %add3A, %mul3A_63 : i32
        %mul3A_65 = arith.constant 1024 : i32
        %mul3A_66 = arith.muli %add3A_64, %mul3A_65 : i32
        %dma_wait3A_67 = arith.constant 0 : i32
        %dma_wait3A_68 = tpu.memref_slice %arg2[%dma_wait3A_67, %mul3A_66] : memref<16x2600001xf32, #tpu.memory_space<hbm>> -> memref<16x1024xf32, #tpu.memory_space<hbm>>
        %dma_wait3A_69 = arith.constant 0 : i32
        %dma_wait3A_70 = tpu.memref_slice %arg2[%dma_wait3A_69, %mul3A_66] : memref<16x2600001xf32, #tpu.memory_space<hbm>> -> memref<16x1024xf32, #tpu.memory_space<hbm>>
        tpu.wait_dma2 semaphore(%arg10 : memref<!tpu.dma_semaphore, #tpu.memory_space<semaphore_mem>>) src(%dma_wait3A_70 : memref<16x1024xf32, #tpu.memory_space<hbm>>) dst(%arg4 : memref<16x1024xf32, #tpu.memory_space<vmem>>)
        %ge3A = arith.constant 2 : i32
        %ge3A_71 = arith.cmpi sge, %add3A_49, %ge3A : i32
        %convert_element_type3A_72 = arith.extui %ge3A_71 : i1 to i32
        %cond3A_73 = arith.constant 0 : i32
        %cond3A_74 = arith.cmpi ne, %convert_element_type3A_72, %cond3A_73 : i32
        scf.if %cond3A_74 {
          %sub3A = arith.constant 2 : i32
          %sub3A_96 = arith.subi %add3A_49, %sub3A : i32
          %mul3A_97 = arith.constant 32 : i32
          %mul3A_98 = arith.muli %mul3A_97, %sub3A_96 : i32
          %add3A_99 = arith.addi %add3A, %mul3A_98 : i32
          %mul3A_100 = arith.constant 1024 : i32
          %mul3A_101 = arith.muli %add3A_99, %mul3A_100 : i32
          %mul3A_102 = arith.constant 16 : i32
          %mul3A_103 = arith.muli %mul3A_101, %mul3A_102 : i32
          %dma_wait3A_104 = tpu.memref_slice %arg3[%mul3A_103] : memref<41600016xf32, #tpu.memory_space<hbm>> -> memref<16384xf32, #tpu.memory_space<hbm>>
          %dma_wait3A_105 = tpu.memref_slice %arg3[%mul3A_103] : memref<41600016xf32, #tpu.memory_space<hbm>> -> memref<16384xf32, #tpu.memory_space<hbm>>
          tpu.wait_dma2 semaphore(%arg12 : memref<!tpu.dma_semaphore, #tpu.memory_space<semaphore_mem>>) src(%arg6 : memref<16384xf32, #tpu.memory_space<vmem>>) dst(%dma_wait3A_105 : memref<16384xf32, #tpu.memory_space<hbm>>)
        } else {
        }
        %scan3A_75 = arith.constant 0 : i32
        %scan3A_76 = arith.constant 0 : i32
        %scan3A_77 = arith.constant 64 : i32
        %scan3A_78 = arith.addi %scan3A_76, %scan3A_77 : i32
        %scan3A_79 = arith.constant 1 : i32
        scf.for %scan3A_96 = %scan3A_76 to %scan3A_78 step %scan3A_79  : i32 {
          %mul3A_97 = arith.constant 256 : i32
          %mul3A_98 = arith.muli %scan3A_96, %mul3A_97 : i32
          %add3A_99 = arith.constant 0 : i32
          %add3A_100 = arith.addi %mul3A_98, %add3A_99 : i32
          %add3A_101 = vector.broadcast %add3A_100 : i32 to vector<16xi32>
          %add3A_102 = arith.addi %get3A_5, %add3A_101 : vector<16xi32>
          %mul3A_103 = arith.constant 16 : i32
          %mul3A_104 = arith.muli %scan3A_96, %mul3A_103 : i32
          %get3A_105 = arith.constant 0 : i32
          %get3A_106 = arith.index_cast %get3A_105 : i32 to index
          %get3A_107 = arith.index_cast %mul3A_104 : i32 to index
          %get3A_108 = tpu.vector_load %arg4[%get3A_106, %get3A_107] {strides = array<i32>} : memref<16x1024xf32, #tpu.memory_space<vmem>>, vector<16xf32>,
          tpu.vector_store_idx %arg6[%add3A_102], %get3A_108 : memref<16384xf32, #tpu.memory_space<vmem>>[vector<16xi32>], vector<16xf32>,
          %mul3A_109 = arith.constant 256 : i32
          %mul3A_110 = arith.muli %scan3A_96, %mul3A_109 : i32
          %add3A_111 = arith.constant 1 : i32
          %add3A_112 = arith.addi %mul3A_110, %add3A_111 : i32
          %add3A_113 = vector.broadcast %add3A_112 : i32 to vector<16xi32>
          %add3A_114 = arith.addi %get3A_5, %add3A_113 : vector<16xi32>
          %mul3A_115 = arith.constant 16 : i32
          %mul3A_116 = arith.muli %scan3A_96, %mul3A_115 : i32
          %get3A_117 = arith.constant 1 : i32
          %get3A_118 = arith.index_cast %get3A_117 : i32 to index
          %get3A_119 = arith.index_cast %mul3A_116 : i32 to index
          %get3A_120 = tpu.vector_load %arg4[%get3A_118, %get3A_119] {strides = array<i32>} : memref<16x1024xf32, #tpu.memory_space<vmem>>, vector<16xf32>,
          tpu.vector_store_idx %arg6[%add3A_114], %get3A_120 : memref<16384xf32, #tpu.memory_space<vmem>>[vector<16xi32>], vector<16xf32>,
          %mul3A_121 = arith.constant 256 : i32
          %mul3A_122 = arith.muli %scan3A_96, %mul3A_121 : i32
          %add3A_123 = arith.constant 2 : i32
          %add3A_124 = arith.addi %mul3A_122, %add3A_123 : i32
          %add3A_125 = vector.broadcast %add3A_124 : i32 to vector<16xi32>
          %add3A_126 = arith.addi %get3A_5, %add3A_125 : vector<16xi32>
          %mul3A_127 = arith.constant 16 : i32
          %mul3A_128 = arith.muli %scan3A_96, %mul3A_127 : i32
          %get3A_129 = arith.constant 2 : i32
          %get3A_130 = arith.index_cast %get3A_129 : i32 to index
          %get3A_131 = arith.index_cast %mul3A_128 : i32 to index
          %get3A_132 = tpu.vector_load %arg4[%get3A_130, %get3A_131] {strides = array<i32>} : memref<16x1024xf32, #tpu.memory_space<vmem>>, vector<16xf32>,
          tpu.vector_store_idx %arg6[%add3A_126], %get3A_132 : memref<16384xf32, #tpu.memory_space<vmem>>[vector<16xi32>], vector<16xf32>,
          %mul3A_133 = arith.constant 256 : i32
          %mul3A_134 = arith.muli %scan3A_96, %mul3A_133 : i32
          %add3A_135 = arith.constant 3 : i32
          %add3A_136 = arith.addi %mul3A_134, %add3A_135 : i32
          %add3A_137 = vector.broadcast %add3A_136 : i32 to vector<16xi32>
          %add3A_138 = arith.addi %get3A_5, %add3A_137 : vector<16xi32>
          %mul3A_139 = arith.constant 16 : i32
          %mul3A_140 = arith.muli %scan3A_96, %mul3A_139 : i32
          %get3A_141 = arith.constant 3 : i32
          %get3A_142 = arith.index_cast %get3A_141 : i32 to index
          %get3A_143 = arith.index_cast %mul3A_140 : i32 to index
          %get3A_144 = tpu.vector_load %arg4[%get3A_142, %get3A_143] {strides = array<i32>} : memref<16x1024xf32, #tpu.memory_space<vmem>>, vector<16xf32>,
          tpu.vector_store_idx %arg6[%add3A_138], %get3A_144 : memref<16384xf32, #tpu.memory_space<vmem>>[vector<16xi32>], vector<16xf32>,
          %mul3A_145 = arith.constant 256 : i32
          %mul3A_146 = arith.muli %scan3A_96, %mul3A_145 : i32
          %add3A_147 = arith.constant 4 : i32
          %add3A_148 = arith.addi %mul3A_146, %add3A_147 : i32
          %add3A_149 = vector.broadcast %add3A_148 : i32 to vector<16xi32>
          %add3A_150 = arith.addi %get3A_5, %add3A_149 : vector<16xi32>
          %mul3A_151 = arith.constant 16 : i32
          %mul3A_152 = arith.muli %scan3A_96, %mul3A_151 : i32
          %get3A_153 = arith.constant 4 : i32
          %get3A_154 = arith.index_cast %get3A_153 : i32 to index
          %get3A_155 = arith.index_cast %mul3A_152 : i32 to index
          %get3A_156 = tpu.vector_load %arg4[%get3A_154, %get3A_155] {strides = array<i32>} : memref<16x1024xf32, #tpu.memory_space<vmem>>, vector<16xf32>,
          tpu.vector_store_idx %arg6[%add3A_150], %get3A_156 : memref<16384xf32, #tpu.memory_space<vmem>>[vector<16xi32>], vector<16xf32>,
          %mul3A_157 = arith.constant 256 : i32
          %mul3A_158 = arith.muli %scan3A_96, %mul3A_157 : i32
          %add3A_159 = arith.constant 5 : i32
          %add3A_160 = arith.addi %mul3A_158, %add3A_159 : i32
          %add3A_161 = vector.broadcast %add3A_160 : i32 to vector<16xi32>
          %add3A_162 = arith.addi %get3A_5, %add3A_161 : vector<16xi32>
          %mul3A_163 = arith.constant 16 : i32
          %mul3A_164 = arith.muli %scan3A_96, %mul3A_163 : i32
          %get3A_165 = arith.constant 5 : i32
          %get3A_166 = arith.index_cast %get3A_165 : i32 to index
          %get3A_167 = arith.index_cast %mul3A_164 : i32 to index
          %get3A_168 = tpu.vector_load %arg4[%get3A_166, %get3A_167] {strides = array<i32>} : memref<16x1024xf32, #tpu.memory_space<vmem>>, vector<16xf32>,
          tpu.vector_store_idx %arg6[%add3A_162], %get3A_168 : memref<16384xf32, #tpu.memory_space<vmem>>[vector<16xi32>], vector<16xf32>,
          %mul3A_169 = arith.constant 256 : i32
          %mul3A_170 = arith.muli %scan3A_96, %mul3A_169 : i32
          %add3A_171 = arith.constant 6 : i32
          %add3A_172 = arith.addi %mul3A_170, %add3A_171 : i32
          %add3A_173 = vector.broadcast %add3A_172 : i32 to vector<16xi32>
          %add3A_174 = arith.addi %get3A_5, %add3A_173 : vector<16xi32>
          %mul3A_175 = arith.constant 16 : i32
          %mul3A_176 = arith.muli %scan3A_96, %mul3A_175 : i32
          %get3A_177 = arith.constant 6 : i32
          %get3A_178 = arith.index_cast %get3A_177 : i32 to index
          %get3A_179 = arith.index_cast %mul3A_176 : i32 to index
          %get3A_180 = tpu.vector_load %arg4[%get3A_178, %get3A_179] {strides = array<i32>} : memref<16x1024xf32, #tpu.memory_space<vmem>>, vector<16xf32>,
          tpu.vector_store_idx %arg6[%add3A_174], %get3A_180 : memref<16384xf32, #tpu.memory_space<vmem>>[vector<16xi32>], vector<16xf32>,
          %mul3A_181 = arith.constant 256 : i32
          %mul3A_182 = arith.muli %scan3A_96, %mul3A_181 : i32
          %add3A_183 = arith.constant 7 : i32
          %add3A_184 = arith.addi %mul3A_182, %add3A_183 : i32
          %add3A_185 = vector.broadcast %add3A_184 : i32 to vector<16xi32>
          %add3A_186 = arith.addi %get3A_5, %add3A_185 : vector<16xi32>
          %mul3A_187 = arith.constant 16 : i32
          %mul3A_188 = arith.muli %scan3A_96, %mul3A_187 : i32
          %get3A_189 = arith.constant 7 : i32
          %get3A_190 = arith.index_cast %get3A_189 : i32 to index
          %get3A_191 = arith.index_cast %mul3A_188 : i32 to index
          %get3A_192 = tpu.vector_load %arg4[%get3A_190, %get3A_191] {strides = array<i32>} : memref<16x1024xf32, #tpu.memory_space<vmem>>, vector<16xf32>,
          tpu.vector_store_idx %arg6[%add3A_186], %get3A_192 : memref<16384xf32, #tpu.memory_space<vmem>>[vector<16xi32>], vector<16xf32>,
          %mul3A_193 = arith.constant 256 : i32
          %mul3A_194 = arith.muli %scan3A_96, %mul3A_193 : i32
          %add3A_195 = arith.constant 8 : i32
          %add3A_196 = arith.addi %mul3A_194, %add3A_195 : i32
          %add3A_197 = vector.broadcast %add3A_196 : i32 to vector<16xi32>
          %add3A_198 = arith.addi %get3A_5, %add3A_197 : vector<16xi32>
          %mul3A_199 = arith.constant 16 : i32
          %mul3A_200 = arith.muli %scan3A_96, %mul3A_199 : i32
          %get3A_201 = arith.constant 8 : i32
          %get3A_202 = arith.index_cast %get3A_201 : i32 to index
          %get3A_203 = arith.index_cast %mul3A_200 : i32 to index
          %get3A_204 = tpu.vector_load %arg4[%get3A_202, %get3A_203] {strides = array<i32>} : memref<16x1024xf32, #tpu.memory_space<vmem>>, vector<16xf32>,
          tpu.vector_store_idx %arg6[%add3A_198], %get3A_204 : memref<16384xf32, #tpu.memory_space<vmem>>[vector<16xi32>], vector<16xf32>,
          %mul3A_205 = arith.constant 256 : i32
          %mul3A_206 = arith.muli %scan3A_96, %mul3A_205 : i32
          %add3A_207 = arith.constant 9 : i32
          %add3A_208 = arith.addi %mul3A_206, %add3A_207 : i32
          %add3A_209 = vector.broadcast %add3A_208 : i32 to vector<16xi32>
          %add3A_210 = arith.addi %get3A_5, %add3A_209 : vector<16xi32>
          %mul3A_211 = arith.constant 16 : i32
          %mul3A_212 = arith.muli %scan3A_96, %mul3A_211 : i32
          %get3A_213 = arith.constant 9 : i32
          %get3A_214 = arith.index_cast %get3A_213 : i32 to index
          %get3A_215 = arith.index_cast %mul3A_212 : i32 to index
          %get3A_216 = tpu.vector_load %arg4[%get3A_214, %get3A_215] {strides = array<i32>} : memref<16x1024xf32, #tpu.memory_space<vmem>>, vector<16xf32>,
          tpu.vector_store_idx %arg6[%add3A_210], %get3A_216 : memref<16384xf32, #tpu.memory_space<vmem>>[vector<16xi32>], vector<16xf32>,
          %mul3A_217 = arith.constant 256 : i32
          %mul3A_218 = arith.muli %scan3A_96, %mul3A_217 : i32
          %add3A_219 = arith.constant 10 : i32
          %add3A_220 = arith.addi %mul3A_218, %add3A_219 : i32
          %add3A_221 = vector.broadcast %add3A_220 : i32 to vector<16xi32>
          %add3A_222 = arith.addi %get3A_5, %add3A_221 : vector<16xi32>
          %mul3A_223 = arith.constant 16 : i32
          %mul3A_224 = arith.muli %scan3A_96, %mul3A_223 : i32
          %get3A_225 = arith.constant 10 : i32
          %get3A_226 = arith.index_cast %get3A_225 : i32 to index
          %get3A_227 = arith.index_cast %mul3A_224 : i32 to index
          %get3A_228 = tpu.vector_load %arg4[%get3A_226, %get3A_227] {strides = array<i32>} : memref<16x1024xf32, #tpu.memory_space<vmem>>, vector<16xf32>,
          tpu.vector_store_idx %arg6[%add3A_222], %get3A_228 : memref<16384xf32, #tpu.memory_space<vmem>>[vector<16xi32>], vector<16xf32>,
          %mul3A_229 = arith.constant 256 : i32
          %mul3A_230 = arith.muli %scan3A_96, %mul3A_229 : i32
          %add3A_231 = arith.constant 11 : i32
          %add3A_232 = arith.addi %mul3A_230, %add3A_231 : i32
          %add3A_233 = vector.broadcast %add3A_232 : i32 to vector<16xi32>
          %add3A_234 = arith.addi %get3A_5, %add3A_233 : vector<16xi32>
          %mul3A_235 = arith.constant 16 : i32
          %mul3A_236 = arith.muli %scan3A_96, %mul3A_235 : i32
          %get3A_237 = arith.constant 11 : i32
          %get3A_238 = arith.index_cast %get3A_237 : i32 to index
          %get3A_239 = arith.index_cast %mul3A_236 : i32 to index
          %get3A_240 = tpu.vector_load %arg4[%get3A_238, %get3A_239] {strides = array<i32>} : memref<16x1024xf32, #tpu.memory_space<vmem>>, vector<16xf32>,
          tpu.vector_store_idx %arg6[%add3A_234], %get3A_240 : memref<16384xf32, #tpu.memory_space<vmem>>[vector<16xi32>], vector<16xf32>,
          %mul3A_241 = arith.constant 256 : i32
          %mul3A_242 = arith.muli %scan3A_96, %mul3A_241 : i32
          %add3A_243 = arith.constant 12 : i32
          %add3A_244 = arith.addi %mul3A_242, %add3A_243 : i32
          %add3A_245 = vector.broadcast %add3A_244 : i32 to vector<16xi32>
          %add3A_246 = arith.addi %get3A_5, %add3A_245 : vector<16xi32>
          %mul3A_247 = arith.constant 16 : i32
          %mul3A_248 = arith.muli %scan3A_96, %mul3A_247 : i32
          %get3A_249 = arith.constant 12 : i32
          %get3A_250 = arith.index_cast %get3A_249 : i32 to index
          %get3A_251 = arith.index_cast %mul3A_248 : i32 to index
          %get3A_252 = tpu.vector_load %arg4[%get3A_250, %get3A_251] {strides = array<i32>} : memref<16x1024xf32, #tpu.memory_space<vmem>>, vector<16xf32>,
          tpu.vector_store_idx %arg6[%add3A_246], %get3A_252 : memref<16384xf32, #tpu.memory_space<vmem>>[vector<16xi32>], vector<16xf32>,
          %mul3A_253 = arith.constant 256 : i32
          %mul3A_254 = arith.muli %scan3A_96, %mul3A_253 : i32
          %add3A_255 = arith.constant 13 : i32
          %add3A_256 = arith.addi %mul3A_254, %add3A_255 : i32
          %add3A_257 = vector.broadcast %add3A_256 : i32 to vector<16xi32>
          %add3A_258 = arith.addi %get3A_5, %add3A_257 : vector<16xi32>
          %mul3A_259 = arith.constant 16 : i32
          %mul3A_260 = arith.muli %scan3A_96, %mul3A_259 : i32
          %get3A_261 = arith.constant 13 : i32
          %get3A_262 = arith.index_cast %get3A_261 : i32 to index
          %get3A_263 = arith.index_cast %mul3A_260 : i32 to index
          %get3A_264 = tpu.vector_load %arg4[%get3A_262, %get3A_263] {strides = array<i32>} : memref<16x1024xf32, #tpu.memory_space<vmem>>, vector<16xf32>,
          tpu.vector_store_idx %arg6[%add3A_258], %get3A_264 : memref<16384xf32, #tpu.memory_space<vmem>>[vector<16xi32>], vector<16xf32>,
          %mul3A_265 = arith.constant 256 : i32
          %mul3A_266 = arith.muli %scan3A_96, %mul3A_265 : i32
          %add3A_267 = arith.constant 14 : i32
          %add3A_268 = arith.addi %mul3A_266, %add3A_267 : i32
          %add3A_269 = vector.broadcast %add3A_268 : i32 to vector<16xi32>
          %add3A_270 = arith.addi %get3A_5, %add3A_269 : vector<16xi32>
          %mul3A_271 = arith.constant 16 : i32
          %mul3A_272 = arith.muli %scan3A_96, %mul3A_271 : i32
          %get3A_273 = arith.constant 14 : i32
          %get3A_274 = arith.index_cast %get3A_273 : i32 to index
          %get3A_275 = arith.index_cast %mul3A_272 : i32 to index
          %get3A_276 = tpu.vector_load %arg4[%get3A_274, %get3A_275] {strides = array<i32>} : memref<16x1024xf32, #tpu.memory_space<vmem>>, vector<16xf32>,
          tpu.vector_store_idx %arg6[%add3A_270], %get3A_276 : memref<16384xf32, #tpu.memory_space<vmem>>[vector<16xi32>], vector<16xf32>,
          %mul3A_277 = arith.constant 256 : i32
          %mul3A_278 = arith.muli %scan3A_96, %mul3A_277 : i32
          %add3A_279 = arith.constant 15 : i32
          %add3A_280 = arith.addi %mul3A_278, %add3A_279 : i32
          %add3A_281 = vector.broadcast %add3A_280 : i32 to vector<16xi32>
          %add3A_282 = arith.addi %get3A_5, %add3A_281 : vector<16xi32>
          %mul3A_283 = arith.constant 16 : i32
          %mul3A_284 = arith.muli %scan3A_96, %mul3A_283 : i32
          %get3A_285 = arith.constant 15 : i32
          %get3A_286 = arith.index_cast %get3A_285 : i32 to index
          %get3A_287 = arith.index_cast %mul3A_284 : i32 to index
          %get3A_288 = tpu.vector_load %arg4[%get3A_286, %get3A_287] {strides = array<i32>} : memref<16x1024xf32, #tpu.memory_space<vmem>>, vector<16xf32>,
          tpu.vector_store_idx %arg6[%add3A_282], %get3A_288 : memref<16384xf32, #tpu.memory_space<vmem>>[vector<16xi32>], vector<16xf32>,
        }
        %scan3A_80 = arith.constant 64 : i32
        %mul3A_81 = arith.constant 32 : i32
        %mul3A_82 = arith.muli %mul3A_81, %add3A_49 : i32
        %add3A_83 = arith.addi %add3A, %mul3A_82 : i32
        %mul3A_84 = arith.constant 1024 : i32
        %mul3A_85 = arith.muli %add3A_83, %mul3A_84 : i32
        %mul3A_86 = arith.constant 16 : i32
        %mul3A_87 = arith.muli %mul3A_85, %mul3A_86 : i32
        %dma_start3A_88 = tpu.memref_slice %arg3[%mul3A_87] : memref<41600016xf32, #tpu.memory_space<hbm>> -> memref<16384xf32, #tpu.memory_space<hbm>>
        %dma_start3A_89 = tpu.memref_slice %arg3[%mul3A_87] : memref<41600016xf32, #tpu.memory_space<hbm>> -> memref<16384xf32, #tpu.memory_space<hbm>>
        tpu.enqueue_dma source(%arg6 : memref<16384xf32, #tpu.memory_space<vmem>>) target(%dma_start3A_89 : memref<16384xf32, #tpu.memory_space<hbm>>) target_semaphore(%arg12 : memref<!tpu.dma_semaphore, #tpu.memory_space<semaphore_mem>>)
        %add3A_90 = arith.constant 2 : i32
        %add3A_91 = arith.addi %add3A_49, %add3A_90 : i32
        %lt3A_92 = arith.cmpi slt, %add3A_91, %select_n3A : i32
        %convert_element_type3A_93 = arith.extui %lt3A_92 : i1 to i32
        %cond3A_94 = arith.constant 0 : i32
        %cond3A_95 = arith.cmpi ne, %convert_element_type3A_93, %cond3A_94 : i32
        scf.if %cond3A_95 {
          %add3A_96 = arith.constant 2 : i32
          %add3A_97 = arith.addi %add3A_49, %add3A_96 : i32
          %mul3A_98 = arith.constant 32 : i32
          %mul3A_99 = arith.muli %mul3A_98, %add3A_97 : i32
          %add3A_100 = arith.addi %add3A, %mul3A_99 : i32
          %mul3A_101 = arith.constant 1024 : i32
          %mul3A_102 = arith.muli %add3A_100, %mul3A_101 : i32
          %dma_start3A_103 = arith.constant 0 : i32
          %dma_start3A_104 = tpu.memref_slice %arg2[%dma_start3A_103, %mul3A_102] : memref<16x2600001xf32, #tpu.memory_space<hbm>> -> memref<16x1024xf32, #tpu.memory_space<hbm>>
          %dma_start3A_105 = arith.constant 0 : i32
          %dma_start3A_106 = tpu.memref_slice %arg2[%dma_start3A_105, %mul3A_102] : memref<16x2600001xf32, #tpu.memory_space<hbm>> -> memref<16x1024xf32, #tpu.memory_space<hbm>>
          tpu.enqueue_dma source(%dma_start3A_106 : memref<16x1024xf32, #tpu.memory_space<hbm>>) target(%arg4 : memref<16x1024xf32, #tpu.memory_space<vmem>>) target_semaphore(%arg10 : memref<!tpu.dma_semaphore, #tpu.memory_space<semaphore_mem>>)
        } else {
        }
      } else {
      }
      %mul3A_54 = arith.constant 2 : i32
      %mul3A_55 = arith.muli %scan3A_45, %mul3A_54 : i32
      %add3A_56 = arith.constant 1 : i32
      %add3A_57 = arith.addi %mul3A_55, %add3A_56 : i32
      %lt3A_58 = arith.cmpi slt, %add3A_57, %select_n3A : i32
      %convert_element_type3A_59 = arith.extui %lt3A_58 : i1 to i32
      %cond3A_60 = arith.constant 0 : i32
      %cond3A_61 = arith.cmpi ne, %convert_element_type3A_59, %cond3A_60 : i32
      scf.if %cond3A_61 {
        %mul3A_62 = arith.constant 32 : i32
        %mul3A_63 = arith.muli %mul3A_62, %add3A_57 : i32
        %add3A_64 = arith.addi %add3A, %mul3A_63 : i32
        %mul3A_65 = arith.constant 1024 : i32
        %mul3A_66 = arith.muli %add3A_64, %mul3A_65 : i32
        %dma_wait3A_67 = arith.constant 0 : i32
        %dma_wait3A_68 = tpu.memref_slice %arg2[%dma_wait3A_67, %mul3A_66] : memref<16x2600001xf32, #tpu.memory_space<hbm>> -> memref<16x1024xf32, #tpu.memory_space<hbm>>
        %dma_wait3A_69 = arith.constant 0 : i32
        %dma_wait3A_70 = tpu.memref_slice %arg2[%dma_wait3A_69, %mul3A_66] : memref<16x2600001xf32, #tpu.memory_space<hbm>> -> memref<16x1024xf32, #tpu.memory_space<hbm>>
        tpu.wait_dma2 semaphore(%arg11 : memref<!tpu.dma_semaphore, #tpu.memory_space<semaphore_mem>>) src(%dma_wait3A_70 : memref<16x1024xf32, #tpu.memory_space<hbm>>) dst(%arg5 : memref<16x1024xf32, #tpu.memory_space<vmem>>)
        %ge3A = arith.constant 2 : i32
        %ge3A_71 = arith.cmpi sge, %add3A_57, %ge3A : i32
        %convert_element_type3A_72 = arith.extui %ge3A_71 : i1 to i32
        %cond3A_73 = arith.constant 0 : i32
        %cond3A_74 = arith.cmpi ne, %convert_element_type3A_72, %cond3A_73 : i32
        scf.if %cond3A_74 {
          %sub3A = arith.constant 2 : i32
          %sub3A_96 = arith.subi %add3A_57, %sub3A : i32
          %mul3A_97 = arith.constant 32 : i32
          %mul3A_98 = arith.muli %mul3A_97, %sub3A_96 : i32
          %add3A_99 = arith.addi %add3A, %mul3A_98 : i32
          %mul3A_100 = arith.constant 1024 : i32
          %mul3A_101 = arith.muli %add3A_99, %mul3A_100 : i32
          %mul3A_102 = arith.constant 16 : i32
          %mul3A_103 = arith.muli %mul3A_101, %mul3A_102 : i32
          %dma_wait3A_104 = tpu.memref_slice %arg3[%mul3A_103] : memref<41600016xf32, #tpu.memory_space<hbm>> -> memref<16384xf32, #tpu.memory_space<hbm>>
          %dma_wait3A_105 = tpu.memref_slice %arg3[%mul3A_103] : memref<41600016xf32, #tpu.memory_space<hbm>> -> memref<16384xf32, #tpu.memory_space<hbm>>
          tpu.wait_dma2 semaphore(%arg13 : memref<!tpu.dma_semaphore, #tpu.memory_space<semaphore_mem>>) src(%arg7 : memref<16384xf32, #tpu.memory_space<vmem>>) dst(%dma_wait3A_105 : memref<16384xf32, #tpu.memory_space<hbm>>)
        } else {
        }
        %scan3A_75 = arith.constant 0 : i32
        %scan3A_76 = arith.constant 0 : i32
        %scan3A_77 = arith.constant 64 : i32
        %scan3A_78 = arith.addi %scan3A_76, %scan3A_77 : i32
        %scan3A_79 = arith.constant 1 : i32
        scf.for %scan3A_96 = %scan3A_76 to %scan3A_78 step %scan3A_79  : i32 {
          %mul3A_97 = arith.constant 256 : i32
          %mul3A_98 = arith.muli %scan3A_96, %mul3A_97 : i32
          %add3A_99 = arith.constant 0 : i32
          %add3A_100 = arith.addi %mul3A_98, %add3A_99 : i32
          %add3A_101 = vector.broadcast %add3A_100 : i32 to vector<16xi32>
          %add3A_102 = arith.addi %get3A_5, %add3A_101 : vector<16xi32>
          %mul3A_103 = arith.constant 16 : i32
          %mul3A_104 = arith.muli %scan3A_96, %mul3A_103 : i32
          %get3A_105 = arith.constant 0 : i32
          %get3A_106 = arith.index_cast %get3A_105 : i32 to index
          %get3A_107 = arith.index_cast %mul3A_104 : i32 to index
          %get3A_108 = tpu.vector_load %arg5[%get3A_106, %get3A_107] {strides = array<i32>} : memref<16x1024xf32, #tpu.memory_space<vmem>>, vector<16xf32>,
          tpu.vector_store_idx %arg7[%add3A_102], %get3A_108 : memref<16384xf32, #tpu.memory_space<vmem>>[vector<16xi32>], vector<16xf32>,
          %mul3A_109 = arith.constant 256 : i32
          %mul3A_110 = arith.muli %scan3A_96, %mul3A_109 : i32
          %add3A_111 = arith.constant 1 : i32
          %add3A_112 = arith.addi %mul3A_110, %add3A_111 : i32
          %add3A_113 = vector.broadcast %add3A_112 : i32 to vector<16xi32>
          %add3A_114 = arith.addi %get3A_5, %add3A_113 : vector<16xi32>
          %mul3A_115 = arith.constant 16 : i32
          %mul3A_116 = arith.muli %scan3A_96, %mul3A_115 : i32
          %get3A_117 = arith.constant 1 : i32
          %get3A_118 = arith.index_cast %get3A_117 : i32 to index
          %get3A_119 = arith.index_cast %mul3A_116 : i32 to index
          %get3A_120 = tpu.vector_load %arg5[%get3A_118, %get3A_119] {strides = array<i32>} : memref<16x1024xf32, #tpu.memory_space<vmem>>, vector<16xf32>,
          tpu.vector_store_idx %arg7[%add3A_114], %get3A_120 : memref<16384xf32, #tpu.memory_space<vmem>>[vector<16xi32>], vector<16xf32>,
          %mul3A_121 = arith.constant 256 : i32
          %mul3A_122 = arith.muli %scan3A_96, %mul3A_121 : i32
          %add3A_123 = arith.constant 2 : i32
          %add3A_124 = arith.addi %mul3A_122, %add3A_123 : i32
          %add3A_125 = vector.broadcast %add3A_124 : i32 to vector<16xi32>
          %add3A_126 = arith.addi %get3A_5, %add3A_125 : vector<16xi32>
          %mul3A_127 = arith.constant 16 : i32
          %mul3A_128 = arith.muli %scan3A_96, %mul3A_127 : i32
          %get3A_129 = arith.constant 2 : i32
          %get3A_130 = arith.index_cast %get3A_129 : i32 to index
          %get3A_131 = arith.index_cast %mul3A_128 : i32 to index
          %get3A_132 = tpu.vector_load %arg5[%get3A_130, %get3A_131] {strides = array<i32>} : memref<16x1024xf32, #tpu.memory_space<vmem>>, vector<16xf32>,
          tpu.vector_store_idx %arg7[%add3A_126], %get3A_132 : memref<16384xf32, #tpu.memory_space<vmem>>[vector<16xi32>], vector<16xf32>,
          %mul3A_133 = arith.constant 256 : i32
          %mul3A_134 = arith.muli %scan3A_96, %mul3A_133 : i32
          %add3A_135 = arith.constant 3 : i32
          %add3A_136 = arith.addi %mul3A_134, %add3A_135 : i32
          %add3A_137 = vector.broadcast %add3A_136 : i32 to vector<16xi32>
          %add3A_138 = arith.addi %get3A_5, %add3A_137 : vector<16xi32>
          %mul3A_139 = arith.constant 16 : i32
          %mul3A_140 = arith.muli %scan3A_96, %mul3A_139 : i32
          %get3A_141 = arith.constant 3 : i32
          %get3A_142 = arith.index_cast %get3A_141 : i32 to index
          %get3A_143 = arith.index_cast %mul3A_140 : i32 to index
          %get3A_144 = tpu.vector_load %arg5[%get3A_142, %get3A_143] {strides = array<i32>} : memref<16x1024xf32, #tpu.memory_space<vmem>>, vector<16xf32>,
          tpu.vector_store_idx %arg7[%add3A_138], %get3A_144 : memref<16384xf32, #tpu.memory_space<vmem>>[vector<16xi32>], vector<16xf32>,
          %mul3A_145 = arith.constant 256 : i32
          %mul3A_146 = arith.muli %scan3A_96, %mul3A_145 : i32
          %add3A_147 = arith.constant 4 : i32
          %add3A_148 = arith.addi %mul3A_146, %add3A_147 : i32
          %add3A_149 = vector.broadcast %add3A_148 : i32 to vector<16xi32>
          %add3A_150 = arith.addi %get3A_5, %add3A_149 : vector<16xi32>
          %mul3A_151 = arith.constant 16 : i32
          %mul3A_152 = arith.muli %scan3A_96, %mul3A_151 : i32
          %get3A_153 = arith.constant 4 : i32
          %get3A_154 = arith.index_cast %get3A_153 : i32 to index
          %get3A_155 = arith.index_cast %mul3A_152 : i32 to index
          %get3A_156 = tpu.vector_load %arg5[%get3A_154, %get3A_155] {strides = array<i32>} : memref<16x1024xf32, #tpu.memory_space<vmem>>, vector<16xf32>,
          tpu.vector_store_idx %arg7[%add3A_150], %get3A_156 : memref<16384xf32, #tpu.memory_space<vmem>>[vector<16xi32>], vector<16xf32>,
          %mul3A_157 = arith.constant 256 : i32
          %mul3A_158 = arith.muli %scan3A_96, %mul3A_157 : i32
          %add3A_159 = arith.constant 5 : i32
          %add3A_160 = arith.addi %mul3A_158, %add3A_159 : i32
          %add3A_161 = vector.broadcast %add3A_160 : i32 to vector<16xi32>
          %add3A_162 = arith.addi %get3A_5, %add3A_161 : vector<16xi32>
          %mul3A_163 = arith.constant 16 : i32
          %mul3A_164 = arith.muli %scan3A_96, %mul3A_163 : i32
          %get3A_165 = arith.constant 5 : i32
          %get3A_166 = arith.index_cast %get3A_165 : i32 to index
          %get3A_167 = arith.index_cast %mul3A_164 : i32 to index
          %get3A_168 = tpu.vector_load %arg5[%get3A_166, %get3A_167] {strides = array<i32>} : memref<16x1024xf32, #tpu.memory_space<vmem>>, vector<16xf32>,
          tpu.vector_store_idx %arg7[%add3A_162], %get3A_168 : memref<16384xf32, #tpu.memory_space<vmem>>[vector<16xi32>], vector<16xf32>,
          %mul3A_169 = arith.constant 256 : i32
          %mul3A_170 = arith.muli %scan3A_96, %mul3A_169 : i32
          %add3A_171 = arith.constant 6 : i32
          %add3A_172 = arith.addi %mul3A_170, %add3A_171 : i32
          %add3A_173 = vector.broadcast %add3A_172 : i32 to vector<16xi32>
          %add3A_174 = arith.addi %get3A_5, %add3A_173 : vector<16xi32>
          %mul3A_175 = arith.constant 16 : i32
          %mul3A_176 = arith.muli %scan3A_96, %mul3A_175 : i32
          %get3A_177 = arith.constant 6 : i32
          %get3A_178 = arith.index_cast %get3A_177 : i32 to index
          %get3A_179 = arith.index_cast %mul3A_176 : i32 to index
          %get3A_180 = tpu.vector_load %arg5[%get3A_178, %get3A_179] {strides = array<i32>} : memref<16x1024xf32, #tpu.memory_space<vmem>>, vector<16xf32>,
          tpu.vector_store_idx %arg7[%add3A_174], %get3A_180 : memref<16384xf32, #tpu.memory_space<vmem>>[vector<16xi32>], vector<16xf32>,
          %mul3A_181 = arith.constant 256 : i32
          %mul3A_182 = arith.muli %scan3A_96, %mul3A_181 : i32
          %add3A_183 = arith.constant 7 : i32
          %add3A_184 = arith.addi %mul3A_182, %add3A_183 : i32
          %add3A_185 = vector.broadcast %add3A_184 : i32 to vector<16xi32>
          %add3A_186 = arith.addi %get3A_5, %add3A_185 : vector<16xi32>
          %mul3A_187 = arith.constant 16 : i32
          %mul3A_188 = arith.muli %scan3A_96, %mul3A_187 : i32
          %get3A_189 = arith.constant 7 : i32
          %get3A_190 = arith.index_cast %get3A_189 : i32 to index
          %get3A_191 = arith.index_cast %mul3A_188 : i32 to index
          %get3A_192 = tpu.vector_load %arg5[%get3A_190, %get3A_191] {strides = array<i32>} : memref<16x1024xf32, #tpu.memory_space<vmem>>, vector<16xf32>,
          tpu.vector_store_idx %arg7[%add3A_186], %get3A_192 : memref<16384xf32, #tpu.memory_space<vmem>>[vector<16xi32>], vector<16xf32>,
          %mul3A_193 = arith.constant 256 : i32
          %mul3A_194 = arith.muli %scan3A_96, %mul3A_193 : i32
          %add3A_195 = arith.constant 8 : i32
          %add3A_196 = arith.addi %mul3A_194, %add3A_195 : i32
          %add3A_197 = vector.broadcast %add3A_196 : i32 to vector<16xi32>
          %add3A_198 = arith.addi %get3A_5, %add3A_197 : vector<16xi32>
          %mul3A_199 = arith.constant 16 : i32
          %mul3A_200 = arith.muli %scan3A_96, %mul3A_199 : i32
          %get3A_201 = arith.constant 8 : i32
          %get3A_202 = arith.index_cast %get3A_201 : i32 to index
          %get3A_203 = arith.index_cast %mul3A_200 : i32 to index
          %get3A_204 = tpu.vector_load %arg5[%get3A_202, %get3A_203] {strides = array<i32>} : memref<16x1024xf32, #tpu.memory_space<vmem>>, vector<16xf32>,
          tpu.vector_store_idx %arg7[%add3A_198], %get3A_204 : memref<16384xf32, #tpu.memory_space<vmem>>[vector<16xi32>], vector<16xf32>,
          %mul3A_205 = arith.constant 256 : i32
          %mul3A_206 = arith.muli %scan3A_96, %mul3A_205 : i32
          %add3A_207 = arith.constant 9 : i32
          %add3A_208 = arith.addi %mul3A_206, %add3A_207 : i32
          %add3A_209 = vector.broadcast %add3A_208 : i32 to vector<16xi32>
          %add3A_210 = arith.addi %get3A_5, %add3A_209 : vector<16xi32>
          %mul3A_211 = arith.constant 16 : i32
          %mul3A_212 = arith.muli %scan3A_96, %mul3A_211 : i32
          %get3A_213 = arith.constant 9 : i32
          %get3A_214 = arith.index_cast %get3A_213 : i32 to index
          %get3A_215 = arith.index_cast %mul3A_212 : i32 to index
          %get3A_216 = tpu.vector_load %arg5[%get3A_214, %get3A_215] {strides = array<i32>} : memref<16x1024xf32, #tpu.memory_space<vmem>>, vector<16xf32>,
          tpu.vector_store_idx %arg7[%add3A_210], %get3A_216 : memref<16384xf32, #tpu.memory_space<vmem>>[vector<16xi32>], vector<16xf32>,
          %mul3A_217 = arith.constant 256 : i32
          %mul3A_218 = arith.muli %scan3A_96, %mul3A_217 : i32
          %add3A_219 = arith.constant 10 : i32
          %add3A_220 = arith.addi %mul3A_218, %add3A_219 : i32
          %add3A_221 = vector.broadcast %add3A_220 : i32 to vector<16xi32>
          %add3A_222 = arith.addi %get3A_5, %add3A_221 : vector<16xi32>
          %mul3A_223 = arith.constant 16 : i32
          %mul3A_224 = arith.muli %scan3A_96, %mul3A_223 : i32
          %get3A_225 = arith.constant 10 : i32
          %get3A_226 = arith.index_cast %get3A_225 : i32 to index
          %get3A_227 = arith.index_cast %mul3A_224 : i32 to index
          %get3A_228 = tpu.vector_load %arg5[%get3A_226, %get3A_227] {strides = array<i32>} : memref<16x1024xf32, #tpu.memory_space<vmem>>, vector<16xf32>,
          tpu.vector_store_idx %arg7[%add3A_222], %get3A_228 : memref<16384xf32, #tpu.memory_space<vmem>>[vector<16xi32>], vector<16xf32>,
          %mul3A_229 = arith.constant 256 : i32
          %mul3A_230 = arith.muli %scan3A_96, %mul3A_229 : i32
          %add3A_231 = arith.constant 11 : i32
          %add3A_232 = arith.addi %mul3A_230, %add3A_231 : i32
          %add3A_233 = vector.broadcast %add3A_232 : i32 to vector<16xi32>
          %add3A_234 = arith.addi %get3A_5, %add3A_233 : vector<16xi32>
          %mul3A_235 = arith.constant 16 : i32
          %mul3A_236 = arith.muli %scan3A_96, %mul3A_235 : i32
          %get3A_237 = arith.constant 11 : i32
          %get3A_238 = arith.index_cast %get3A_237 : i32 to index
          %get3A_239 = arith.index_cast %mul3A_236 : i32 to index
          %get3A_240 = tpu.vector_load %arg5[%get3A_238, %get3A_239] {strides = array<i32>} : memref<16x1024xf32, #tpu.memory_space<vmem>>, vector<16xf32>,
          tpu.vector_store_idx %arg7[%add3A_234], %get3A_240 : memref<16384xf32, #tpu.memory_space<vmem>>[vector<16xi32>], vector<16xf32>,
          %mul3A_241 = arith.constant 256 : i32
          %mul3A_242 = arith.muli %scan3A_96, %mul3A_241 : i32
          %add3A_243 = arith.constant 12 : i32
          %add3A_244 = arith.addi %mul3A_242, %add3A_243 : i32
          %add3A_245 = vector.broadcast %add3A_244 : i32 to vector<16xi32>
          %add3A_246 = arith.addi %get3A_5, %add3A_245 : vector<16xi32>
          %mul3A_247 = arith.constant 16 : i32
          %mul3A_248 = arith.muli %scan3A_96, %mul3A_247 : i32
          %get3A_249 = arith.constant 12 : i32
          %get3A_250 = arith.index_cast %get3A_249 : i32 to index
          %get3A_251 = arith.index_cast %mul3A_248 : i32 to index
          %get3A_252 = tpu.vector_load %arg5[%get3A_250, %get3A_251] {strides = array<i32>} : memref<16x1024xf32, #tpu.memory_space<vmem>>, vector<16xf32>,
          tpu.vector_store_idx %arg7[%add3A_246], %get3A_252 : memref<16384xf32, #tpu.memory_space<vmem>>[vector<16xi32>], vector<16xf32>,
          %mul3A_253 = arith.constant 256 : i32
          %mul3A_254 = arith.muli %scan3A_96, %mul3A_253 : i32
          %add3A_255 = arith.constant 13 : i32
          %add3A_256 = arith.addi %mul3A_254, %add3A_255 : i32
          %add3A_257 = vector.broadcast %add3A_256 : i32 to vector<16xi32>
          %add3A_258 = arith.addi %get3A_5, %add3A_257 : vector<16xi32>
          %mul3A_259 = arith.constant 16 : i32
          %mul3A_260 = arith.muli %scan3A_96, %mul3A_259 : i32
          %get3A_261 = arith.constant 13 : i32
          %get3A_262 = arith.index_cast %get3A_261 : i32 to index
          %get3A_263 = arith.index_cast %mul3A_260 : i32 to index
          %get3A_264 = tpu.vector_load %arg5[%get3A_262, %get3A_263] {strides = array<i32>} : memref<16x1024xf32, #tpu.memory_space<vmem>>, vector<16xf32>,
          tpu.vector_store_idx %arg7[%add3A_258], %get3A_264 : memref<16384xf32, #tpu.memory_space<vmem>>[vector<16xi32>], vector<16xf32>,
          %mul3A_265 = arith.constant 256 : i32
          %mul3A_266 = arith.muli %scan3A_96, %mul3A_265 : i32
          %add3A_267 = arith.constant 14 : i32
          %add3A_268 = arith.addi %mul3A_266, %add3A_267 : i32
          %add3A_269 = vector.broadcast %add3A_268 : i32 to vector<16xi32>
          %add3A_270 = arith.addi %get3A_5, %add3A_269 : vector<16xi32>
          %mul3A_271 = arith.constant 16 : i32
          %mul3A_272 = arith.muli %scan3A_96, %mul3A_271 : i32
          %get3A_273 = arith.constant 14 : i32
          %get3A_274 = arith.index_cast %get3A_273 : i32 to index
          %get3A_275 = arith.index_cast %mul3A_272 : i32 to index
          %get3A_276 = tpu.vector_load %arg5[%get3A_274, %get3A_275] {strides = array<i32>} : memref<16x1024xf32, #tpu.memory_space<vmem>>, vector<16xf32>,
          tpu.vector_store_idx %arg7[%add3A_270], %get3A_276 : memref<16384xf32, #tpu.memory_space<vmem>>[vector<16xi32>], vector<16xf32>,
          %mul3A_277 = arith.constant 256 : i32
          %mul3A_278 = arith.muli %scan3A_96, %mul3A_277 : i32
          %add3A_279 = arith.constant 15 : i32
          %add3A_280 = arith.addi %mul3A_278, %add3A_279 : i32
          %add3A_281 = vector.broadcast %add3A_280 : i32 to vector<16xi32>
          %add3A_282 = arith.addi %get3A_5, %add3A_281 : vector<16xi32>
          %mul3A_283 = arith.constant 16 : i32
          %mul3A_284 = arith.muli %scan3A_96, %mul3A_283 : i32
          %get3A_285 = arith.constant 15 : i32
          %get3A_286 = arith.index_cast %get3A_285 : i32 to index
          %get3A_287 = arith.index_cast %mul3A_284 : i32 to index
          %get3A_288 = tpu.vector_load %arg5[%get3A_286, %get3A_287] {strides = array<i32>} : memref<16x1024xf32, #tpu.memory_space<vmem>>, vector<16xf32>,
          tpu.vector_store_idx %arg7[%add3A_282], %get3A_288 : memref<16384xf32, #tpu.memory_space<vmem>>[vector<16xi32>], vector<16xf32>,
        }
        %scan3A_80 = arith.constant 64 : i32
        %mul3A_81 = arith.constant 32 : i32
        %mul3A_82 = arith.muli %mul3A_81, %add3A_57 : i32
        %add3A_83 = arith.addi %add3A, %mul3A_82 : i32
        %mul3A_84 = arith.constant 1024 : i32
        %mul3A_85 = arith.muli %add3A_83, %mul3A_84 : i32
        %mul3A_86 = arith.constant 16 : i32
        %mul3A_87 = arith.muli %mul3A_85, %mul3A_86 : i32
        %dma_start3A_88 = tpu.memref_slice %arg3[%mul3A_87] : memref<41600016xf32, #tpu.memory_space<hbm>> -> memref<16384xf32, #tpu.memory_space<hbm>>
        %dma_start3A_89 = tpu.memref_slice %arg3[%mul3A_87] : memref<41600016xf32, #tpu.memory_space<hbm>> -> memref<16384xf32, #tpu.memory_space<hbm>>
        tpu.enqueue_dma source(%arg7 : memref<16384xf32, #tpu.memory_space<vmem>>) target(%dma_start3A_89 : memref<16384xf32, #tpu.memory_space<hbm>>) target_semaphore(%arg13 : memref<!tpu.dma_semaphore, #tpu.memory_space<semaphore_mem>>)
        %add3A_90 = arith.constant 2 : i32
        %add3A_91 = arith.addi %add3A_57, %add3A_90 : i32
        %lt3A_92 = arith.cmpi slt, %add3A_91, %select_n3A : i32
        %convert_element_type3A_93 = arith.extui %lt3A_92 : i1 to i32
        %cond3A_94 = arith.constant 0 : i32
        %cond3A_95 = arith.cmpi ne, %convert_element_type3A_93, %cond3A_94 : i32
        scf.if %cond3A_95 {
          %add3A_96 = arith.constant 2 : i32
          %add3A_97 = arith.addi %add3A_57, %add3A_96 : i32
          %mul3A_98 = arith.constant 32 : i32
          %mul3A_99 = arith.muli %mul3A_98, %add3A_97 : i32
          %add3A_100 = arith.addi %add3A, %mul3A_99 : i32
          %mul3A_101 = arith.constant 1024 : i32
          %mul3A_102 = arith.muli %add3A_100, %mul3A_101 : i32
          %dma_start3A_103 = arith.constant 0 : i32
          %dma_start3A_104 = tpu.memref_slice %arg2[%dma_start3A_103, %mul3A_102] : memref<16x2600001xf32, #tpu.memory_space<hbm>> -> memref<16x1024xf32, #tpu.memory_space<hbm>>
          %dma_start3A_105 = arith.constant 0 : i32
          %dma_start3A_106 = tpu.memref_slice %arg2[%dma_start3A_105, %mul3A_102] : memref<16x2600001xf32, #tpu.memory_space<hbm>> -> memref<16x1024xf32, #tpu.memory_space<hbm>>
          tpu.enqueue_dma source(%dma_start3A_106 : memref<16x1024xf32, #tpu.memory_space<hbm>>) target(%arg5 : memref<16x1024xf32, #tpu.memory_space<vmem>>) target_semaphore(%arg11 : memref<!tpu.dma_semaphore, #tpu.memory_space<semaphore_mem>>)
        } else {
        }
      } else {
      }
    }
    %scan3A_27 = arith.constant 40 : i32
    %add3A_28 = arith.constant 0 : i32
    %add3A_29 = arith.addi %add3A, %add3A_28 : i32
    %mul3A_30 = arith.constant 1024 : i32
    %mul3A_31 = arith.muli %add3A_29, %mul3A_30 : i32
    %mul3A_32 = arith.constant 16 : i32
    %mul3A_33 = arith.muli %mul3A_31, %mul3A_32 : i32
    %dma_wait3A = tpu.memref_slice %arg3[%mul3A_33] : memref<41600016xf32, #tpu.memory_space<hbm>> -> memref<16384xf32, #tpu.memory_space<hbm>>
    %dma_wait3A_34 = tpu.memref_slice %arg3[%mul3A_33] : memref<41600016xf32, #tpu.memory_space<hbm>> -> memref<16384xf32, #tpu.memory_space<hbm>>
    tpu.wait_dma2 semaphore(%arg12 : memref<!tpu.dma_semaphore, #tpu.memory_space<semaphore_mem>>) src(%arg6 : memref<16384xf32, #tpu.memory_space<vmem>>) dst(%dma_wait3A_34 : memref<16384xf32, #tpu.memory_space<hbm>>)
    %add3A_35 = arith.constant 32 : i32
    %add3A_36 = arith.addi %add3A, %add3A_35 : i32
    %mul3A_37 = arith.constant 1024 : i32
    %mul3A_38 = arith.muli %add3A_36, %mul3A_37 : i32
    %mul3A_39 = arith.constant 16 : i32
    %mul3A_40 = arith.muli %mul3A_38, %mul3A_39 : i32
    %dma_wait3A_41 = tpu.memref_slice %arg3[%mul3A_40] : memref<41600016xf32, #tpu.memory_space<hbm>> -> memref<16384xf32, #tpu.memory_space<hbm>>
    %dma_wait3A_42 = tpu.memref_slice %arg3[%mul3A_40] : memref<41600016xf32, #tpu.memory_space<hbm>> -> memref<16384xf32, #tpu.memory_space<hbm>>
    tpu.wait_dma2 semaphore(%arg13 : memref<!tpu.dma_semaphore, #tpu.memory_space<semaphore_mem>>) src(%arg7 : memref<16384xf32, #tpu.memory_space<vmem>>) dst(%dma_wait3A_42 : memref<16384xf32, #tpu.memory_space<hbm>>)
    %eq3A = arith.constant 31 : i32
    %eq3A_43 = arith.cmpi eq, %add3A, %eq3A : i32
    %convert_element_type3A = arith.extui %eq3A_43 : i1 to i32
    %cond3A = arith.constant 0 : i32
    %cond3A_44 = arith.cmpi ne, %convert_element_type3A, %cond3A : i32
    scf.if %cond3A_44 {
      "tpu.region"() ({
        %run_scoped3A = tpu.sem_alloc : memref<!tpu.dma_semaphore, #tpu.memory_space<semaphore_mem>>
        %dma_start3A_605 = arith.constant 0 : i32
        %dma_start3A_606 = arith.constant 2599936 : i32
        %dma_start3A_607 = tpu.memref_slice %arg2[%dma_start3A_605, %dma_start3A_606] : memref<16x2600001xf32, #tpu.memory_space<hbm>> -> memref<16x65xf32, #tpu.memory_space<hbm>>
        %dma_start3A_608 = arith.constant 0 : i32
        %dma_start3A_609 = arith.constant 2599936 : i32
        %dma_start3A_610 = tpu.memref_slice %arg2[%dma_start3A_608, %dma_start3A_609] : memref<16x2600001xf32, #tpu.memory_space<hbm>> -> memref<16x65xf32, #tpu.memory_space<hbm>>
        tpu.enqueue_dma source(%dma_start3A_610 : memref<16x65xf32, #tpu.memory_space<hbm>>) target(%arg8 : memref<16x65xf32, #tpu.memory_space<vmem>>) target_semaphore(%run_scoped3A : memref<!tpu.dma_semaphore, #tpu.memory_space<semaphore_mem>>)
        %dma_wait3A_611 = arith.constant 0 : i32
        %dma_wait3A_612 = arith.constant 2599936 : i32
        %dma_wait3A_613 = tpu.memref_slice %arg2[%dma_wait3A_611, %dma_wait3A_612] : memref<16x2600001xf32, #tpu.memory_space<hbm>> -> memref<16x65xf32, #tpu.memory_space<hbm>>
        %dma_wait3A_614 = arith.constant 0 : i32
        %dma_wait3A_615 = arith.constant 2599936 : i32
        %dma_wait3A_616 = tpu.memref_slice %arg2[%dma_wait3A_614, %dma_wait3A_615] : memref<16x2600001xf32, #tpu.memory_space<hbm>> -> memref<16x65xf32, #tpu.memory_space<hbm>>
        tpu.wait_dma2 semaphore(%run_scoped3A : memref<!tpu.dma_semaphore, #tpu.memory_space<semaphore_mem>>) src(%dma_wait3A_616 : memref<16x65xf32, #tpu.memory_space<hbm>>) dst(%arg8 : memref<16x65xf32, #tpu.memory_space<vmem>>)
        tpu.yield
      }) : () -> ()
      %add3A_45 = arith.constant 0 : i32
      %add3A_46 = vector.broadcast %add3A_45 : i32 to vector<16xi32>
      %add3A_47 = arith.addi %get3A_5, %add3A_46 : vector<16xi32>
      %get3A_48 = arith.constant 0 : i32
      %get3A_49 = arith.index_cast %get3A_48 : i32 to index
      %get3A_50 = arith.constant 0 : index
      %get3A_51 = tpu.vector_load %arg8[%get3A_49, %get3A_50] {strides = array<i32>} : memref<16x65xf32, #tpu.memory_space<vmem>>, vector<16xf32>,
      tpu.vector_store_idx %arg6[%add3A_47], %get3A_51 : memref<16384xf32, #tpu.memory_space<vmem>>[vector<16xi32>], vector<16xf32>,
      %add3A_52 = arith.constant 1 : i32
      %add3A_53 = vector.broadcast %add3A_52 : i32 to vector<16xi32>
      %add3A_54 = arith.addi %get3A_5, %add3A_53 : vector<16xi32>
      %get3A_55 = arith.constant 1 : i32
      %get3A_56 = arith.index_cast %get3A_55 : i32 to index
      %get3A_57 = arith.constant 0 : index
      %get3A_58 = tpu.vector_load %arg8[%get3A_56, %get3A_57] {strides = array<i32>} : memref<16x65xf32, #tpu.memory_space<vmem>>, vector<16xf32>,
      tpu.vector_store_idx %arg6[%add3A_54], %get3A_58 : memref<16384xf32, #tpu.memory_space<vmem>>[vector<16xi32>], vector<16xf32>,
      %add3A_59 = arith.constant 2 : i32
      %add3A_60 = vector.broadcast %add3A_59 : i32 to vector<16xi32>
      %add3A_61 = arith.addi %get3A_5, %add3A_60 : vector<16xi32>
      %get3A_62 = arith.constant 2 : i32
      %get3A_63 = arith.index_cast %get3A_62 : i32 to index
      %get3A_64 = arith.constant 0 : index
      %get3A_65 = tpu.vector_load %arg8[%get3A_63, %get3A_64] {strides = array<i32>} : memref<16x65xf32, #tpu.memory_space<vmem>>, vector<16xf32>,
      tpu.vector_store_idx %arg6[%add3A_61], %get3A_65 : memref<16384xf32, #tpu.memory_space<vmem>>[vector<16xi32>], vector<16xf32>,
      %add3A_66 = arith.constant 3 : i32
      %add3A_67 = vector.broadcast %add3A_66 : i32 to vector<16xi32>
      %add3A_68 = arith.addi %get3A_5, %add3A_67 : vector<16xi32>
      %get3A_69 = arith.constant 3 : i32
      %get3A_70 = arith.index_cast %get3A_69 : i32 to index
      %get3A_71 = arith.constant 0 : index
      %get3A_72 = tpu.vector_load %arg8[%get3A_70, %get3A_71] {strides = array<i32>} : memref<16x65xf32, #tpu.memory_space<vmem>>, vector<16xf32>,
      tpu.vector_store_idx %arg6[%add3A_68], %get3A_72 : memref<16384xf32, #tpu.memory_space<vmem>>[vector<16xi32>], vector<16xf32>,
      %add3A_73 = arith.constant 4 : i32
      %add3A_74 = vector.broadcast %add3A_73 : i32 to vector<16xi32>
      %add3A_75 = arith.addi %get3A_5, %add3A_74 : vector<16xi32>
      %get3A_76 = arith.constant 4 : i32
      %get3A_77 = arith.index_cast %get3A_76 : i32 to index
      %get3A_78 = arith.constant 0 : index
      %get3A_79 = tpu.vector_load %arg8[%get3A_77, %get3A_78] {strides = array<i32>} : memref<16x65xf32, #tpu.memory_space<vmem>>, vector<16xf32>,
      tpu.vector_store_idx %arg6[%add3A_75], %get3A_79 : memref<16384xf32, #tpu.memory_space<vmem>>[vector<16xi32>], vector<16xf32>,
      %add3A_80 = arith.constant 5 : i32
      %add3A_81 = vector.broadcast %add3A_80 : i32 to vector<16xi32>
      %add3A_82 = arith.addi %get3A_5, %add3A_81 : vector<16xi32>
      %get3A_83 = arith.constant 5 : i32
      %get3A_84 = arith.index_cast %get3A_83 : i32 to index
      %get3A_85 = arith.constant 0 : index
      %get3A_86 = tpu.vector_load %arg8[%get3A_84, %get3A_85] {strides = array<i32>} : memref<16x65xf32, #tpu.memory_space<vmem>>, vector<16xf32>,
      tpu.vector_store_idx %arg6[%add3A_82], %get3A_86 : memref<16384xf32, #tpu.memory_space<vmem>>[vector<16xi32>], vector<16xf32>,
      %add3A_87 = arith.constant 6 : i32
      %add3A_88 = vector.broadcast %add3A_87 : i32 to vector<16xi32>
      %add3A_89 = arith.addi %get3A_5, %add3A_88 : vector<16xi32>
      %get3A_90 = arith.constant 6 : i32
      %get3A_91 = arith.index_cast %get3A_90 : i32 to index
      %get3A_92 = arith.constant 0 : index
      %get3A_93 = tpu.vector_load %arg8[%get3A_91, %get3A_92] {strides = array<i32>} : memref<16x65xf32, #tpu.memory_space<vmem>>, vector<16xf32>,
      tpu.vector_store_idx %arg6[%add3A_89], %get3A_93 : memref<16384xf32, #tpu.memory_space<vmem>>[vector<16xi32>], vector<16xf32>,
      %add3A_94 = arith.constant 7 : i32
      %add3A_95 = vector.broadcast %add3A_94 : i32 to vector<16xi32>
      %add3A_96 = arith.addi %get3A_5, %add3A_95 : vector<16xi32>
      %get3A_97 = arith.constant 7 : i32
      %get3A_98 = arith.index_cast %get3A_97 : i32 to index
      %get3A_99 = arith.constant 0 : index
      %get3A_100 = tpu.vector_load %arg8[%get3A_98, %get3A_99] {strides = array<i32>} : memref<16x65xf32, #tpu.memory_space<vmem>>, vector<16xf32>,
      tpu.vector_store_idx %arg6[%add3A_96], %get3A_100 : memref<16384xf32, #tpu.memory_space<vmem>>[vector<16xi32>], vector<16xf32>,
      %add3A_101 = arith.constant 8 : i32
      %add3A_102 = vector.broadcast %add3A_101 : i32 to vector<16xi32>
      %add3A_103 = arith.addi %get3A_5, %add3A_102 : vector<16xi32>
      %get3A_104 = arith.constant 8 : i32
      %get3A_105 = arith.index_cast %get3A_104 : i32 to index
      %get3A_106 = arith.constant 0 : index
      %get3A_107 = tpu.vector_load %arg8[%get3A_105, %get3A_106] {strides = array<i32>} : memref<16x65xf32, #tpu.memory_space<vmem>>, vector<16xf32>,
      tpu.vector_store_idx %arg6[%add3A_103], %get3A_107 : memref<16384xf32, #tpu.memory_space<vmem>>[vector<16xi32>], vector<16xf32>,
      %add3A_108 = arith.constant 9 : i32
      %add3A_109 = vector.broadcast %add3A_108 : i32 to vector<16xi32>
      %add3A_110 = arith.addi %get3A_5, %add3A_109 : vector<16xi32>
      %get3A_111 = arith.constant 9 : i32
      %get3A_112 = arith.index_cast %get3A_111 : i32 to index
      %get3A_113 = arith.constant 0 : index
      %get3A_114 = tpu.vector_load %arg8[%get3A_112, %get3A_113] {strides = array<i32>} : memref<16x65xf32, #tpu.memory_space<vmem>>, vector<16xf32>,
      tpu.vector_store_idx %arg6[%add3A_110], %get3A_114 : memref<16384xf32, #tpu.memory_space<vmem>>[vector<16xi32>], vector<16xf32>,
      %add3A_115 = arith.constant 10 : i32
      %add3A_116 = vector.broadcast %add3A_115 : i32 to vector<16xi32>
      %add3A_117 = arith.addi %get3A_5, %add3A_116 : vector<16xi32>
      %get3A_118 = arith.constant 10 : i32
      %get3A_119 = arith.index_cast %get3A_118 : i32 to index
      %get3A_120 = arith.constant 0 : index
      %get3A_121 = tpu.vector_load %arg8[%get3A_119, %get3A_120] {strides = array<i32>} : memref<16x65xf32, #tpu.memory_space<vmem>>, vector<16xf32>,
      tpu.vector_store_idx %arg6[%add3A_117], %get3A_121 : memref<16384xf32, #tpu.memory_space<vmem>>[vector<16xi32>], vector<16xf32>,
      %add3A_122 = arith.constant 11 : i32
      %add3A_123 = vector.broadcast %add3A_122 : i32 to vector<16xi32>
      %add3A_124 = arith.addi %get3A_5, %add3A_123 : vector<16xi32>
      %get3A_125 = arith.constant 11 : i32
      %get3A_126 = arith.index_cast %get3A_125 : i32 to index
      %get3A_127 = arith.constant 0 : index
      %get3A_128 = tpu.vector_load %arg8[%get3A_126, %get3A_127] {strides = array<i32>} : memref<16x65xf32, #tpu.memory_space<vmem>>, vector<16xf32>,
      tpu.vector_store_idx %arg6[%add3A_124], %get3A_128 : memref<16384xf32, #tpu.memory_space<vmem>>[vector<16xi32>], vector<16xf32>,
      %add3A_129 = arith.constant 12 : i32
      %add3A_130 = vector.broadcast %add3A_129 : i32 to vector<16xi32>
      %add3A_131 = arith.addi %get3A_5, %add3A_130 : vector<16xi32>
      %get3A_132 = arith.constant 12 : i32
      %get3A_133 = arith.index_cast %get3A_132 : i32 to index
      %get3A_134 = arith.constant 0 : index
      %get3A_135 = tpu.vector_load %arg8[%get3A_133, %get3A_134] {strides = array<i32>} : memref<16x65xf32, #tpu.memory_space<vmem>>, vector<16xf32>,
      tpu.vector_store_idx %arg6[%add3A_131], %get3A_135 : memref<16384xf32, #tpu.memory_space<vmem>>[vector<16xi32>], vector<16xf32>,
      %add3A_136 = arith.constant 13 : i32
      %add3A_137 = vector.broadcast %add3A_136 : i32 to vector<16xi32>
      %add3A_138 = arith.addi %get3A_5, %add3A_137 : vector<16xi32>
      %get3A_139 = arith.constant 13 : i32
      %get3A_140 = arith.index_cast %get3A_139 : i32 to index
      %get3A_141 = arith.constant 0 : index
      %get3A_142 = tpu.vector_load %arg8[%get3A_140, %get3A_141] {strides = array<i32>} : memref<16x65xf32, #tpu.memory_space<vmem>>, vector<16xf32>,
      tpu.vector_store_idx %arg6[%add3A_138], %get3A_142 : memref<16384xf32, #tpu.memory_space<vmem>>[vector<16xi32>], vector<16xf32>,
      %add3A_143 = arith.constant 14 : i32
      %add3A_144 = vector.broadcast %add3A_143 : i32 to vector<16xi32>
      %add3A_145 = arith.addi %get3A_5, %add3A_144 : vector<16xi32>
      %get3A_146 = arith.constant 14 : i32
      %get3A_147 = arith.index_cast %get3A_146 : i32 to index
      %get3A_148 = arith.constant 0 : index
      %get3A_149 = tpu.vector_load %arg8[%get3A_147, %get3A_148] {strides = array<i32>} : memref<16x65xf32, #tpu.memory_space<vmem>>, vector<16xf32>,
      tpu.vector_store_idx %arg6[%add3A_145], %get3A_149 : memref<16384xf32, #tpu.memory_space<vmem>>[vector<16xi32>], vector<16xf32>,
      %add3A_150 = arith.constant 15 : i32
      %add3A_151 = vector.broadcast %add3A_150 : i32 to vector<16xi32>
      %add3A_152 = arith.addi %get3A_5, %add3A_151 : vector<16xi32>
      %get3A_153 = arith.constant 15 : i32
      %get3A_154 = arith.index_cast %get3A_153 : i32 to index
      %get3A_155 = arith.constant 0 : index
      %get3A_156 = tpu.vector_load %arg8[%get3A_154, %get3A_155] {strides = array<i32>} : memref<16x65xf32, #tpu.memory_space<vmem>>, vector<16xf32>,
      tpu.vector_store_idx %arg6[%add3A_152], %get3A_156 : memref<16384xf32, #tpu.memory_space<vmem>>[vector<16xi32>], vector<16xf32>,
      %add3A_157 = arith.constant 256 : i32
      %add3A_158 = vector.broadcast %add3A_157 : i32 to vector<16xi32>
      %add3A_159 = arith.addi %get3A_5, %add3A_158 : vector<16xi32>
      %get3A_160 = arith.constant 0 : i32
      %get3A_161 = arith.index_cast %get3A_160 : i32 to index
      %get3A_162 = arith.constant 16 : index
      %get3A_163 = tpu.vector_load %arg8[%get3A_161, %get3A_162] {strides = array<i32>} : memref<16x65xf32, #tpu.memory_space<vmem>>, vector<16xf32>,
      tpu.vector_store_idx %arg6[%add3A_159], %get3A_163 : memref<16384xf32, #tpu.memory_space<vmem>>[vector<16xi32>], vector<16xf32>,
      %add3A_164 = arith.constant 257 : i32
      %add3A_165 = vector.broadcast %add3A_164 : i32 to vector<16xi32>
      %add3A_166 = arith.addi %get3A_5, %add3A_165 : vector<16xi32>
      %get3A_167 = arith.constant 1 : i32
      %get3A_168 = arith.index_cast %get3A_167 : i32 to index
      %get3A_169 = arith.constant 16 : index
      %get3A_170 = tpu.vector_load %arg8[%get3A_168, %get3A_169] {strides = array<i32>} : memref<16x65xf32, #tpu.memory_space<vmem>>, vector<16xf32>,
      tpu.vector_store_idx %arg6[%add3A_166], %get3A_170 : memref<16384xf32, #tpu.memory_space<vmem>>[vector<16xi32>], vector<16xf32>,
      %add3A_171 = arith.constant 258 : i32
      %add3A_172 = vector.broadcast %add3A_171 : i32 to vector<16xi32>
      %add3A_173 = arith.addi %get3A_5, %add3A_172 : vector<16xi32>
      %get3A_174 = arith.constant 2 : i32
      %get3A_175 = arith.index_cast %get3A_174 : i32 to index
      %get3A_176 = arith.constant 16 : index
      %get3A_177 = tpu.vector_load %arg8[%get3A_175, %get3A_176] {strides = array<i32>} : memref<16x65xf32, #tpu.memory_space<vmem>>, vector<16xf32>,
      tpu.vector_store_idx %arg6[%add3A_173], %get3A_177 : memref<16384xf32, #tpu.memory_space<vmem>>[vector<16xi32>], vector<16xf32>,
      %add3A_178 = arith.constant 259 : i32
      %add3A_179 = vector.broadcast %add3A_178 : i32 to vector<16xi32>
      %add3A_180 = arith.addi %get3A_5, %add3A_179 : vector<16xi32>
      %get3A_181 = arith.constant 3 : i32
      %get3A_182 = arith.index_cast %get3A_181 : i32 to index
      %get3A_183 = arith.constant 16 : index
      %get3A_184 = tpu.vector_load %arg8[%get3A_182, %get3A_183] {strides = array<i32>} : memref<16x65xf32, #tpu.memory_space<vmem>>, vector<16xf32>,
      tpu.vector_store_idx %arg6[%add3A_180], %get3A_184 : memref<16384xf32, #tpu.memory_space<vmem>>[vector<16xi32>], vector<16xf32>,
      %add3A_185 = arith.constant 260 : i32
      %add3A_186 = vector.broadcast %add3A_185 : i32 to vector<16xi32>
      %add3A_187 = arith.addi %get3A_5, %add3A_186 : vector<16xi32>
      %get3A_188 = arith.constant 4 : i32
      %get3A_189 = arith.index_cast %get3A_188 : i32 to index
      %get3A_190 = arith.constant 16 : index
      %get3A_191 = tpu.vector_load %arg8[%get3A_189, %get3A_190] {strides = array<i32>} : memref<16x65xf32, #tpu.memory_space<vmem>>, vector<16xf32>,
      tpu.vector_store_idx %arg6[%add3A_187], %get3A_191 : memref<16384xf32, #tpu.memory_space<vmem>>[vector<16xi32>], vector<16xf32>,
      %add3A_192 = arith.constant 261 : i32
      %add3A_193 = vector.broadcast %add3A_192 : i32 to vector<16xi32>
      %add3A_194 = arith.addi %get3A_5, %add3A_193 : vector<16xi32>
      %get3A_195 = arith.constant 5 : i32
      %get3A_196 = arith.index_cast %get3A_195 : i32 to index
      %get3A_197 = arith.constant 16 : index
      %get3A_198 = tpu.vector_load %arg8[%get3A_196, %get3A_197] {strides = array<i32>} : memref<16x65xf32, #tpu.memory_space<vmem>>, vector<16xf32>,
      tpu.vector_store_idx %arg6[%add3A_194], %get3A_198 : memref<16384xf32, #tpu.memory_space<vmem>>[vector<16xi32>], vector<16xf32>,
      %add3A_199 = arith.constant 262 : i32
      %add3A_200 = vector.broadcast %add3A_199 : i32 to vector<16xi32>
      %add3A_201 = arith.addi %get3A_5, %add3A_200 : vector<16xi32>
      %get3A_202 = arith.constant 6 : i32
      %get3A_203 = arith.index_cast %get3A_202 : i32 to index
      %get3A_204 = arith.constant 16 : index
      %get3A_205 = tpu.vector_load %arg8[%get3A_203, %get3A_204] {strides = array<i32>} : memref<16x65xf32, #tpu.memory_space<vmem>>, vector<16xf32>,
      tpu.vector_store_idx %arg6[%add3A_201], %get3A_205 : memref<16384xf32, #tpu.memory_space<vmem>>[vector<16xi32>], vector<16xf32>,
      %add3A_206 = arith.constant 263 : i32
      %add3A_207 = vector.broadcast %add3A_206 : i32 to vector<16xi32>
      %add3A_208 = arith.addi %get3A_5, %add3A_207 : vector<16xi32>
      %get3A_209 = arith.constant 7 : i32
      %get3A_210 = arith.index_cast %get3A_209 : i32 to index
      %get3A_211 = arith.constant 16 : index
      %get3A_212 = tpu.vector_load %arg8[%get3A_210, %get3A_211] {strides = array<i32>} : memref<16x65xf32, #tpu.memory_space<vmem>>, vector<16xf32>,
      tpu.vector_store_idx %arg6[%add3A_208], %get3A_212 : memref<16384xf32, #tpu.memory_space<vmem>>[vector<16xi32>], vector<16xf32>,
      %add3A_213 = arith.constant 264 : i32
      %add3A_214 = vector.broadcast %add3A_213 : i32 to vector<16xi32>
      %add3A_215 = arith.addi %get3A_5, %add3A_214 : vector<16xi32>
      %get3A_216 = arith.constant 8 : i32
      %get3A_217 = arith.index_cast %get3A_216 : i32 to index
      %get3A_218 = arith.constant 16 : index
      %get3A_219 = tpu.vector_load %arg8[%get3A_217, %get3A_218] {strides = array<i32>} : memref<16x65xf32, #tpu.memory_space<vmem>>, vector<16xf32>,
      tpu.vector_store_idx %arg6[%add3A_215], %get3A_219 : memref<16384xf32, #tpu.memory_space<vmem>>[vector<16xi32>], vector<16xf32>,
      %add3A_220 = arith.constant 265 : i32
      %add3A_221 = vector.broadcast %add3A_220 : i32 to vector<16xi32>
      %add3A_222 = arith.addi %get3A_5, %add3A_221 : vector<16xi32>
      %get3A_223 = arith.constant 9 : i32
      %get3A_224 = arith.index_cast %get3A_223 : i32 to index
      %get3A_225 = arith.constant 16 : index
      %get3A_226 = tpu.vector_load %arg8[%get3A_224, %get3A_225] {strides = array<i32>} : memref<16x65xf32, #tpu.memory_space<vmem>>, vector<16xf32>,
      tpu.vector_store_idx %arg6[%add3A_222], %get3A_226 : memref<16384xf32, #tpu.memory_space<vmem>>[vector<16xi32>], vector<16xf32>,
      %add3A_227 = arith.constant 266 : i32
      %add3A_228 = vector.broadcast %add3A_227 : i32 to vector<16xi32>
      %add3A_229 = arith.addi %get3A_5, %add3A_228 : vector<16xi32>
      %get3A_230 = arith.constant 10 : i32
      %get3A_231 = arith.index_cast %get3A_230 : i32 to index
      %get3A_232 = arith.constant 16 : index
      %get3A_233 = tpu.vector_load %arg8[%get3A_231, %get3A_232] {strides = array<i32>} : memref<16x65xf32, #tpu.memory_space<vmem>>, vector<16xf32>,
      tpu.vector_store_idx %arg6[%add3A_229], %get3A_233 : memref<16384xf32, #tpu.memory_space<vmem>>[vector<16xi32>], vector<16xf32>,
      %add3A_234 = arith.constant 267 : i32
      %add3A_235 = vector.broadcast %add3A_234 : i32 to vector<16xi32>
      %add3A_236 = arith.addi %get3A_5, %add3A_235 : vector<16xi32>
      %get3A_237 = arith.constant 11 : i32
      %get3A_238 = arith.index_cast %get3A_237 : i32 to index
      %get3A_239 = arith.constant 16 : index
      %get3A_240 = tpu.vector_load %arg8[%get3A_238, %get3A_239] {strides = array<i32>} : memref<16x65xf32, #tpu.memory_space<vmem>>, vector<16xf32>,
      tpu.vector_store_idx %arg6[%add3A_236], %get3A_240 : memref<16384xf32, #tpu.memory_space<vmem>>[vector<16xi32>], vector<16xf32>,
      %add3A_241 = arith.constant 268 : i32
      %add3A_242 = vector.broadcast %add3A_241 : i32 to vector<16xi32>
      %add3A_243 = arith.addi %get3A_5, %add3A_242 : vector<16xi32>
      %get3A_244 = arith.constant 12 : i32
      %get3A_245 = arith.index_cast %get3A_244 : i32 to index
      %get3A_246 = arith.constant 16 : index
      %get3A_247 = tpu.vector_load %arg8[%get3A_245, %get3A_246] {strides = array<i32>} : memref<16x65xf32, #tpu.memory_space<vmem>>, vector<16xf32>,
      tpu.vector_store_idx %arg6[%add3A_243], %get3A_247 : memref<16384xf32, #tpu.memory_space<vmem>>[vector<16xi32>], vector<16xf32>,
      %add3A_248 = arith.constant 269 : i32
      %add3A_249 = vector.broadcast %add3A_248 : i32 to vector<16xi32>
      %add3A_250 = arith.addi %get3A_5, %add3A_249 : vector<16xi32>
      %get3A_251 = arith.constant 13 : i32
      %get3A_252 = arith.index_cast %get3A_251 : i32 to index
      %get3A_253 = arith.constant 16 : index
      %get3A_254 = tpu.vector_load %arg8[%get3A_252, %get3A_253] {strides = array<i32>} : memref<16x65xf32, #tpu.memory_space<vmem>>, vector<16xf32>,
      tpu.vector_store_idx %arg6[%add3A_250], %get3A_254 : memref<16384xf32, #tpu.memory_space<vmem>>[vector<16xi32>], vector<16xf32>,
      %add3A_255 = arith.constant 270 : i32
      %add3A_256 = vector.broadcast %add3A_255 : i32 to vector<16xi32>
      %add3A_257 = arith.addi %get3A_5, %add3A_256 : vector<16xi32>
      %get3A_258 = arith.constant 14 : i32
      %get3A_259 = arith.index_cast %get3A_258 : i32 to index
      %get3A_260 = arith.constant 16 : index
      %get3A_261 = tpu.vector_load %arg8[%get3A_259, %get3A_260] {strides = array<i32>} : memref<16x65xf32, #tpu.memory_space<vmem>>, vector<16xf32>,
      tpu.vector_store_idx %arg6[%add3A_257], %get3A_261 : memref<16384xf32, #tpu.memory_space<vmem>>[vector<16xi32>], vector<16xf32>,
      %add3A_262 = arith.constant 271 : i32
      %add3A_263 = vector.broadcast %add3A_262 : i32 to vector<16xi32>
      %add3A_264 = arith.addi %get3A_5, %add3A_263 : vector<16xi32>
      %get3A_265 = arith.constant 15 : i32
      %get3A_266 = arith.index_cast %get3A_265 : i32 to index
      %get3A_267 = arith.constant 16 : index
      %get3A_268 = tpu.vector_load %arg8[%get3A_266, %get3A_267] {strides = array<i32>} : memref<16x65xf32, #tpu.memory_space<vmem>>, vector<16xf32>,
      tpu.vector_store_idx %arg6[%add3A_264], %get3A_268 : memref<16384xf32, #tpu.memory_space<vmem>>[vector<16xi32>], vector<16xf32>,
      %add3A_269 = arith.constant 512 : i32
      %add3A_270 = vector.broadcast %add3A_269 : i32 to vector<16xi32>
      %add3A_271 = arith.addi %get3A_5, %add3A_270 : vector<16xi32>
      %get3A_272 = arith.constant 0 : i32
      %get3A_273 = arith.index_cast %get3A_272 : i32 to index
      %get3A_274 = arith.constant 32 : index
      %get3A_275 = tpu.vector_load %arg8[%get3A_273, %get3A_274] {strides = array<i32>} : memref<16x65xf32, #tpu.memory_space<vmem>>, vector<16xf32>,
      tpu.vector_store_idx %arg6[%add3A_271], %get3A_275 : memref<16384xf32, #tpu.memory_space<vmem>>[vector<16xi32>], vector<16xf32>,
      %add3A_276 = arith.constant 513 : i32
      %add3A_277 = vector.broadcast %add3A_276 : i32 to vector<16xi32>
      %add3A_278 = arith.addi %get3A_5, %add3A_277 : vector<16xi32>
      %get3A_279 = arith.constant 1 : i32
      %get3A_280 = arith.index_cast %get3A_279 : i32 to index
      %get3A_281 = arith.constant 32 : index
      %get3A_282 = tpu.vector_load %arg8[%get3A_280, %get3A_281] {strides = array<i32>} : memref<16x65xf32, #tpu.memory_space<vmem>>, vector<16xf32>,
      tpu.vector_store_idx %arg6[%add3A_278], %get3A_282 : memref<16384xf32, #tpu.memory_space<vmem>>[vector<16xi32>], vector<16xf32>,
      %add3A_283 = arith.constant 514 : i32
      %add3A_284 = vector.broadcast %add3A_283 : i32 to vector<16xi32>
      %add3A_285 = arith.addi %get3A_5, %add3A_284 : vector<16xi32>
      %get3A_286 = arith.constant 2 : i32
      %get3A_287 = arith.index_cast %get3A_286 : i32 to index
      %get3A_288 = arith.constant 32 : index
      %get3A_289 = tpu.vector_load %arg8[%get3A_287, %get3A_288] {strides = array<i32>} : memref<16x65xf32, #tpu.memory_space<vmem>>, vector<16xf32>,
      tpu.vector_store_idx %arg6[%add3A_285], %get3A_289 : memref<16384xf32, #tpu.memory_space<vmem>>[vector<16xi32>], vector<16xf32>,
      %add3A_290 = arith.constant 515 : i32
      %add3A_291 = vector.broadcast %add3A_290 : i32 to vector<16xi32>
      %add3A_292 = arith.addi %get3A_5, %add3A_291 : vector<16xi32>
      %get3A_293 = arith.constant 3 : i32
      %get3A_294 = arith.index_cast %get3A_293 : i32 to index
      %get3A_295 = arith.constant 32 : index
      %get3A_296 = tpu.vector_load %arg8[%get3A_294, %get3A_295] {strides = array<i32>} : memref<16x65xf32, #tpu.memory_space<vmem>>, vector<16xf32>,
      tpu.vector_store_idx %arg6[%add3A_292], %get3A_296 : memref<16384xf32, #tpu.memory_space<vmem>>[vector<16xi32>], vector<16xf32>,
      %add3A_297 = arith.constant 516 : i32
      %add3A_298 = vector.broadcast %add3A_297 : i32 to vector<16xi32>
      %add3A_299 = arith.addi %get3A_5, %add3A_298 : vector<16xi32>
      %get3A_300 = arith.constant 4 : i32
      %get3A_301 = arith.index_cast %get3A_300 : i32 to index
      %get3A_302 = arith.constant 32 : index
      %get3A_303 = tpu.vector_load %arg8[%get3A_301, %get3A_302] {strides = array<i32>} : memref<16x65xf32, #tpu.memory_space<vmem>>, vector<16xf32>,
      tpu.vector_store_idx %arg6[%add3A_299], %get3A_303 : memref<16384xf32, #tpu.memory_space<vmem>>[vector<16xi32>], vector<16xf32>,
      %add3A_304 = arith.constant 517 : i32
      %add3A_305 = vector.broadcast %add3A_304 : i32 to vector<16xi32>
      %add3A_306 = arith.addi %get3A_5, %add3A_305 : vector<16xi32>
      %get3A_307 = arith.constant 5 : i32
      %get3A_308 = arith.index_cast %get3A_307 : i32 to index
      %get3A_309 = arith.constant 32 : index
      %get3A_310 = tpu.vector_load %arg8[%get3A_308, %get3A_309] {strides = array<i32>} : memref<16x65xf32, #tpu.memory_space<vmem>>, vector<16xf32>,
      tpu.vector_store_idx %arg6[%add3A_306], %get3A_310 : memref<16384xf32, #tpu.memory_space<vmem>>[vector<16xi32>], vector<16xf32>,
      %add3A_311 = arith.constant 518 : i32
      %add3A_312 = vector.broadcast %add3A_311 : i32 to vector<16xi32>
      %add3A_313 = arith.addi %get3A_5, %add3A_312 : vector<16xi32>
      %get3A_314 = arith.constant 6 : i32
      %get3A_315 = arith.index_cast %get3A_314 : i32 to index
      %get3A_316 = arith.constant 32 : index
      %get3A_317 = tpu.vector_load %arg8[%get3A_315, %get3A_316] {strides = array<i32>} : memref<16x65xf32, #tpu.memory_space<vmem>>, vector<16xf32>,
      tpu.vector_store_idx %arg6[%add3A_313], %get3A_317 : memref<16384xf32, #tpu.memory_space<vmem>>[vector<16xi32>], vector<16xf32>,
      %add3A_318 = arith.constant 519 : i32
      %add3A_319 = vector.broadcast %add3A_318 : i32 to vector<16xi32>
      %add3A_320 = arith.addi %get3A_5, %add3A_319 : vector<16xi32>
      %get3A_321 = arith.constant 7 : i32
      %get3A_322 = arith.index_cast %get3A_321 : i32 to index
      %get3A_323 = arith.constant 32 : index
      %get3A_324 = tpu.vector_load %arg8[%get3A_322, %get3A_323] {strides = array<i32>} : memref<16x65xf32, #tpu.memory_space<vmem>>, vector<16xf32>,
      tpu.vector_store_idx %arg6[%add3A_320], %get3A_324 : memref<16384xf32, #tpu.memory_space<vmem>>[vector<16xi32>], vector<16xf32>,
      %add3A_325 = arith.constant 520 : i32
      %add3A_326 = vector.broadcast %add3A_325 : i32 to vector<16xi32>
      %add3A_327 = arith.addi %get3A_5, %add3A_326 : vector<16xi32>
      %get3A_328 = arith.constant 8 : i32
      %get3A_329 = arith.index_cast %get3A_328 : i32 to index
      %get3A_330 = arith.constant 32 : index
      %get3A_331 = tpu.vector_load %arg8[%get3A_329, %get3A_330] {strides = array<i32>} : memref<16x65xf32, #tpu.memory_space<vmem>>, vector<16xf32>,
      tpu.vector_store_idx %arg6[%add3A_327], %get3A_331 : memref<16384xf32, #tpu.memory_space<vmem>>[vector<16xi32>], vector<16xf32>,
      %add3A_332 = arith.constant 521 : i32
      %add3A_333 = vector.broadcast %add3A_332 : i32 to vector<16xi32>
      %add3A_334 = arith.addi %get3A_5, %add3A_333 : vector<16xi32>
      %get3A_335 = arith.constant 9 : i32
      %get3A_336 = arith.index_cast %get3A_335 : i32 to index
      %get3A_337 = arith.constant 32 : index
      %get3A_338 = tpu.vector_load %arg8[%get3A_336, %get3A_337] {strides = array<i32>} : memref<16x65xf32, #tpu.memory_space<vmem>>, vector<16xf32>,
      tpu.vector_store_idx %arg6[%add3A_334], %get3A_338 : memref<16384xf32, #tpu.memory_space<vmem>>[vector<16xi32>], vector<16xf32>,
      %add3A_339 = arith.constant 522 : i32
      %add3A_340 = vector.broadcast %add3A_339 : i32 to vector<16xi32>
      %add3A_341 = arith.addi %get3A_5, %add3A_340 : vector<16xi32>
      %get3A_342 = arith.constant 10 : i32
      %get3A_343 = arith.index_cast %get3A_342 : i32 to index
      %get3A_344 = arith.constant 32 : index
      %get3A_345 = tpu.vector_load %arg8[%get3A_343, %get3A_344] {strides = array<i32>} : memref<16x65xf32, #tpu.memory_space<vmem>>, vector<16xf32>,
      tpu.vector_store_idx %arg6[%add3A_341], %get3A_345 : memref<16384xf32, #tpu.memory_space<vmem>>[vector<16xi32>], vector<16xf32>,
      %add3A_346 = arith.constant 523 : i32
      %add3A_347 = vector.broadcast %add3A_346 : i32 to vector<16xi32>
      %add3A_348 = arith.addi %get3A_5, %add3A_347 : vector<16xi32>
      %get3A_349 = arith.constant 11 : i32
      %get3A_350 = arith.index_cast %get3A_349 : i32 to index
      %get3A_351 = arith.constant 32 : index
      %get3A_352 = tpu.vector_load %arg8[%get3A_350, %get3A_351] {strides = array<i32>} : memref<16x65xf32, #tpu.memory_space<vmem>>, vector<16xf32>,
      tpu.vector_store_idx %arg6[%add3A_348], %get3A_352 : memref<16384xf32, #tpu.memory_space<vmem>>[vector<16xi32>], vector<16xf32>,
      %add3A_353 = arith.constant 524 : i32
      %add3A_354 = vector.broadcast %add3A_353 : i32 to vector<16xi32>
      %add3A_355 = arith.addi %get3A_5, %add3A_354 : vector<16xi32>
      %get3A_356 = arith.constant 12 : i32
      %get3A_357 = arith.index_cast %get3A_356 : i32 to index
      %get3A_358 = arith.constant 32 : index
      %get3A_359 = tpu.vector_load %arg8[%get3A_357, %get3A_358] {strides = array<i32>} : memref<16x65xf32, #tpu.memory_space<vmem>>, vector<16xf32>,
      tpu.vector_store_idx %arg6[%add3A_355], %get3A_359 : memref<16384xf32, #tpu.memory_space<vmem>>[vector<16xi32>], vector<16xf32>,
      %add3A_360 = arith.constant 525 : i32
      %add3A_361 = vector.broadcast %add3A_360 : i32 to vector<16xi32>
      %add3A_362 = arith.addi %get3A_5, %add3A_361 : vector<16xi32>
      %get3A_363 = arith.constant 13 : i32
      %get3A_364 = arith.index_cast %get3A_363 : i32 to index
      %get3A_365 = arith.constant 32 : index
      %get3A_366 = tpu.vector_load %arg8[%get3A_364, %get3A_365] {strides = array<i32>} : memref<16x65xf32, #tpu.memory_space<vmem>>, vector<16xf32>,
      tpu.vector_store_idx %arg6[%add3A_362], %get3A_366 : memref<16384xf32, #tpu.memory_space<vmem>>[vector<16xi32>], vector<16xf32>,
      %add3A_367 = arith.constant 526 : i32
      %add3A_368 = vector.broadcast %add3A_367 : i32 to vector<16xi32>
      %add3A_369 = arith.addi %get3A_5, %add3A_368 : vector<16xi32>
      %get3A_370 = arith.constant 14 : i32
      %get3A_371 = arith.index_cast %get3A_370 : i32 to index
      %get3A_372 = arith.constant 32 : index
      %get3A_373 = tpu.vector_load %arg8[%get3A_371, %get3A_372] {strides = array<i32>} : memref<16x65xf32, #tpu.memory_space<vmem>>, vector<16xf32>,
      tpu.vector_store_idx %arg6[%add3A_369], %get3A_373 : memref<16384xf32, #tpu.memory_space<vmem>>[vector<16xi32>], vector<16xf32>,
      %add3A_374 = arith.constant 527 : i32
      %add3A_375 = vector.broadcast %add3A_374 : i32 to vector<16xi32>
      %add3A_376 = arith.addi %get3A_5, %add3A_375 : vector<16xi32>
      %get3A_377 = arith.constant 15 : i32
      %get3A_378 = arith.index_cast %get3A_377 : i32 to index
      %get3A_379 = arith.constant 32 : index
      %get3A_380 = tpu.vector_load %arg8[%get3A_378, %get3A_379] {strides = array<i32>} : memref<16x65xf32, #tpu.memory_space<vmem>>, vector<16xf32>,
      tpu.vector_store_idx %arg6[%add3A_376], %get3A_380 : memref<16384xf32, #tpu.memory_space<vmem>>[vector<16xi32>], vector<16xf32>,
      %add3A_381 = arith.constant 768 : i32
      %add3A_382 = vector.broadcast %add3A_381 : i32 to vector<16xi32>
      %add3A_383 = arith.addi %get3A_5, %add3A_382 : vector<16xi32>
      %get3A_384 = arith.constant 0 : i32
      %get3A_385 = arith.index_cast %get3A_384 : i32 to index
      %get3A_386 = arith.constant 48 : index
      %get3A_387 = tpu.vector_load %arg8[%get3A_385, %get3A_386] {strides = array<i32>} : memref<16x65xf32, #tpu.memory_space<vmem>>, vector<16xf32>,
      tpu.vector_store_idx %arg6[%add3A_383], %get3A_387 : memref<16384xf32, #tpu.memory_space<vmem>>[vector<16xi32>], vector<16xf32>,
      %add3A_388 = arith.constant 769 : i32
      %add3A_389 = vector.broadcast %add3A_388 : i32 to vector<16xi32>
      %add3A_390 = arith.addi %get3A_5, %add3A_389 : vector<16xi32>
      %get3A_391 = arith.constant 1 : i32
      %get3A_392 = arith.index_cast %get3A_391 : i32 to index
      %get3A_393 = arith.constant 48 : index
      %get3A_394 = tpu.vector_load %arg8[%get3A_392, %get3A_393] {strides = array<i32>} : memref<16x65xf32, #tpu.memory_space<vmem>>, vector<16xf32>,
      tpu.vector_store_idx %arg6[%add3A_390], %get3A_394 : memref<16384xf32, #tpu.memory_space<vmem>>[vector<16xi32>], vector<16xf32>,
      %add3A_395 = arith.constant 770 : i32
      %add3A_396 = vector.broadcast %add3A_395 : i32 to vector<16xi32>
      %add3A_397 = arith.addi %get3A_5, %add3A_396 : vector<16xi32>
      %get3A_398 = arith.constant 2 : i32
      %get3A_399 = arith.index_cast %get3A_398 : i32 to index
      %get3A_400 = arith.constant 48 : index
      %get3A_401 = tpu.vector_load %arg8[%get3A_399, %get3A_400] {strides = array<i32>} : memref<16x65xf32, #tpu.memory_space<vmem>>, vector<16xf32>,
      tpu.vector_store_idx %arg6[%add3A_397], %get3A_401 : memref<16384xf32, #tpu.memory_space<vmem>>[vector<16xi32>], vector<16xf32>,
      %add3A_402 = arith.constant 771 : i32
      %add3A_403 = vector.broadcast %add3A_402 : i32 to vector<16xi32>
      %add3A_404 = arith.addi %get3A_5, %add3A_403 : vector<16xi32>
      %get3A_405 = arith.constant 3 : i32
      %get3A_406 = arith.index_cast %get3A_405 : i32 to index
      %get3A_407 = arith.constant 48 : index
      %get3A_408 = tpu.vector_load %arg8[%get3A_406, %get3A_407] {strides = array<i32>} : memref<16x65xf32, #tpu.memory_space<vmem>>, vector<16xf32>,
      tpu.vector_store_idx %arg6[%add3A_404], %get3A_408 : memref<16384xf32, #tpu.memory_space<vmem>>[vector<16xi32>], vector<16xf32>,
      %add3A_409 = arith.constant 772 : i32
      %add3A_410 = vector.broadcast %add3A_409 : i32 to vector<16xi32>
      %add3A_411 = arith.addi %get3A_5, %add3A_410 : vector<16xi32>
      %get3A_412 = arith.constant 4 : i32
      %get3A_413 = arith.index_cast %get3A_412 : i32 to index
      %get3A_414 = arith.constant 48 : index
      %get3A_415 = tpu.vector_load %arg8[%get3A_413, %get3A_414] {strides = array<i32>} : memref<16x65xf32, #tpu.memory_space<vmem>>, vector<16xf32>,
      tpu.vector_store_idx %arg6[%add3A_411], %get3A_415 : memref<16384xf32, #tpu.memory_space<vmem>>[vector<16xi32>], vector<16xf32>,
      %add3A_416 = arith.constant 773 : i32
      %add3A_417 = vector.broadcast %add3A_416 : i32 to vector<16xi32>
      %add3A_418 = arith.addi %get3A_5, %add3A_417 : vector<16xi32>
      %get3A_419 = arith.constant 5 : i32
      %get3A_420 = arith.index_cast %get3A_419 : i32 to index
      %get3A_421 = arith.constant 48 : index
      %get3A_422 = tpu.vector_load %arg8[%get3A_420, %get3A_421] {strides = array<i32>} : memref<16x65xf32, #tpu.memory_space<vmem>>, vector<16xf32>,
      tpu.vector_store_idx %arg6[%add3A_418], %get3A_422 : memref<16384xf32, #tpu.memory_space<vmem>>[vector<16xi32>], vector<16xf32>,
      %add3A_423 = arith.constant 774 : i32
      %add3A_424 = vector.broadcast %add3A_423 : i32 to vector<16xi32>
      %add3A_425 = arith.addi %get3A_5, %add3A_424 : vector<16xi32>
      %get3A_426 = arith.constant 6 : i32
      %get3A_427 = arith.index_cast %get3A_426 : i32 to index
      %get3A_428 = arith.constant 48 : index
      %get3A_429 = tpu.vector_load %arg8[%get3A_427, %get3A_428] {strides = array<i32>} : memref<16x65xf32, #tpu.memory_space<vmem>>, vector<16xf32>,
      tpu.vector_store_idx %arg6[%add3A_425], %get3A_429 : memref<16384xf32, #tpu.memory_space<vmem>>[vector<16xi32>], vector<16xf32>,
      %add3A_430 = arith.constant 775 : i32
      %add3A_431 = vector.broadcast %add3A_430 : i32 to vector<16xi32>
      %add3A_432 = arith.addi %get3A_5, %add3A_431 : vector<16xi32>
      %get3A_433 = arith.constant 7 : i32
      %get3A_434 = arith.index_cast %get3A_433 : i32 to index
      %get3A_435 = arith.constant 48 : index
      %get3A_436 = tpu.vector_load %arg8[%get3A_434, %get3A_435] {strides = array<i32>} : memref<16x65xf32, #tpu.memory_space<vmem>>, vector<16xf32>,
      tpu.vector_store_idx %arg6[%add3A_432], %get3A_436 : memref<16384xf32, #tpu.memory_space<vmem>>[vector<16xi32>], vector<16xf32>,
      %add3A_437 = arith.constant 776 : i32
      %add3A_438 = vector.broadcast %add3A_437 : i32 to vector<16xi32>
      %add3A_439 = arith.addi %get3A_5, %add3A_438 : vector<16xi32>
      %get3A_440 = arith.constant 8 : i32
      %get3A_441 = arith.index_cast %get3A_440 : i32 to index
      %get3A_442 = arith.constant 48 : index
      %get3A_443 = tpu.vector_load %arg8[%get3A_441, %get3A_442] {strides = array<i32>} : memref<16x65xf32, #tpu.memory_space<vmem>>, vector<16xf32>,
      tpu.vector_store_idx %arg6[%add3A_439], %get3A_443 : memref<16384xf32, #tpu.memory_space<vmem>>[vector<16xi32>], vector<16xf32>,
      %add3A_444 = arith.constant 777 : i32
      %add3A_445 = vector.broadcast %add3A_444 : i32 to vector<16xi32>
      %add3A_446 = arith.addi %get3A_5, %add3A_445 : vector<16xi32>
      %get3A_447 = arith.constant 9 : i32
      %get3A_448 = arith.index_cast %get3A_447 : i32 to index
      %get3A_449 = arith.constant 48 : index
      %get3A_450 = tpu.vector_load %arg8[%get3A_448, %get3A_449] {strides = array<i32>} : memref<16x65xf32, #tpu.memory_space<vmem>>, vector<16xf32>,
      tpu.vector_store_idx %arg6[%add3A_446], %get3A_450 : memref<16384xf32, #tpu.memory_space<vmem>>[vector<16xi32>], vector<16xf32>,
      %add3A_451 = arith.constant 778 : i32
      %add3A_452 = vector.broadcast %add3A_451 : i32 to vector<16xi32>
      %add3A_453 = arith.addi %get3A_5, %add3A_452 : vector<16xi32>
      %get3A_454 = arith.constant 10 : i32
      %get3A_455 = arith.index_cast %get3A_454 : i32 to index
      %get3A_456 = arith.constant 48 : index
      %get3A_457 = tpu.vector_load %arg8[%get3A_455, %get3A_456] {strides = array<i32>} : memref<16x65xf32, #tpu.memory_space<vmem>>, vector<16xf32>,
      tpu.vector_store_idx %arg6[%add3A_453], %get3A_457 : memref<16384xf32, #tpu.memory_space<vmem>>[vector<16xi32>], vector<16xf32>,
      %add3A_458 = arith.constant 779 : i32
      %add3A_459 = vector.broadcast %add3A_458 : i32 to vector<16xi32>
      %add3A_460 = arith.addi %get3A_5, %add3A_459 : vector<16xi32>
      %get3A_461 = arith.constant 11 : i32
      %get3A_462 = arith.index_cast %get3A_461 : i32 to index
      %get3A_463 = arith.constant 48 : index
      %get3A_464 = tpu.vector_load %arg8[%get3A_462, %get3A_463] {strides = array<i32>} : memref<16x65xf32, #tpu.memory_space<vmem>>, vector<16xf32>,
      tpu.vector_store_idx %arg6[%add3A_460], %get3A_464 : memref<16384xf32, #tpu.memory_space<vmem>>[vector<16xi32>], vector<16xf32>,
      %add3A_465 = arith.constant 780 : i32
      %add3A_466 = vector.broadcast %add3A_465 : i32 to vector<16xi32>
      %add3A_467 = arith.addi %get3A_5, %add3A_466 : vector<16xi32>
      %get3A_468 = arith.constant 12 : i32
      %get3A_469 = arith.index_cast %get3A_468 : i32 to index
      %get3A_470 = arith.constant 48 : index
      %get3A_471 = tpu.vector_load %arg8[%get3A_469, %get3A_470] {strides = array<i32>} : memref<16x65xf32, #tpu.memory_space<vmem>>, vector<16xf32>,
      tpu.vector_store_idx %arg6[%add3A_467], %get3A_471 : memref<16384xf32, #tpu.memory_space<vmem>>[vector<16xi32>], vector<16xf32>,
      %add3A_472 = arith.constant 781 : i32
      %add3A_473 = vector.broadcast %add3A_472 : i32 to vector<16xi32>
      %add3A_474 = arith.addi %get3A_5, %add3A_473 : vector<16xi32>
      %get3A_475 = arith.constant 13 : i32
      %get3A_476 = arith.index_cast %get3A_475 : i32 to index
      %get3A_477 = arith.constant 48 : index
      %get3A_478 = tpu.vector_load %arg8[%get3A_476, %get3A_477] {strides = array<i32>} : memref<16x65xf32, #tpu.memory_space<vmem>>, vector<16xf32>,
      tpu.vector_store_idx %arg6[%add3A_474], %get3A_478 : memref<16384xf32, #tpu.memory_space<vmem>>[vector<16xi32>], vector<16xf32>,
      %add3A_479 = arith.constant 782 : i32
      %add3A_480 = vector.broadcast %add3A_479 : i32 to vector<16xi32>
      %add3A_481 = arith.addi %get3A_5, %add3A_480 : vector<16xi32>
      %get3A_482 = arith.constant 14 : i32
      %get3A_483 = arith.index_cast %get3A_482 : i32 to index
      %get3A_484 = arith.constant 48 : index
      %get3A_485 = tpu.vector_load %arg8[%get3A_483, %get3A_484] {strides = array<i32>} : memref<16x65xf32, #tpu.memory_space<vmem>>, vector<16xf32>,
      tpu.vector_store_idx %arg6[%add3A_481], %get3A_485 : memref<16384xf32, #tpu.memory_space<vmem>>[vector<16xi32>], vector<16xf32>,
      %add3A_486 = arith.constant 783 : i32
      %add3A_487 = vector.broadcast %add3A_486 : i32 to vector<16xi32>
      %add3A_488 = arith.addi %get3A_5, %add3A_487 : vector<16xi32>
      %get3A_489 = arith.constant 15 : i32
      %get3A_490 = arith.index_cast %get3A_489 : i32 to index
      %get3A_491 = arith.constant 48 : index
      %get3A_492 = tpu.vector_load %arg8[%get3A_490, %get3A_491] {strides = array<i32>} : memref<16x65xf32, #tpu.memory_space<vmem>>, vector<16xf32>,
      tpu.vector_store_idx %arg6[%add3A_488], %get3A_492 : memref<16384xf32, #tpu.memory_space<vmem>>[vector<16xi32>], vector<16xf32>,
      %add3A_493 = arith.constant 784 : i32
      %add3A_494 = vector.broadcast %add3A_493 : i32 to vector<16xi32>
      %add3A_495 = arith.addi %get3A_5, %add3A_494 : vector<16xi32>
      %get3A_496 = arith.constant 0 : i32
      %get3A_497 = arith.index_cast %get3A_496 : i32 to index
      %get3A_498 = arith.constant 49 : index
      %get3A_499 = tpu.vector_load %arg8[%get3A_497, %get3A_498] {strides = array<i32>} : memref<16x65xf32, #tpu.memory_space<vmem>>, vector<16xf32>,
      tpu.vector_store_idx %arg6[%add3A_495], %get3A_499 : memref<16384xf32, #tpu.memory_space<vmem>>[vector<16xi32>], vector<16xf32>,
      %add3A_500 = arith.constant 785 : i32
      %add3A_501 = vector.broadcast %add3A_500 : i32 to vector<16xi32>
      %add3A_502 = arith.addi %get3A_5, %add3A_501 : vector<16xi32>
      %get3A_503 = arith.constant 1 : i32
      %get3A_504 = arith.index_cast %get3A_503 : i32 to index
      %get3A_505 = arith.constant 49 : index
      %get3A_506 = tpu.vector_load %arg8[%get3A_504, %get3A_505] {strides = array<i32>} : memref<16x65xf32, #tpu.memory_space<vmem>>, vector<16xf32>,
      tpu.vector_store_idx %arg6[%add3A_502], %get3A_506 : memref<16384xf32, #tpu.memory_space<vmem>>[vector<16xi32>], vector<16xf32>,
      %add3A_507 = arith.constant 786 : i32
      %add3A_508 = vector.broadcast %add3A_507 : i32 to vector<16xi32>
      %add3A_509 = arith.addi %get3A_5, %add3A_508 : vector<16xi32>
      %get3A_510 = arith.constant 2 : i32
      %get3A_511 = arith.index_cast %get3A_510 : i32 to index
      %get3A_512 = arith.constant 49 : index
      %get3A_513 = tpu.vector_load %arg8[%get3A_511, %get3A_512] {strides = array<i32>} : memref<16x65xf32, #tpu.memory_space<vmem>>, vector<16xf32>,
      tpu.vector_store_idx %arg6[%add3A_509], %get3A_513 : memref<16384xf32, #tpu.memory_space<vmem>>[vector<16xi32>], vector<16xf32>,
      %add3A_514 = arith.constant 787 : i32
      %add3A_515 = vector.broadcast %add3A_514 : i32 to vector<16xi32>
      %add3A_516 = arith.addi %get3A_5, %add3A_515 : vector<16xi32>
      %get3A_517 = arith.constant 3 : i32
      %get3A_518 = arith.index_cast %get3A_517 : i32 to index
      %get3A_519 = arith.constant 49 : index
      %get3A_520 = tpu.vector_load %arg8[%get3A_518, %get3A_519] {strides = array<i32>} : memref<16x65xf32, #tpu.memory_space<vmem>>, vector<16xf32>,
      tpu.vector_store_idx %arg6[%add3A_516], %get3A_520 : memref<16384xf32, #tpu.memory_space<vmem>>[vector<16xi32>], vector<16xf32>,
      %add3A_521 = arith.constant 788 : i32
      %add3A_522 = vector.broadcast %add3A_521 : i32 to vector<16xi32>
      %add3A_523 = arith.addi %get3A_5, %add3A_522 : vector<16xi32>
      %get3A_524 = arith.constant 4 : i32
      %get3A_525 = arith.index_cast %get3A_524 : i32 to index
      %get3A_526 = arith.constant 49 : index
      %get3A_527 = tpu.vector_load %arg8[%get3A_525, %get3A_526] {strides = array<i32>} : memref<16x65xf32, #tpu.memory_space<vmem>>, vector<16xf32>,
      tpu.vector_store_idx %arg6[%add3A_523], %get3A_527 : memref<16384xf32, #tpu.memory_space<vmem>>[vector<16xi32>], vector<16xf32>,
      %add3A_528 = arith.constant 789 : i32
      %add3A_529 = vector.broadcast %add3A_528 : i32 to vector<16xi32>
      %add3A_530 = arith.addi %get3A_5, %add3A_529 : vector<16xi32>
      %get3A_531 = arith.constant 5 : i32
      %get3A_532 = arith.index_cast %get3A_531 : i32 to index
      %get3A_533 = arith.constant 49 : index
      %get3A_534 = tpu.vector_load %arg8[%get3A_532, %get3A_533] {strides = array<i32>} : memref<16x65xf32, #tpu.memory_space<vmem>>, vector<16xf32>,
      tpu.vector_store_idx %arg6[%add3A_530], %get3A_534 : memref<16384xf32, #tpu.memory_space<vmem>>[vector<16xi32>], vector<16xf32>,
      %add3A_535 = arith.constant 790 : i32
      %add3A_536 = vector.broadcast %add3A_535 : i32 to vector<16xi32>
      %add3A_537 = arith.addi %get3A_5, %add3A_536 : vector<16xi32>
      %get3A_538 = arith.constant 6 : i32
      %get3A_539 = arith.index_cast %get3A_538 : i32 to index
      %get3A_540 = arith.constant 49 : index
      %get3A_541 = tpu.vector_load %arg8[%get3A_539, %get3A_540] {strides = array<i32>} : memref<16x65xf32, #tpu.memory_space<vmem>>, vector<16xf32>,
      tpu.vector_store_idx %arg6[%add3A_537], %get3A_541 : memref<16384xf32, #tpu.memory_space<vmem>>[vector<16xi32>], vector<16xf32>,
      %add3A_542 = arith.constant 791 : i32
      %add3A_543 = vector.broadcast %add3A_542 : i32 to vector<16xi32>
      %add3A_544 = arith.addi %get3A_5, %add3A_543 : vector<16xi32>
      %get3A_545 = arith.constant 7 : i32
      %get3A_546 = arith.index_cast %get3A_545 : i32 to index
      %get3A_547 = arith.constant 49 : index
      %get3A_548 = tpu.vector_load %arg8[%get3A_546, %get3A_547] {strides = array<i32>} : memref<16x65xf32, #tpu.memory_space<vmem>>, vector<16xf32>,
      tpu.vector_store_idx %arg6[%add3A_544], %get3A_548 : memref<16384xf32, #tpu.memory_space<vmem>>[vector<16xi32>], vector<16xf32>,
      %add3A_549 = arith.constant 792 : i32
      %add3A_550 = vector.broadcast %add3A_549 : i32 to vector<16xi32>
      %add3A_551 = arith.addi %get3A_5, %add3A_550 : vector<16xi32>
      %get3A_552 = arith.constant 8 : i32
      %get3A_553 = arith.index_cast %get3A_552 : i32 to index
      %get3A_554 = arith.constant 49 : index
      %get3A_555 = tpu.vector_load %arg8[%get3A_553, %get3A_554] {strides = array<i32>} : memref<16x65xf32, #tpu.memory_space<vmem>>, vector<16xf32>,
      tpu.vector_store_idx %arg6[%add3A_551], %get3A_555 : memref<16384xf32, #tpu.memory_space<vmem>>[vector<16xi32>], vector<16xf32>,
      %add3A_556 = arith.constant 793 : i32
      %add3A_557 = vector.broadcast %add3A_556 : i32 to vector<16xi32>
      %add3A_558 = arith.addi %get3A_5, %add3A_557 : vector<16xi32>
      %get3A_559 = arith.constant 9 : i32
      %get3A_560 = arith.index_cast %get3A_559 : i32 to index
      %get3A_561 = arith.constant 49 : index
      %get3A_562 = tpu.vector_load %arg8[%get3A_560, %get3A_561] {strides = array<i32>} : memref<16x65xf32, #tpu.memory_space<vmem>>, vector<16xf32>,
      tpu.vector_store_idx %arg6[%add3A_558], %get3A_562 : memref<16384xf32, #tpu.memory_space<vmem>>[vector<16xi32>], vector<16xf32>,
      %add3A_563 = arith.constant 794 : i32
      %add3A_564 = vector.broadcast %add3A_563 : i32 to vector<16xi32>
      %add3A_565 = arith.addi %get3A_5, %add3A_564 : vector<16xi32>
      %get3A_566 = arith.constant 10 : i32
      %get3A_567 = arith.index_cast %get3A_566 : i32 to index
      %get3A_568 = arith.constant 49 : index
      %get3A_569 = tpu.vector_load %arg8[%get3A_567, %get3A_568] {strides = array<i32>} : memref<16x65xf32, #tpu.memory_space<vmem>>, vector<16xf32>,
      tpu.vector_store_idx %arg6[%add3A_565], %get3A_569 : memref<16384xf32, #tpu.memory_space<vmem>>[vector<16xi32>], vector<16xf32>,
      %add3A_570 = arith.constant 795 : i32
      %add3A_571 = vector.broadcast %add3A_570 : i32 to vector<16xi32>
      %add3A_572 = arith.addi %get3A_5, %add3A_571 : vector<16xi32>
      %get3A_573 = arith.constant 11 : i32
      %get3A_574 = arith.index_cast %get3A_573 : i32 to index
      %get3A_575 = arith.constant 49 : index
      %get3A_576 = tpu.vector_load %arg8[%get3A_574, %get3A_575] {strides = array<i32>} : memref<16x65xf32, #tpu.memory_space<vmem>>, vector<16xf32>,
      tpu.vector_store_idx %arg6[%add3A_572], %get3A_576 : memref<16384xf32, #tpu.memory_space<vmem>>[vector<16xi32>], vector<16xf32>,
      %add3A_577 = arith.constant 796 : i32
      %add3A_578 = vector.broadcast %add3A_577 : i32 to vector<16xi32>
      %add3A_579 = arith.addi %get3A_5, %add3A_578 : vector<16xi32>
      %get3A_580 = arith.constant 12 : i32
      %get3A_581 = arith.index_cast %get3A_580 : i32 to index
      %get3A_582 = arith.constant 49 : index
      %get3A_583 = tpu.vector_load %arg8[%get3A_581, %get3A_582] {strides = array<i32>} : memref<16x65xf32, #tpu.memory_space<vmem>>, vector<16xf32>,
      tpu.vector_store_idx %arg6[%add3A_579], %get3A_583 : memref<16384xf32, #tpu.memory_space<vmem>>[vector<16xi32>], vector<16xf32>,
      %add3A_584 = arith.constant 797 : i32
      %add3A_585 = vector.broadcast %add3A_584 : i32 to vector<16xi32>
      %add3A_586 = arith.addi %get3A_5, %add3A_585 : vector<16xi32>
      %get3A_587 = arith.constant 13 : i32
      %get3A_588 = arith.index_cast %get3A_587 : i32 to index
      %get3A_589 = arith.constant 49 : index
      %get3A_590 = tpu.vector_load %arg8[%get3A_588, %get3A_589] {strides = array<i32>} : memref<16x65xf32, #tpu.memory_space<vmem>>, vector<16xf32>,
      tpu.vector_store_idx %arg6[%add3A_586], %get3A_590 : memref<16384xf32, #tpu.memory_space<vmem>>[vector<16xi32>], vector<16xf32>,
      %add3A_591 = arith.constant 798 : i32
      %add3A_592 = vector.broadcast %add3A_591 : i32 to vector<16xi32>
      %add3A_593 = arith.addi %get3A_5, %add3A_592 : vector<16xi32>
      %get3A_594 = arith.constant 14 : i32
      %get3A_595 = arith.index_cast %get3A_594 : i32 to index
      %get3A_596 = arith.constant 49 : index
      %get3A_597 = tpu.vector_load %arg8[%get3A_595, %get3A_596] {strides = array<i32>} : memref<16x65xf32, #tpu.memory_space<vmem>>, vector<16xf32>,
      tpu.vector_store_idx %arg6[%add3A_593], %get3A_597 : memref<16384xf32, #tpu.memory_space<vmem>>[vector<16xi32>], vector<16xf32>,
      %add3A_598 = arith.constant 799 : i32
      %add3A_599 = vector.broadcast %add3A_598 : i32 to vector<16xi32>
      %add3A_600 = arith.addi %get3A_5, %add3A_599 : vector<16xi32>
      %get3A_601 = arith.constant 15 : i32
      %get3A_602 = arith.index_cast %get3A_601 : i32 to index
      %get3A_603 = arith.constant 49 : index
      %get3A_604 = tpu.vector_load %arg8[%get3A_602, %get3A_603] {strides = array<i32>} : memref<16x65xf32, #tpu.memory_space<vmem>>, vector<16xf32>,
      tpu.vector_store_idx %arg6[%add3A_600], %get3A_604 : memref<16384xf32, #tpu.memory_space<vmem>>[vector<16xi32>], vector<16xf32>,
      "tpu.region"() ({
        %run_scoped3A = tpu.sem_alloc : memref<!tpu.dma_semaphore, #tpu.memory_space<semaphore_mem>>
        %dma_start3A_605 = arith.constant 0 : i32
        %dma_start3A_606 = tpu.memref_slice %arg6[%dma_start3A_605] : memref<16384xf32, #tpu.memory_space<vmem>> -> memref<1040xf32, #tpu.memory_space<vmem>>
        %dma_start3A_607 = arith.constant 41598976 : i32
        %dma_start3A_608 = tpu.memref_slice %arg3[%dma_start3A_607] : memref<41600016xf32, #tpu.memory_space<hbm>> -> memref<1040xf32, #tpu.memory_space<hbm>>
        %dma_start3A_609 = arith.constant 41598976 : i32
        %dma_start3A_610 = tpu.memref_slice %arg3[%dma_start3A_609] : memref<41600016xf32, #tpu.memory_space<hbm>> -> memref<1040xf32, #tpu.memory_space<hbm>>
        %dma_start3A_611 = arith.constant 0 : i32
        %dma_start3A_612 = tpu.memref_slice %arg6[%dma_start3A_611] : memref<16384xf32, #tpu.memory_space<vmem>> -> memref<1040xf32, #tpu.memory_space<vmem>>
        tpu.enqueue_dma source(%dma_start3A_612 : memref<1040xf32, #tpu.memory_space<vmem>>) target(%dma_start3A_610 : memref<1040xf32, #tpu.memory_space<hbm>>) target_semaphore(%run_scoped3A : memref<!tpu.dma_semaphore, #tpu.memory_space<semaphore_mem>>)
        %dma_wait3A_613 = arith.constant 0 : i32
        %dma_wait3A_614 = tpu.memref_slice %arg6[%dma_wait3A_613] : memref<16384xf32, #tpu.memory_space<vmem>> -> memref<1040xf32, #tpu.memory_space<vmem>>
        %dma_wait3A_615 = arith.constant 41598976 : i32
        %dma_wait3A_616 = tpu.memref_slice %arg3[%dma_wait3A_615] : memref<41600016xf32, #tpu.memory_space<hbm>> -> memref<1040xf32, #tpu.memory_space<hbm>>
        %dma_wait3A_617 = arith.constant 41598976 : i32
        %dma_wait3A_618 = tpu.memref_slice %arg3[%dma_wait3A_617] : memref<41600016xf32, #tpu.memory_space<hbm>> -> memref<1040xf32, #tpu.memory_space<hbm>>
        %dma_wait3A_619 = arith.constant 0 : i32
        %dma_wait3A_620 = tpu.memref_slice %arg6[%dma_wait3A_619] : memref<16384xf32, #tpu.memory_space<vmem>> -> memref<1040xf32, #tpu.memory_space<vmem>>
        tpu.wait_dma2 semaphore(%run_scoped3A : memref<!tpu.dma_semaphore, #tpu.memory_space<semaphore_mem>>) src(%dma_wait3A_620 : memref<1040xf32, #tpu.memory_space<vmem>>) dst(%dma_wait3A_618 : memref<1040xf32, #tpu.memory_space<hbm>>)
        tpu.yield
      }) : () -> ()
    } else {
    }
    return
  }
}

#map = affine_map<(d0, d1) -> (0)>
#map1 = affine_map<(d0, d1) -> (0, 0)>
#map2 = affine_map<(d0, d1) -> (0, 0, 0)>
module attributes {stable_mosaic.version = 14 : i64} {
  func.func @_emb_lookup(%arg0: i32, %arg1: i32, %arg2: memref<425984xi32, #tpu.memory_space<hbm>>, %arg3: memref<2600001x16xf32, #tpu.memory_space<hbm>>, %arg4: memref<26x16x16384xf32, #tpu.memory_space<hbm>>, %arg5: memref<512xi32, #tpu.memory_space<vmem>>, %arg6: memref<512x16xf32, #tpu.memory_space<vmem>>, %arg7: memref<16x512xf32, #tpu.memory_space<vmem>>, %arg8: memref<16xi32, #tpu.memory_space<vmem>>, %arg9: memref<!tpu.dma_semaphore, #tpu.memory_space<semaphore_mem>>) attributes {dimension_semantics = [#tpu.dimension_semantics<core_parallel>, #tpu.dimension_semantics<subcore_parallel>], iteration_bounds = array<i64: 2, 16>, scalar_prefetch = 0 : i64, scratch_operands = 5 : i64, tpu.core_type = #tpu.core_type<sc_vector_subcore>, window_params = [{transform_indices = #map}, {transform_indices = #map1}, {transform_indices = #map2}]} {
    %mul3A = arith.constant 2 : i32
    %mul3A_0 = arith.muli %arg1, %mul3A : i32
    %add3A = arith.addi %mul3A_0, %arg0 : i32
    %mul3A_1 = arith.constant 512 : i32
    %mul3A_2 = arith.muli %add3A, %mul3A_1 : i32
    %iota3A = tpu.iota {dimensions = array<i32: 0>} : vector<16xi32>
    %swap3A = arith.constant 0 : index
    %swap3A_3 = tpu.vector_load %arg8[%swap3A] {strides = array<i32>} : memref<16xi32, #tpu.memory_space<vmem>>, vector<16xi32>,
    tpu.vector_store %arg8[%swap3A], %iota3A {strides = array<i32>} : memref<16xi32, #tpu.memory_space<vmem>>, vector<16xi32>,
    %scan3A = arith.constant 0 : i32
    %scan3A_4 = arith.constant 0 : i32
    %scan3A_5 = arith.constant 26 : i32
    %scan3A_6 = arith.addi %scan3A_4, %scan3A_5 : i32
    %scan3A_7 = arith.constant 1 : i32
    scf.for %scan3A_9 = %scan3A_4 to %scan3A_6 step %scan3A_7  : i32 {
      %mul3A_10 = arith.constant 16384 : i32
      %mul3A_11 = arith.muli %scan3A_9, %mul3A_10 : i32
      %add3A_12 = arith.addi %mul3A_11, %mul3A_2 : i32
      "tpu.region"() ({
        %run_scoped3A = tpu.sem_alloc : memref<!tpu.dma_semaphore, #tpu.memory_space<semaphore_mem>>
        %dma_start3A_81 = tpu.memref_slice %arg2[%add3A_12] : memref<425984xi32, #tpu.memory_space<hbm>> -> memref<512xi32, #tpu.memory_space<hbm>>
        %dma_start3A_82 = tpu.memref_slice %arg2[%add3A_12] : memref<425984xi32, #tpu.memory_space<hbm>> -> memref<512xi32, #tpu.memory_space<hbm>>
        tpu.enqueue_dma source(%dma_start3A_82 : memref<512xi32, #tpu.memory_space<hbm>>) target(%arg5 : memref<512xi32, #tpu.memory_space<vmem>>) target_semaphore(%run_scoped3A : memref<!tpu.dma_semaphore, #tpu.memory_space<semaphore_mem>>)
        %dma_wait3A_83 = tpu.memref_slice %arg2[%add3A_12] : memref<425984xi32, #tpu.memory_space<hbm>> -> memref<512xi32, #tpu.memory_space<hbm>>
        %dma_wait3A_84 = tpu.memref_slice %arg2[%add3A_12] : memref<425984xi32, #tpu.memory_space<hbm>> -> memref<512xi32, #tpu.memory_space<hbm>>
        tpu.wait_dma2 semaphore(%run_scoped3A : memref<!tpu.dma_semaphore, #tpu.memory_space<semaphore_mem>>) src(%dma_wait3A_84 : memref<512xi32, #tpu.memory_space<hbm>>) dst(%arg5 : memref<512xi32, #tpu.memory_space<vmem>>)
        tpu.yield
      }) : () -> ()
      %dma_start3A = arith.constant 0 : i32
      %dma_start3A_13 = arith.constant 0 : i32
      %dma_start3A_14 = tpu.memref_slice %arg6[%dma_start3A, %dma_start3A_13] : memref<512x16xf32, #tpu.memory_space<vmem>> -> memref<128x16xf32, #tpu.memory_space<vmem>>
      %dma_start3A_15 = arith.constant 0 : i32
      %dma_start3A_16 = tpu.memref_slice %arg5[%dma_start3A_15] : memref<512xi32, #tpu.memory_space<vmem>> -> memref<128xi32, #tpu.memory_space<vmem>>
      %dma_start3A_17 = arith.constant 0 : i32
      %dma_start3A_18 = arith.constant 0 : i32
      %dma_start3A_19 = tpu.memref_slice %arg3[%dma_start3A_17, %dma_start3A_18] : memref<2600001x16xf32, #tpu.memory_space<hbm>> -> memref<2600001x16xf32, #tpu.memory_space<hbm>>
      tpu.enqueue_indirect_dma source(%dma_start3A_19 : memref<2600001x16xf32, #tpu.memory_space<hbm>>) target(%dma_start3A_14 : memref<128x16xf32, #tpu.memory_space<vmem>>) offsets(%dma_start3A_16 : memref<128xi32, #tpu.memory_space<vmem>>) semaphore(%arg9 : memref<!tpu.dma_semaphore, #tpu.memory_space<semaphore_mem>>)
      %dma_start3A_20 = arith.constant 128 : i32
      %dma_start3A_21 = arith.constant 0 : i32
      %dma_start3A_22 = tpu.memref_slice %arg6[%dma_start3A_20, %dma_start3A_21] : memref<512x16xf32, #tpu.memory_space<vmem>> -> memref<128x16xf32, #tpu.memory_space<vmem>>
      %dma_start3A_23 = arith.constant 128 : i32
      %dma_start3A_24 = tpu.memref_slice %arg5[%dma_start3A_23] : memref<512xi32, #tpu.memory_space<vmem>> -> memref<128xi32, #tpu.memory_space<vmem>>
      %dma_start3A_25 = arith.constant 0 : i32
      %dma_start3A_26 = arith.constant 0 : i32
      %dma_start3A_27 = tpu.memref_slice %arg3[%dma_start3A_25, %dma_start3A_26] : memref<2600001x16xf32, #tpu.memory_space<hbm>> -> memref<2600001x16xf32, #tpu.memory_space<hbm>>
      tpu.enqueue_indirect_dma source(%dma_start3A_27 : memref<2600001x16xf32, #tpu.memory_space<hbm>>) target(%dma_start3A_22 : memref<128x16xf32, #tpu.memory_space<vmem>>) offsets(%dma_start3A_24 : memref<128xi32, #tpu.memory_space<vmem>>) semaphore(%arg9 : memref<!tpu.dma_semaphore, #tpu.memory_space<semaphore_mem>>)
      %dma_start3A_28 = arith.constant 256 : i32
      %dma_start3A_29 = arith.constant 0 : i32
      %dma_start3A_30 = tpu.memref_slice %arg6[%dma_start3A_28, %dma_start3A_29] : memref<512x16xf32, #tpu.memory_space<vmem>> -> memref<128x16xf32, #tpu.memory_space<vmem>>
      %dma_start3A_31 = arith.constant 256 : i32
      %dma_start3A_32 = tpu.memref_slice %arg5[%dma_start3A_31] : memref<512xi32, #tpu.memory_space<vmem>> -> memref<128xi32, #tpu.memory_space<vmem>>
      %dma_start3A_33 = arith.constant 0 : i32
      %dma_start3A_34 = arith.constant 0 : i32
      %dma_start3A_35 = tpu.memref_slice %arg3[%dma_start3A_33, %dma_start3A_34] : memref<2600001x16xf32, #tpu.memory_space<hbm>> -> memref<2600001x16xf32, #tpu.memory_space<hbm>>
      tpu.enqueue_indirect_dma source(%dma_start3A_35 : memref<2600001x16xf32, #tpu.memory_space<hbm>>) target(%dma_start3A_30 : memref<128x16xf32, #tpu.memory_space<vmem>>) offsets(%dma_start3A_32 : memref<128xi32, #tpu.memory_space<vmem>>) semaphore(%arg9 : memref<!tpu.dma_semaphore, #tpu.memory_space<semaphore_mem>>)
      %dma_start3A_36 = arith.constant 384 : i32
      %dma_start3A_37 = arith.constant 0 : i32
      %dma_start3A_38 = tpu.memref_slice %arg6[%dma_start3A_36, %dma_start3A_37] : memref<512x16xf32, #tpu.memory_space<vmem>> -> memref<128x16xf32, #tpu.memory_space<vmem>>
      %dma_start3A_39 = arith.constant 384 : i32
      %dma_start3A_40 = tpu.memref_slice %arg5[%dma_start3A_39] : memref<512xi32, #tpu.memory_space<vmem>> -> memref<128xi32, #tpu.memory_space<vmem>>
      %dma_start3A_41 = arith.constant 0 : i32
      %dma_start3A_42 = arith.constant 0 : i32
      %dma_start3A_43 = tpu.memref_slice %arg3[%dma_start3A_41, %dma_start3A_42] : memref<2600001x16xf32, #tpu.memory_space<hbm>> -> memref<2600001x16xf32, #tpu.memory_space<hbm>>
      tpu.enqueue_indirect_dma source(%dma_start3A_43 : memref<2600001x16xf32, #tpu.memory_space<hbm>>) target(%dma_start3A_38 : memref<128x16xf32, #tpu.memory_space<vmem>>) offsets(%dma_start3A_40 : memref<128xi32, #tpu.memory_space<vmem>>) semaphore(%arg9 : memref<!tpu.dma_semaphore, #tpu.memory_space<semaphore_mem>>)
      %dma_wait3A = arith.constant 0 : i32
      %dma_wait3A_44 = arith.constant 0 : i32
      %dma_wait3A_45 = tpu.memref_slice %arg6[%dma_wait3A, %dma_wait3A_44] : memref<512x16xf32, #tpu.memory_space<vmem>> -> memref<128x16xf32, #tpu.memory_space<vmem>>
      %dma_wait3A_46 = arith.constant 0 : i32
      %dma_wait3A_47 = tpu.memref_slice %arg5[%dma_wait3A_46] : memref<512xi32, #tpu.memory_space<vmem>> -> memref<128xi32, #tpu.memory_space<vmem>>
      %dma_wait3A_48 = arith.constant 0 : i32
      %dma_wait3A_49 = arith.constant 0 : i32
      %dma_wait3A_50 = tpu.memref_slice %arg3[%dma_wait3A_48, %dma_wait3A_49] : memref<2600001x16xf32, #tpu.memory_space<hbm>> -> memref<2600001x16xf32, #tpu.memory_space<hbm>>
      tpu.wait_indirect_dma semaphore(%arg9 : memref<!tpu.dma_semaphore, #tpu.memory_space<semaphore_mem>>) src(%dma_wait3A_50 : memref<2600001x16xf32, #tpu.memory_space<hbm>>) dst(%dma_wait3A_45 : memref<128x16xf32, #tpu.memory_space<vmem>>)
      %dma_wait3A_51 = arith.constant 128 : i32
      %dma_wait3A_52 = arith.constant 0 : i32
      %dma_wait3A_53 = tpu.memref_slice %arg6[%dma_wait3A_51, %dma_wait3A_52] : memref<512x16xf32, #tpu.memory_space<vmem>> -> memref<128x16xf32, #tpu.memory_space<vmem>>
      %dma_wait3A_54 = arith.constant 128 : i32
      %dma_wait3A_55 = tpu.memref_slice %arg5[%dma_wait3A_54] : memref<512xi32, #tpu.memory_space<vmem>> -> memref<128xi32, #tpu.memory_space<vmem>>
      %dma_wait3A_56 = arith.constant 0 : i32
      %dma_wait3A_57 = arith.constant 0 : i32
      %dma_wait3A_58 = tpu.memref_slice %arg3[%dma_wait3A_56, %dma_wait3A_57] : memref<2600001x16xf32, #tpu.memory_space<hbm>> -> memref<2600001x16xf32, #tpu.memory_space<hbm>>
      tpu.wait_indirect_dma semaphore(%arg9 : memref<!tpu.dma_semaphore, #tpu.memory_space<semaphore_mem>>) src(%dma_wait3A_58 : memref<2600001x16xf32, #tpu.memory_space<hbm>>) dst(%dma_wait3A_53 : memref<128x16xf32, #tpu.memory_space<vmem>>)
      %dma_wait3A_59 = arith.constant 256 : i32
      %dma_wait3A_60 = arith.constant 0 : i32
      %dma_wait3A_61 = tpu.memref_slice %arg6[%dma_wait3A_59, %dma_wait3A_60] : memref<512x16xf32, #tpu.memory_space<vmem>> -> memref<128x16xf32, #tpu.memory_space<vmem>>
      %dma_wait3A_62 = arith.constant 256 : i32
      %dma_wait3A_63 = tpu.memref_slice %arg5[%dma_wait3A_62] : memref<512xi32, #tpu.memory_space<vmem>> -> memref<128xi32, #tpu.memory_space<vmem>>
      %dma_wait3A_64 = arith.constant 0 : i32
      %dma_wait3A_65 = arith.constant 0 : i32
      %dma_wait3A_66 = tpu.memref_slice %arg3[%dma_wait3A_64, %dma_wait3A_65] : memref<2600001x16xf32, #tpu.memory_space<hbm>> -> memref<2600001x16xf32, #tpu.memory_space<hbm>>
      tpu.wait_indirect_dma semaphore(%arg9 : memref<!tpu.dma_semaphore, #tpu.memory_space<semaphore_mem>>) src(%dma_wait3A_66 : memref<2600001x16xf32, #tpu.memory_space<hbm>>) dst(%dma_wait3A_61 : memref<128x16xf32, #tpu.memory_space<vmem>>)
      %dma_wait3A_67 = arith.constant 384 : i32
      %dma_wait3A_68 = arith.constant 0 : i32
      %dma_wait3A_69 = tpu.memref_slice %arg6[%dma_wait3A_67, %dma_wait3A_68] : memref<512x16xf32, #tpu.memory_space<vmem>> -> memref<128x16xf32, #tpu.memory_space<vmem>>
      %dma_wait3A_70 = arith.constant 384 : i32
      %dma_wait3A_71 = tpu.memref_slice %arg5[%dma_wait3A_70] : memref<512xi32, #tpu.memory_space<vmem>> -> memref<128xi32, #tpu.memory_space<vmem>>
      %dma_wait3A_72 = arith.constant 0 : i32
      %dma_wait3A_73 = arith.constant 0 : i32
      %dma_wait3A_74 = tpu.memref_slice %arg3[%dma_wait3A_72, %dma_wait3A_73] : memref<2600001x16xf32, #tpu.memory_space<hbm>> -> memref<2600001x16xf32, #tpu.memory_space<hbm>>
      tpu.wait_indirect_dma semaphore(%arg9 : memref<!tpu.dma_semaphore, #tpu.memory_space<semaphore_mem>>) src(%dma_wait3A_74 : memref<2600001x16xf32, #tpu.memory_space<hbm>>) dst(%dma_wait3A_69 : memref<128x16xf32, #tpu.memory_space<vmem>>)
      %scan3A_75 = arith.constant 0 : i32
      %scan3A_76 = arith.constant 0 : i32
      %scan3A_77 = arith.constant 32 : i32
      %scan3A_78 = arith.addi %scan3A_76, %scan3A_77 : i32
      %scan3A_79 = arith.constant 1 : i32
      scf.for %scan3A_81 = %scan3A_76 to %scan3A_78 step %scan3A_79  : i32 {
        %get3A = arith.constant 0 : index
        %get3A_82 = tpu.vector_load %arg8[%get3A] {strides = array<i32>} : memref<16xi32, #tpu.memory_space<vmem>>, vector<16xi32>,
        %mul3A_83 = arith.constant 16 : i32
        %mul3A_84 = arith.muli %scan3A_81, %mul3A_83 : i32
        %add3A_85 = arith.constant 0 : i32
        %add3A_86 = arith.addi %mul3A_84, %add3A_85 : i32
        %broadcast_in_dim3A = vector.broadcast %add3A_86 : i32 to vector<16xi32>
        %get3A_87 = arith.index_cast %add3A_86 : i32 to index
        %get3A_88 = arith.constant 0 : index
        %get3A_89 = tpu.vector_load %arg6[%get3A_87, %get3A_88] {strides = array<i32>} : memref<512x16xf32, #tpu.memory_space<vmem>>, vector<16xf32>,
        tpu.vector_store_idx %arg7[%get3A_82, %broadcast_in_dim3A], %get3A_89 : memref<16x512xf32, #tpu.memory_space<vmem>>[vector<16xi32>, vector<16xi32>], vector<16xf32>,
        %mul3A_90 = arith.constant 16 : i32
        %mul3A_91 = arith.muli %scan3A_81, %mul3A_90 : i32
        %add3A_92 = arith.constant 1 : i32
        %add3A_93 = arith.addi %mul3A_91, %add3A_92 : i32
        %broadcast_in_dim3A_94 = vector.broadcast %add3A_93 : i32 to vector<16xi32>
        %get3A_95 = arith.index_cast %add3A_93 : i32 to index
        %get3A_96 = arith.constant 0 : index
        %get3A_97 = tpu.vector_load %arg6[%get3A_95, %get3A_96] {strides = array<i32>} : memref<512x16xf32, #tpu.memory_space<vmem>>, vector<16xf32>,
        tpu.vector_store_idx %arg7[%get3A_82, %broadcast_in_dim3A_94], %get3A_97 : memref<16x512xf32, #tpu.memory_space<vmem>>[vector<16xi32>, vector<16xi32>], vector<16xf32>,
        %mul3A_98 = arith.constant 16 : i32
        %mul3A_99 = arith.muli %scan3A_81, %mul3A_98 : i32
        %add3A_100 = arith.constant 2 : i32
        %add3A_101 = arith.addi %mul3A_99, %add3A_100 : i32
        %broadcast_in_dim3A_102 = vector.broadcast %add3A_101 : i32 to vector<16xi32>
        %get3A_103 = arith.index_cast %add3A_101 : i32 to index
        %get3A_104 = arith.constant 0 : index
        %get3A_105 = tpu.vector_load %arg6[%get3A_103, %get3A_104] {strides = array<i32>} : memref<512x16xf32, #tpu.memory_space<vmem>>, vector<16xf32>,
        tpu.vector_store_idx %arg7[%get3A_82, %broadcast_in_dim3A_102], %get3A_105 : memref<16x512xf32, #tpu.memory_space<vmem>>[vector<16xi32>, vector<16xi32>], vector<16xf32>,
        %mul3A_106 = arith.constant 16 : i32
        %mul3A_107 = arith.muli %scan3A_81, %mul3A_106 : i32
        %add3A_108 = arith.constant 3 : i32
        %add3A_109 = arith.addi %mul3A_107, %add3A_108 : i32
        %broadcast_in_dim3A_110 = vector.broadcast %add3A_109 : i32 to vector<16xi32>
        %get3A_111 = arith.index_cast %add3A_109 : i32 to index
        %get3A_112 = arith.constant 0 : index
        %get3A_113 = tpu.vector_load %arg6[%get3A_111, %get3A_112] {strides = array<i32>} : memref<512x16xf32, #tpu.memory_space<vmem>>, vector<16xf32>,
        tpu.vector_store_idx %arg7[%get3A_82, %broadcast_in_dim3A_110], %get3A_113 : memref<16x512xf32, #tpu.memory_space<vmem>>[vector<16xi32>, vector<16xi32>], vector<16xf32>,
        %mul3A_114 = arith.constant 16 : i32
        %mul3A_115 = arith.muli %scan3A_81, %mul3A_114 : i32
        %add3A_116 = arith.constant 4 : i32
        %add3A_117 = arith.addi %mul3A_115, %add3A_116 : i32
        %broadcast_in_dim3A_118 = vector.broadcast %add3A_117 : i32 to vector<16xi32>
        %get3A_119 = arith.index_cast %add3A_117 : i32 to index
        %get3A_120 = arith.constant 0 : index
        %get3A_121 = tpu.vector_load %arg6[%get3A_119, %get3A_120] {strides = array<i32>} : memref<512x16xf32, #tpu.memory_space<vmem>>, vector<16xf32>,
        tpu.vector_store_idx %arg7[%get3A_82, %broadcast_in_dim3A_118], %get3A_121 : memref<16x512xf32, #tpu.memory_space<vmem>>[vector<16xi32>, vector<16xi32>], vector<16xf32>,
        %mul3A_122 = arith.constant 16 : i32
        %mul3A_123 = arith.muli %scan3A_81, %mul3A_122 : i32
        %add3A_124 = arith.constant 5 : i32
        %add3A_125 = arith.addi %mul3A_123, %add3A_124 : i32
        %broadcast_in_dim3A_126 = vector.broadcast %add3A_125 : i32 to vector<16xi32>
        %get3A_127 = arith.index_cast %add3A_125 : i32 to index
        %get3A_128 = arith.constant 0 : index
        %get3A_129 = tpu.vector_load %arg6[%get3A_127, %get3A_128] {strides = array<i32>} : memref<512x16xf32, #tpu.memory_space<vmem>>, vector<16xf32>,
        tpu.vector_store_idx %arg7[%get3A_82, %broadcast_in_dim3A_126], %get3A_129 : memref<16x512xf32, #tpu.memory_space<vmem>>[vector<16xi32>, vector<16xi32>], vector<16xf32>,
        %mul3A_130 = arith.constant 16 : i32
        %mul3A_131 = arith.muli %scan3A_81, %mul3A_130 : i32
        %add3A_132 = arith.constant 6 : i32
        %add3A_133 = arith.addi %mul3A_131, %add3A_132 : i32
        %broadcast_in_dim3A_134 = vector.broadcast %add3A_133 : i32 to vector<16xi32>
        %get3A_135 = arith.index_cast %add3A_133 : i32 to index
        %get3A_136 = arith.constant 0 : index
        %get3A_137 = tpu.vector_load %arg6[%get3A_135, %get3A_136] {strides = array<i32>} : memref<512x16xf32, #tpu.memory_space<vmem>>, vector<16xf32>,
        tpu.vector_store_idx %arg7[%get3A_82, %broadcast_in_dim3A_134], %get3A_137 : memref<16x512xf32, #tpu.memory_space<vmem>>[vector<16xi32>, vector<16xi32>], vector<16xf32>,
        %mul3A_138 = arith.constant 16 : i32
        %mul3A_139 = arith.muli %scan3A_81, %mul3A_138 : i32
        %add3A_140 = arith.constant 7 : i32
        %add3A_141 = arith.addi %mul3A_139, %add3A_140 : i32
        %broadcast_in_dim3A_142 = vector.broadcast %add3A_141 : i32 to vector<16xi32>
        %get3A_143 = arith.index_cast %add3A_141 : i32 to index
        %get3A_144 = arith.constant 0 : index
        %get3A_145 = tpu.vector_load %arg6[%get3A_143, %get3A_144] {strides = array<i32>} : memref<512x16xf32, #tpu.memory_space<vmem>>, vector<16xf32>,
        tpu.vector_store_idx %arg7[%get3A_82, %broadcast_in_dim3A_142], %get3A_145 : memref<16x512xf32, #tpu.memory_space<vmem>>[vector<16xi32>, vector<16xi32>], vector<16xf32>,
        %mul3A_146 = arith.constant 16 : i32
        %mul3A_147 = arith.muli %scan3A_81, %mul3A_146 : i32
        %add3A_148 = arith.constant 8 : i32
        %add3A_149 = arith.addi %mul3A_147, %add3A_148 : i32
        %broadcast_in_dim3A_150 = vector.broadcast %add3A_149 : i32 to vector<16xi32>
        %get3A_151 = arith.index_cast %add3A_149 : i32 to index
        %get3A_152 = arith.constant 0 : index
        %get3A_153 = tpu.vector_load %arg6[%get3A_151, %get3A_152] {strides = array<i32>} : memref<512x16xf32, #tpu.memory_space<vmem>>, vector<16xf32>,
        tpu.vector_store_idx %arg7[%get3A_82, %broadcast_in_dim3A_150], %get3A_153 : memref<16x512xf32, #tpu.memory_space<vmem>>[vector<16xi32>, vector<16xi32>], vector<16xf32>,
        %mul3A_154 = arith.constant 16 : i32
        %mul3A_155 = arith.muli %scan3A_81, %mul3A_154 : i32
        %add3A_156 = arith.constant 9 : i32
        %add3A_157 = arith.addi %mul3A_155, %add3A_156 : i32
        %broadcast_in_dim3A_158 = vector.broadcast %add3A_157 : i32 to vector<16xi32>
        %get3A_159 = arith.index_cast %add3A_157 : i32 to index
        %get3A_160 = arith.constant 0 : index
        %get3A_161 = tpu.vector_load %arg6[%get3A_159, %get3A_160] {strides = array<i32>} : memref<512x16xf32, #tpu.memory_space<vmem>>, vector<16xf32>,
        tpu.vector_store_idx %arg7[%get3A_82, %broadcast_in_dim3A_158], %get3A_161 : memref<16x512xf32, #tpu.memory_space<vmem>>[vector<16xi32>, vector<16xi32>], vector<16xf32>,
        %mul3A_162 = arith.constant 16 : i32
        %mul3A_163 = arith.muli %scan3A_81, %mul3A_162 : i32
        %add3A_164 = arith.constant 10 : i32
        %add3A_165 = arith.addi %mul3A_163, %add3A_164 : i32
        %broadcast_in_dim3A_166 = vector.broadcast %add3A_165 : i32 to vector<16xi32>
        %get3A_167 = arith.index_cast %add3A_165 : i32 to index
        %get3A_168 = arith.constant 0 : index
        %get3A_169 = tpu.vector_load %arg6[%get3A_167, %get3A_168] {strides = array<i32>} : memref<512x16xf32, #tpu.memory_space<vmem>>, vector<16xf32>,
        tpu.vector_store_idx %arg7[%get3A_82, %broadcast_in_dim3A_166], %get3A_169 : memref<16x512xf32, #tpu.memory_space<vmem>>[vector<16xi32>, vector<16xi32>], vector<16xf32>,
        %mul3A_170 = arith.constant 16 : i32
        %mul3A_171 = arith.muli %scan3A_81, %mul3A_170 : i32
        %add3A_172 = arith.constant 11 : i32
        %add3A_173 = arith.addi %mul3A_171, %add3A_172 : i32
        %broadcast_in_dim3A_174 = vector.broadcast %add3A_173 : i32 to vector<16xi32>
        %get3A_175 = arith.index_cast %add3A_173 : i32 to index
        %get3A_176 = arith.constant 0 : index
        %get3A_177 = tpu.vector_load %arg6[%get3A_175, %get3A_176] {strides = array<i32>} : memref<512x16xf32, #tpu.memory_space<vmem>>, vector<16xf32>,
        tpu.vector_store_idx %arg7[%get3A_82, %broadcast_in_dim3A_174], %get3A_177 : memref<16x512xf32, #tpu.memory_space<vmem>>[vector<16xi32>, vector<16xi32>], vector<16xf32>,
        %mul3A_178 = arith.constant 16 : i32
        %mul3A_179 = arith.muli %scan3A_81, %mul3A_178 : i32
        %add3A_180 = arith.constant 12 : i32
        %add3A_181 = arith.addi %mul3A_179, %add3A_180 : i32
        %broadcast_in_dim3A_182 = vector.broadcast %add3A_181 : i32 to vector<16xi32>
        %get3A_183 = arith.index_cast %add3A_181 : i32 to index
        %get3A_184 = arith.constant 0 : index
        %get3A_185 = tpu.vector_load %arg6[%get3A_183, %get3A_184] {strides = array<i32>} : memref<512x16xf32, #tpu.memory_space<vmem>>, vector<16xf32>,
        tpu.vector_store_idx %arg7[%get3A_82, %broadcast_in_dim3A_182], %get3A_185 : memref<16x512xf32, #tpu.memory_space<vmem>>[vector<16xi32>, vector<16xi32>], vector<16xf32>,
        %mul3A_186 = arith.constant 16 : i32
        %mul3A_187 = arith.muli %scan3A_81, %mul3A_186 : i32
        %add3A_188 = arith.constant 13 : i32
        %add3A_189 = arith.addi %mul3A_187, %add3A_188 : i32
        %broadcast_in_dim3A_190 = vector.broadcast %add3A_189 : i32 to vector<16xi32>
        %get3A_191 = arith.index_cast %add3A_189 : i32 to index
        %get3A_192 = arith.constant 0 : index
        %get3A_193 = tpu.vector_load %arg6[%get3A_191, %get3A_192] {strides = array<i32>} : memref<512x16xf32, #tpu.memory_space<vmem>>, vector<16xf32>,
        tpu.vector_store_idx %arg7[%get3A_82, %broadcast_in_dim3A_190], %get3A_193 : memref<16x512xf32, #tpu.memory_space<vmem>>[vector<16xi32>, vector<16xi32>], vector<16xf32>,
        %mul3A_194 = arith.constant 16 : i32
        %mul3A_195 = arith.muli %scan3A_81, %mul3A_194 : i32
        %add3A_196 = arith.constant 14 : i32
        %add3A_197 = arith.addi %mul3A_195, %add3A_196 : i32
        %broadcast_in_dim3A_198 = vector.broadcast %add3A_197 : i32 to vector<16xi32>
        %get3A_199 = arith.index_cast %add3A_197 : i32 to index
        %get3A_200 = arith.constant 0 : index
        %get3A_201 = tpu.vector_load %arg6[%get3A_199, %get3A_200] {strides = array<i32>} : memref<512x16xf32, #tpu.memory_space<vmem>>, vector<16xf32>,
        tpu.vector_store_idx %arg7[%get3A_82, %broadcast_in_dim3A_198], %get3A_201 : memref<16x512xf32, #tpu.memory_space<vmem>>[vector<16xi32>, vector<16xi32>], vector<16xf32>,
        %mul3A_202 = arith.constant 16 : i32
        %mul3A_203 = arith.muli %scan3A_81, %mul3A_202 : i32
        %add3A_204 = arith.constant 15 : i32
        %add3A_205 = arith.addi %mul3A_203, %add3A_204 : i32
        %broadcast_in_dim3A_206 = vector.broadcast %add3A_205 : i32 to vector<16xi32>
        %get3A_207 = arith.index_cast %add3A_205 : i32 to index
        %get3A_208 = arith.constant 0 : index
        %get3A_209 = tpu.vector_load %arg6[%get3A_207, %get3A_208] {strides = array<i32>} : memref<512x16xf32, #tpu.memory_space<vmem>>, vector<16xf32>,
        tpu.vector_store_idx %arg7[%get3A_82, %broadcast_in_dim3A_206], %get3A_209 : memref<16x512xf32, #tpu.memory_space<vmem>>[vector<16xi32>, vector<16xi32>], vector<16xf32>,
      }
      %scan3A_80 = arith.constant 32 : i32
      "tpu.region"() ({
        %run_scoped3A = tpu.sem_alloc : memref<!tpu.dma_semaphore, #tpu.memory_space<semaphore_mem>>
        %dma_start3A_81 = arith.constant 0 : i32
        %dma_start3A_82 = arith.constant 0 : i32
        %dma_start3A_83 = tpu.memref_slice %arg4[%scan3A_9, %dma_start3A_81, %dma_start3A_82] : memref<26x16x16384xf32, #tpu.memory_space<hbm>> -> memref<1x16x16384xf32, #tpu.memory_space<hbm>>
        %dma_start3A_84 = tpu.memref_squeeze %dma_start3A_83 : memref<1x16x16384xf32, #tpu.memory_space<hbm>> -> memref<16x16384xf32, #tpu.memory_space<hbm>>
        %dma_start3A_85 = arith.constant 0 : i32
        %dma_start3A_86 = tpu.memref_slice %dma_start3A_84[%dma_start3A_85, %mul3A_2] : memref<16x16384xf32, #tpu.memory_space<hbm>> -> memref<16x512xf32, #tpu.memory_space<hbm>>
        %dma_start3A_87 = arith.constant 0 : i32
        %dma_start3A_88 = arith.constant 0 : i32
        %dma_start3A_89 = tpu.memref_slice %arg4[%scan3A_9, %dma_start3A_87, %dma_start3A_88] : memref<26x16x16384xf32, #tpu.memory_space<hbm>> -> memref<1x16x16384xf32, #tpu.memory_space<hbm>>
        %dma_start3A_90 = tpu.memref_squeeze %dma_start3A_89 : memref<1x16x16384xf32, #tpu.memory_space<hbm>> -> memref<16x16384xf32, #tpu.memory_space<hbm>>
        %dma_start3A_91 = arith.constant 0 : i32
        %dma_start3A_92 = tpu.memref_slice %dma_start3A_90[%dma_start3A_91, %mul3A_2] : memref<16x16384xf32, #tpu.memory_space<hbm>> -> memref<16x512xf32, #tpu.memory_space<hbm>>
        tpu.enqueue_dma source(%arg7 : memref<16x512xf32, #tpu.memory_space<vmem>>) target(%dma_start3A_92 : memref<16x512xf32, #tpu.memory_space<hbm>>) target_semaphore(%run_scoped3A : memref<!tpu.dma_semaphore, #tpu.memory_space<semaphore_mem>>)
        %dma_wait3A_93 = arith.constant 0 : i32
        %dma_wait3A_94 = arith.constant 0 : i32
        %dma_wait3A_95 = tpu.memref_slice %arg4[%scan3A_9, %dma_wait3A_93, %dma_wait3A_94] : memref<26x16x16384xf32, #tpu.memory_space<hbm>> -> memref<1x16x16384xf32, #tpu.memory_space<hbm>>
        %dma_wait3A_96 = tpu.memref_squeeze %dma_wait3A_95 : memref<1x16x16384xf32, #tpu.memory_space<hbm>> -> memref<16x16384xf32, #tpu.memory_space<hbm>>
        %dma_wait3A_97 = arith.constant 0 : i32
        %dma_wait3A_98 = tpu.memref_slice %dma_wait3A_96[%dma_wait3A_97, %mul3A_2] : memref<16x16384xf32, #tpu.memory_space<hbm>> -> memref<16x512xf32, #tpu.memory_space<hbm>>
        %dma_wait3A_99 = arith.constant 0 : i32
        %dma_wait3A_100 = arith.constant 0 : i32
        %dma_wait3A_101 = tpu.memref_slice %arg4[%scan3A_9, %dma_wait3A_99, %dma_wait3A_100] : memref<26x16x16384xf32, #tpu.memory_space<hbm>> -> memref<1x16x16384xf32, #tpu.memory_space<hbm>>
        %dma_wait3A_102 = tpu.memref_squeeze %dma_wait3A_101 : memref<1x16x16384xf32, #tpu.memory_space<hbm>> -> memref<16x16384xf32, #tpu.memory_space<hbm>>
        %dma_wait3A_103 = arith.constant 0 : i32
        %dma_wait3A_104 = tpu.memref_slice %dma_wait3A_102[%dma_wait3A_103, %mul3A_2] : memref<16x16384xf32, #tpu.memory_space<hbm>> -> memref<16x512xf32, #tpu.memory_space<hbm>>
        tpu.wait_dma2 semaphore(%run_scoped3A : memref<!tpu.dma_semaphore, #tpu.memory_space<semaphore_mem>>) src(%arg7 : memref<16x512xf32, #tpu.memory_space<vmem>>) dst(%dma_wait3A_104 : memref<16x512xf32, #tpu.memory_space<hbm>>)
        tpu.yield
      }) : () -> ()
    }
    %scan3A_8 = arith.constant 26 : i32
    return
  }
}

</mosaic_0001>

<sc_bundles>
// kernel: kernel.11.cloned.1.call-start
scs
__scs_entry_jumppad:
0x0: {  	(pc) =	sbr.rel $0x88, $3  }
0x1: {  	(tag) =	ssettag $0x0;
	lr =	simm.s32 $0x1  }
0x2: {  	[smem:$0x3F9F] =	sst lr;
	_ =	strace $0xD0000000  }
0x3: {  	_ = 	snop  }
0x4: {  	_ = 	snop  }
0x5: {  	_ = 	snop  }
0x6: {  	_ = 	snop  }
0x7: {  	_ = 	snop  }
__scs_overlays_trampoline_lowered:
0x8: {  	[smem:$0x3FAE] =	sst s0  }
0x9: {  	[smem:$0x3FAF] =	sst s1  }
0xa: {  	[smem:$0x3FB0] =	sst s2  }
0xb: {  	[smem:$0x3FB1] =	sst s3  }
0xc: {  	[smem:$0x3FB2] =	sst s4  }
0xd: {  	[smem:$0x3FB3] =	sst s5  }
0xe: {  	[smem:$0x3FB4] =	sst s6  }
0xf: {  	[smem:$0x3FB5] =	sst s7  }
0x10: {  	[smem:$0x3FB6] =	sst s8  }
0x11: {  	[smem:$0x3FB7] =	sst s9;
	s0 =	simm.s32 @!p0 $0x0  }
0x12: {  	s1 =	sld [smem:$0x3F9D];
	s0 =	simm.s32 @p0 $0x1  }
0x13: {  	[smem:$0x3FB8] =	sst s0;
	s0 =	simm.s32 @!p1 $0x0  }
0x14: {  	s2 =	sld [smem:$0x3F9C];
	s0 =	simm.s32 @p1 $0x1  }
0x15: {  	[smem:$0x3FB9] =	sst s0;
	s0 =	simm.s32 @!p2 $0x0  }
0x16: {  	s3 =	sld [smem:$0x3FDB];
	s0 =	simm.s32 @p2 $0x1  }
0x17: {  	s4 =	simm.s32 $0x1BF5;
	[smem:$0x3FBB] =	sst s0  }
0x18: {  	s0 =	sld [smem:$0x3F9E];
	_ =	swait.ge [sflag:s4], $0x0  }
0x19: {  	s7 =	sld [smem:$0x3F9F]  }
0x1a: {  	s8 =	sadd.s32 $0xFFFFE003, lr  }
0x1b: {  	s9 =	sadd.s32 $0xFFFFFEF7, lr;
	s5 =	simm.s32 $0xFFFFFFFF;
	p2 =	slt.u32 s8, $0xFFFFF086  }
0x1c: {  	p1 =	slt.u32 s9, $0xF7A;
	s5 =	simm.s32 @!p2 $0x0  }
0x1d: {  	s5 =	simm.s32 @p1 $0x1;
	p0 =	seq.s32 s7, s2  }
0x1e: {  	s7 =	smul.u32 @!p0 $0xF7A, s2;
	p2 =	seq.s32 @!p0 s5, $0x0  }
0x1f: {  	s9 =	smul.u32 $0xF7A, s1;
	s8 =	simm.s32 @!p0 $0x1BF5;
	p2 =	por !p2, p0  }
0x20: {  	[sflag:s8] =	ssyncset.s32 @!p0 $0xFFFFF086;
	s6 =	sadd.s32 @!p0 s3, s7;
	s7 =	simm.s32 @!p0 $0x108  }
0x21: {  	s3 =	sadd.s32 s3, s9;
	s6 =	sadd.s32 @!p0 $0x88, s6;
	s7 =	simm.s32 @p2 $0x1082  }
0x22: {  	[simem:s7], [sflag:s8] =	dma.local @!p0 [hbm:s6], $0xF7A  }
0x23: {  	s9 =	sor.u32 $0xD0000000, s2;
	s6 =	simm.s32 $0x108;
	_ =	swait.ge @!p0 [sflag:s8], $0x0  }
0x24: {  	s3 =	sadd.s32 $0x88, s3;
	s6 =	simm.s32 @!p1 $0x1082;
	[sflag:s4] =	ssyncset.s32 $0xFFFFF086  }
0x25: {  	[simem:s6], [sflag:s4] =	dma.local [hbm:s3], $0xF7A  }
0x26: {  	[smem:$0x3F9F] =	sst s1;
	(tag) =	ssettag s2;
	_ =	strace s9  }
0x27: {  	s1 =	sld [smem:$0x3FAF]  }
0x28: {  	s2 =	sld [smem:$0x3FB0]  }
0x29: {  	s4 =	sld [smem:$0x3FB2]  }
0x2a: {  	p0 =	seq.s32 s5, $0x0;
	s5 =	sld [smem:$0x3FB3]  }
0x2b: {  	s6 =	sld [smem:$0x3FB4]  }
0x2c: {  	s7 =	sld [smem:$0x3FB5]  }
0x2d: {  	s3 =	simm.s32 $0x108;
	s8 =	sld [smem:$0x3FB6]  }
0x2e: {  	s3 =	simm.s32 @!p0 $0x1082;
	s9 =	sld [smem:$0x3FB7]  }
0x2f: {  	lr =	sadd.s32 s0, s3;
	s0 =	sld [smem:$0x3FAE]  }
0x30: {  	s3 =	sld [smem:$0x3FB1]  }
0x31: {  	[smem:$0x3FBA] =	sst s10  }
0x32: {  	s10 =	sld [smem:$0x3FB8];
	_ =	sdelay $0x3  }
0x33: {  	p0 =	seq.s32 s10, $0x1;
	s10 =	sld [smem:$0x3FBA];
	_ =	sdelay $0x3  }
0x34: {  	[smem:$0x3FBA] =	sst s10  }
0x35: {  	s10 =	sld [smem:$0x3FB9];
	_ =	sdelay $0x3  }
0x36: {  	p1 =	seq.s32 s10, $0x1;
	s10 =	sld [smem:$0x3FBA];
	_ =	sdelay $0x3  }
0x37: {  	[smem:$0x3FBA] =	sst s10  }
0x38: {  	s10 =	sld [smem:$0x3FBB]  }
0x39: {  	_ = 	snop;
	(pc) =	sbr.ind lr, $3  }
0x3a: {  	_ = 	snop  }
0x3b: {  	_ = 	snop  }
0x3c: {  	p2 =	seq.s32 s10, $0x1;
	s10 =	sld [smem:$0x3FBA]  }
0x3d: {  	_ =	shalt  }
0x3e: {  	_ =	shalt  }
0x3f: {  	_ =	shalt  }
0x40: {  	_ =	shalt  }
0x41: {  	_ =	shalt  }
0x42: {  	_ =	shalt  }
0x43: {  	_ =	shalt  }
0x44: {  	_ =	shalt  }
0x45: {  	_ =	shalt  }
0x46: {  	_ =	shalt  }
0x47: {  	_ =	shalt  }
0x48: {  	_ =	shalt  }
0x49: {  	_ =	shalt  }
0x4a: {  	_ =	shalt  }
0x4b: {  	_ =	shalt  }
0x4c: {  	_ =	shalt  }
0x4d: {  	_ =	shalt  }
0x4e: {  	_ =	shalt  }
0x4f: {  	_ =	shalt  }
0x50: {  	_ =	shalt  }
0x51: {  	_ =	shalt  }
0x52: {  	_ =	shalt  }
0x53: {  	_ =	shalt  }
0x54: {  	_ =	shalt  }
0x55: {  	_ =	shalt  }
0x56: {  	_ =	shalt  }
0x57: {  	_ =	shalt  }
0x58: {  	_ =	shalt  }
0x59: {  	_ =	shalt  }
0x5a: {  	_ =	shalt  }
0x5b: {  	_ =	shalt  }
0x5c: {  	_ =	shalt  }
0x5d: {  	_ =	shalt  }
0x5e: {  	_ =	shalt  }
0x5f: {  	_ =	shalt  }
0x60: {  	_ =	shalt  }
0x61: {  	_ =	shalt  }
0x62: {  	_ =	shalt  }
0x63: {  	_ =	shalt  }
0x64: {  	_ =	shalt  }
0x65: {  	_ =	shalt  }
0x66: {  	_ =	shalt  }
0x67: {  	_ =	shalt  }
0x68: {  	_ =	shalt  }
0x69: {  	_ =	shalt  }
0x6a: {  	_ =	shalt  }
0x6b: {  	_ =	shalt  }
0x6c: {  	_ =	shalt  }
0x6d: {  	_ =	shalt  }
0x6e: {  	_ =	shalt  }
0x6f: {  	_ =	shalt  }
0x70: {  	_ =	shalt  }
0x71: {  	_ =	shalt  }
0x72: {  	_ =	shalt  }
0x73: {  	_ =	shalt  }
0x74: {  	_ =	shalt  }
0x75: {  	_ =	shalt  }
0x76: {  	_ =	shalt  }
0x77: {  	_ =	shalt  }
0x78: {  	_ =	shalt  }
0x79: {  	_ =	shalt  }
0x7a: {  	_ =	shalt  }
0x7b: {  	_ =	shalt  }
0x7c: {  	_ =	shalt  }
0x7d: {  	_ =	shalt  }
0x7e: {  	_ =	shalt  }
0x7f: {  	_ =	shalt  }
0x80: {  	_ =	shalt  }
0x81: {  	_ =	shalt  }
0x82: {  	_ =	shalt  }
0x83: {  	_ =	shalt  }
0x84: {  	_ =	shalt  }
0x85: {  	_ =	shalt  }
0x86: {  	_ =	shalt  }
0x87: {  	_ =	shalt  }
.Lfunc_end0:
.L_simem_size_0:
called_computation.2_lowered:
.L_overlay_start_0:
0x88: {  	s2 =	sld [smem:$0x3FD9]  }
0x89: {  	s3 =	sld [smem:$0x3FFE];
	_ =	sdelay $0x1  }
0x8a: {  	s1 =	srdreg.scid  }
0x8b: {  	s0 =	sand.u32 $0x1, s1  }
0x8c: {  	s17 =	sshll.u32 s0, $0xA;
	s2 =	sadd.s32 s3, s2  }
0x8d: {  	s2 =	sadd.s32 s2, s17  }
0x8e: {  	[smem:$0x3FC6] =	sst s2  }
0x8f: {  	_ = 	snop  }
0x90: {  	s2 =	sld [smem:$0x3FD0];
	(tm) =	ssettm $0x1  }
0x91: {  	s18 =	sld [smem:$0x3FFB];
	_ =	sdelay $0x3  }
0x92: {  	_ =	strace s18  }
0x93: {  	s3 =	sld [smem:$0x3FFC];
	_ =	sdelay $0x3  }
0x94: {  	_ =	strace s3  }
0x95: {  	s3 =	sld [smem:$0x3FFD];
	_ =	sdelay $0x3  }
0x96: {  	_ =	strace s3  }
0x97: {  	_ =	strace $0x8FFFFFFF  }
0x98: {  	s19 =	sld [smem:$0x3FDB];
	_ =	sdelay $0x1  }
0x99: {  	s4 =	simm.s32 $_scs_section_size  }
0x9a: {  	s5 =	simm.s32 $_size__tile_overlayer_lowered;
	s6 =	simm.s32 $_tile_overlayer_lowered  }
0x9b: {  	s22 =	simm.s32 $0x1BFF;
	s21 =	sshll.u32 s6, $0x1;
	s3 =	sadd.s32 s4, s19  }
0x9c: {  	s7 =	simm.s32 $0x0;
	s20 =	sshll.u32 s5, $0x1;
	s5 =	sadd.s32 s21, s3  }
0x9d: {  	[timem:s7], [sflag:s22] =	dma.local [hbm:s5], s20  }
0x9e: {  	_ =	swait.ge [sflag:s22], s20  }
0x9f: {  	s4 =	ssub.s32 $0x0, s20;
	[sflag:s22] =	ssyncset.done $0x0  }
0xa0: {  	[sflag:s22] =	ssyncadd.s32 s4;
	_ =	sdelay $0x1  }
0xa1: {  	s23 =	simm.s32 $0x1B8B  }
0xa2: {  	_ =	swait.ge [sflag:s23], $0x1  }
0xa3: {  	[sflag:s23] =	ssyncset.done $0x0  }
0xa4: {  	s25 =	simm.s32 $0x1B8E;
	s24 =	sld [smem:$0x3FFE];
	[sflag:s23] =	ssyncadd.s32 $0xFFFFFFFF  }
0xa5: {  	s26 =	simm.s32 $execute0_lowered;
	[smem:$0x3FD2] =	sst s25  }
0xa6: {  	s5 =	sshll.u32 s26, $0x1;
	_ =	strace $0x8000004C;
	[dreg:$0x1] =	wrdreg $0xFFFFFFFF  }
0xa7: {  	s28 =	simm.s32 $_size_execute0_lowered;
	s3 =	sadd.s32 s3, s5;
	[dreg:$0x0] =	wrdreg $0x0  }
0xa8: {  	s5 =	sshll.u32 s28, $0x1;
	[dreg:$0x2] =	wrdreg s3  }
0xa9: {  	[dreg:$0x3] =	wrdreg s5  }
0xaa: {  	[dreg:$0x4] =	wrdreg $0xC0  }
0xab: {  	_ =	task [dreg:s7], $0x5FFFF  }
0xac: {  	[dreg:$0x1] =	wrdreg $0xFFFFFFFF  }
0xad: {  	[dreg:$0x0] =	wrdreg $0x60  }
0xae: {  	[dreg:$0x2] =	wrdreg s2  }
0xaf: {  	[dreg:$0x3] =	wrdreg s24  }
0xb0: {  	[dreg:$0x4] =	wrdreg $0x9  }
0xb1: {  	_ =	task.clear_ibuf [dreg:s7], $0x5FFFF;
	_ =	strace $0x9000004C  }
0xb2: {  	s29 =	simm.s32 $0x9;
	_ =	strace $0x8000004E  }
0xb3: {  	_ =	swait.ge [sflag:s29], $0x1  }
0xb4: {  	[sflag:s29] =	ssyncadd.s32 $0xFFFFFFFF  }
0xb5: {  	_ =	strace $0x9000004E  }
0xb6: {  	_ =	sfence  }
0xb7: {  	s30 =	sld [smem:$0x0];
	_ =	sdelay $0x2  }
0xb8: {  	s31 =	sshll.u32 s1, $0xD;
	s1 =	sshrl.u32 s1, $0x2  }
0xb9: {  	s3 =	sand.u32 $0x4000, s31;
	s1 =	sadd.s32 s1, s30  }
0xba: {  	s0 =	sor.u32 s3, s0;
	s1 =	sshll.u32 s1, $0x11  }
0xbb: {  	s0 =	sor.u32 s1, s0  }
0xbc: {  	s0 =	sadd.s32 $0x8F2B, s0  }
0xbd: {  	[sflag:s0] =	ssyncadd.remote.s32 $0x1  }
0xbe: {  	_ =	sfence.sel $0xFFFF  }
0xbf: {  	[dreg:$0x0] =	wrdreg $0xFFFFFFFF;
	(pc) =	sbr.abs _section_cstart, $3  }
0xc0: {  	[dreg:$0x1] =	wrdreg $0xFFFFFFFF  }
0xc1: {  	_ =	task.clear_ibuf [dreg:s7], $0x2FFFF;
	_ =	strace $0x9FFFFFFF  }
0xc2: {  	(tm) =	ssettm $0x7FFFFFFF  }
0xc3: {  	_ =	shalt  }
tec
execute0_lowered:
.L_overlay_start_1:
0x0: {  	(tag) =	ssettag $0x1  }
0x1: {  	s1 =	rddreg [dreg:$0x0]  }
0x2: {  	s6 =	rddreg [dreg:$0x1];
	s2 =	simm.s32 $0x0  }
0x3: {  	s3 =	srdreg.scid;
	s11 =	simm.s32 $0x200;
	s12 =	simm.s32 $0xA00  }
0x4: {  	s13 =	simm.s32 $0x100;
	s14 =	simm.s32 $0x1200;
	s15 =	simm.s32 $0x180  }
0x5: {  	s16 =	simm.s32 $0x1A00;
	s17 =	simm.s32 $0x1;
	s18 =	simm.s32 $0x2200  }
0x6: {  	s19 =	simm.s32 $0x4000;
	s20 =	simm.s32 $0x0;
	[smem:$0x7FF] =	sst s2  }
0x7: {  	s4 =	sand.u32 $0x1, s3;
	s3 =	stileid.u32;
	_ =	strace $0x8000004D  }
0x8: {  	s5 =	ssub.s32 $0x2, s4;
	s8 =	sshll.u32 s3, $0xA;
	s9 =	sshll.u32 s4, $0x9  }
0x9: {  	s4 =	sadd.s32 $0xC00, s6;
	s6 =	sadd.s32 $0x4F6600, s6;
	s7 =	sshrl.u32 s5, $0x1  }
0xa: {  	v1 =	vimm.s32 $0x0;
	vm0 =	vcmask $0x300;
	s10 =	ssub.s32 s5, s7;
	s5 =	sor.u32 s9, s8;
	s9 =	simm.s32 $0x2  }
0xb: {  	v0 =	vlaneseq.u32;
	v1 =	vsel vm0, $0x3, v1;
	s7 =	sshrl.u32 s5, $0x3;
	s8 =	smax.u32 s10, $0x1;
	s10 =	simm.s32 $0x80  }
.LBB2_1:
0xc: {  	[tilespmem:$0x4200] =	vst v0;
	s21 =	simm.s32 $0x0  }
.LBB2_2:
0xd: {  	s22 =	sshll.u32 s21, $0xE  }
0xe: {  	s22 =	sor.u32 s5, s22  }
0xf: {  	s22 =	sshrl.u32 s22, $0x3  }
0x10: {  	s22 =	sadd.s32 s1, s22  }
0x11: {  	[tilespmem:s2], [sflag:$0x2] =	stream.linear.gather [hbm4b:s22+s2], $0x200, $0x38;
	[tilespmem:$0x4210] =	vst v63  }
0x12: {  	_ =	swait.ge [sflag:s9], $0x200  }
0x13: {  	[sflag:s9] =	ssyncset.done $0x0  }
0x14: {  	[sflag:s9] =	ssyncadd.s32 $0xFFFFFE00  }
0x15: {  	[tilespmem:s11], [sflag:$0x1] =	stream.indirect.gather [hbm4b:s4+s10], $0x10, s2, s10, $0xb8;
	[tilespmem:$0x4210] =	vst v63  }
0x16: {  	_ = 	snop  }
0x17: {  	[tilespmem:s12], [sflag:$0x1] =	stream.indirect.gather [hbm4b:s4+s10], $0x10, s10, s10, $0xb8;
	[tilespmem:$0x4210] =	vst v63  }
0x18: {  	_ = 	snop  }
0x19: {  	[tilespmem:s14], [sflag:$0x1] =	stream.indirect.gather [hbm4b:s4+s10], $0x10, s13, s10, $0xb8;
	[tilespmem:$0x4210] =	vst v63  }
0x1a: {  	_ = 	snop  }
0x1b: {  	[tilespmem:s16], [sflag:$0x1] =	stream.indirect.gather [hbm4b:s4+s10], $0x10, s15, s10, $0xb8;
	[tilespmem:$0x4210] =	vst v63  }
0x1c: {  	_ =	swait.ge [sflag:s17], $0x800  }
0x1d: {  	[sflag:s17] =	ssyncset.done $0x0  }
0x1e: {  	[sflag:s17] =	ssyncadd.s32 $0xFFFFF800  }
0x1f: {  	_ =	swait.ge [sflag:s17], $0x800  }
0x20: {  	[sflag:s17] =	ssyncset.done $0x0  }
0x21: {  	[sflag:s17] =	ssyncadd.s32 $0xFFFFF800  }
0x22: {  	_ =	swait.ge [sflag:s17], $0x800  }
0x23: {  	[sflag:s17] =	ssyncset.done $0x0  }
0x24: {  	[sflag:s17] =	ssyncadd.s32 $0xFFFFF800  }
0x25: {  	_ =	swait.ge [sflag:s17], $0x800  }
0x26: {  	[sflag:s17] =	ssyncset.done $0x0  }
0x27: {  	[sflag:s17] =	ssyncadd.s32 $0xFFFFF800  }
0x28: {  	s23 =	simm.s32 $0x0;
	v2 =	vld [tilespmem:$0x4200]  }
0x29: {  	v3 =	vmov s23  }
0x2a: {  	v3 =	vshrl.u32 v3, $0x3  }
0x2b: {  	v3 =	vshll.u32 v3, v1  }
0x2c: {  	v3 =	vbroadcast v3, $0x0  }
0x2d: {  	s23 =	simm.s32 $0x1;
	s22 =	simm.s32 $0x280;
	v2 =	vshll.u32 v2, $0x9  }
0x2e: {  	v4 =	vmov s23;
	v5 =	vld [tilespmem:s22+$0xFFFFFF80];
	v3 =	vor.u32 v3, v2  }
0x2f: {  	v4 =	vshrl.u32 v4, $0x3  }
0x30: {  	v4 =	vshll.u32 v4, v1  }
0x31: {  	v4 =	vbroadcast v4, $0x0;
	_ =	sdelay $0x1  }
0x32: {  	s24 =	simm.s32 $0x2;
	v4 =	vadd.s32 v4, v2;
	[tilespmem:v3+s18+$0x0] =	vst.idx.msk $0xffff, v5  }
0x33: {  	v4 =	vor.u32 $0x1, v4;
	v3 =	vmov s24;
	v5 =	vld [tilespmem:s22+$0xFFFFFF90]  }
0x34: {  	v3 =	vshrl.u32 v3, $0x3  }
0x35: {  	v3 =	vshll.u32 v3, v1  }
0x36: {  	v3 =	vbroadcast v3, $0x0;
	_ =	sdelay $0x1  }
0x37: {  	s25 =	simm.s32 $0x3;
	v3 =	vadd.s32 v3, v2;
	[tilespmem:v4+s18+$0x0] =	vst.idx.msk $0xffff, v5  }
0x38: {  	v4 =	vmov s25;
	v3 =	vor.u32 $0x2, v3;
	v5 =	vld [tilespmem:s22+$0xFFFFFFA0]  }
0x39: {  	v4 =	vshrl.u32 v4, $0x3  }
0x3a: {  	v4 =	vshll.u32 v4, v1  }
0x3b: {  	v4 =	vbroadcast v4, $0x0;
	_ =	sdelay $0x1  }
0x3c: {  	s26 =	simm.s32 $0x4;
	v4 =	vadd.s32 v4, v2;
	[tilespmem:v3+s18+$0x0] =	vst.idx.msk $0xffff, v5  }
0x3d: {  	v3 =	vmov s26;
	v4 =	vor.u32 $0x3, v4;
	v5 =	vld [tilespmem:s22+$0xFFFFFFB0]  }
0x3e: {  	v3 =	vshrl.u32 v3, $0x3  }
0x3f: {  	v3 =	vshll.u32 v3, v1  }
0x40: {  	v3 =	vbroadcast v3, $0x0;
	_ =	sdelay $0x1  }
0x41: {  	s29 =	simm.s32 $0x5;
	v3 =	vadd.s32 v3, v2;
	[tilespmem:v4+s18+$0x0] =	vst.idx.msk $0xffff, v5  }
0x42: {  	v4 =	vmov s29;
	v3 =	vor.u32 $0x4, v3;
	v5 =	vld [tilespmem:s22+$0xFFFFFFC0]  }
0x43: {  	v4 =	vshrl.u32 v4, $0x3  }
0x44: {  	v4 =	vshll.u32 v4, v1  }
0x45: {  	v4 =	vbroadcast v4, $0x0;
	_ =	sdelay $0x1  }
0x46: {  	s30 =	simm.s32 $0x6;
	v4 =	vadd.s32 v4, v2;
	[tilespmem:v3+s18+$0x0] =	vst.idx.msk $0xffff, v5  }
0x47: {  	v3 =	vmov s30;
	v4 =	vor.u32 $0x5, v4;
	v5 =	vld [tilespmem:s22+$0xFFFFFFD0]  }
0x48: {  	v3 =	vshrl.u32 v3, $0x3  }
0x49: {  	v3 =	vshll.u32 v3, v1  }
0x4a: {  	v3 =	vbroadcast v3, $0x0;
	_ =	sdelay $0x1  }
0x4b: {  	s31 =	simm.s32 $0x7;
	v3 =	vadd.s32 v3, v2;
	[tilespmem:v4+s18+$0x0] =	vst.idx.msk $0xffff, v5  }
0x4c: {  	v4 =	vmov s31;
	v3 =	vor.u32 $0x6, v3;
	v5 =	vld [tilespmem:s22+$0xFFFFFFE0]  }
0x4d: {  	v4 =	vshrl.u32 v4, $0x3  }
0x4e: {  	v4 =	vshll.u32 v4, v1  }
0x4f: {  	v4 =	vbroadcast v4, $0x0;
	_ =	sdelay $0x1  }
0x50: {  	v4 =	vadd.s32 v4, v2;
	[tilespmem:v3+s18+$0x0] =	vst.idx.msk $0xffff, v5  }
0x51: {  	s0 =	simm.s32 $0x8;
	v3 =	vor.u32 $0x7, v4;
	v4 =	vld [tilespmem:s22+$0xFFFFFFF0]  }
0x52: {  	v5 =	vmov s0  }
0x53: {  	v5 =	vshrl.u32 v5, $0x3  }
0x54: {  	v5 =	vshll.u32 v5, v1  }
0x55: {  	v5 =	vbroadcast v5, $0x0  }
0x56: {  	s24 =	simm.s32 $0x9;
	[tilespmem:v3+s18+$0x0] =	vst.idx.msk $0xffff, v4  }
0x57: {  	v3 =	vmov s24;
	v4 =	vadd.s32 v5, v2;
	v5 =	vld [tilespmem:s22+$0x0]  }
0x58: {  	v3 =	vshrl.u32 v3, $0x3  }
0x59: {  	v3 =	vshll.u32 v3, v1  }
0x5a: {  	v3 =	vbroadcast v3, $0x0;
	_ =	sdelay $0x1  }
0x5b: {  	s25 =	simm.s32 $0xA;
	v3 =	vadd.s32 v3, v2;
	[tilespmem:v4+s18+$0x0] =	vst.idx.msk $0xffff, v5  }
0x5c: {  	v4 =	vmov s25;
	v3 =	vor.u32 $0x1, v3;
	v5 =	vld [tilespmem:s22+$0x10]  }
0x5d: {  	v4 =	vshrl.u32 v4, $0x3  }
0x5e: {  	v4 =	vshll.u32 v4, v1  }
0x5f: {  	v4 =	vbroadcast v4, $0x0;
	_ =	sdelay $0x1  }
0x60: {  	s26 =	simm.s32 $0xB;
	v4 =	vadd.s32 v4, v2;
	[tilespmem:v3+s18+$0x0] =	vst.idx.msk $0xffff, v5  }
0x61: {  	v3 =	vmov s26;
	v4 =	vor.u32 $0x2, v4;
	v5 =	vld [tilespmem:s22+$0x20]  }
0x62: {  	v3 =	vshrl.u32 v3, $0x3  }
0x63: {  	v3 =	vshll.u32 v3, v1  }
0x64: {  	v3 =	vbroadcast v3, $0x0;
	_ =	sdelay $0x1  }
0x65: {  	s29 =	simm.s32 $0xC;
	v3 =	vadd.s32 v3, v2;
	[tilespmem:v4+s18+$0x0] =	vst.idx.msk $0xffff, v5  }
0x66: {  	v4 =	vmov s29;
	v3 =	vor.u32 $0x3, v3;
	v5 =	vld [tilespmem:s22+$0x30]  }
0x67: {  	v4 =	vshrl.u32 v4, $0x3  }
0x68: {  	v4 =	vshll.u32 v4, v1  }
0x69: {  	v4 =	vbroadcast v4, $0x0;
	_ =	sdelay $0x1  }
0x6a: {  	s30 =	simm.s32 $0xD;
	v4 =	vadd.s32 v4, v2;
	[tilespmem:v3+s18+$0x0] =	vst.idx.msk $0xffff, v5  }
0x6b: {  	v3 =	vmov s30;
	v4 =	vor.u32 $0x4, v4;
	v5 =	vld [tilespmem:s22+$0x40]  }
0x6c: {  	v3 =	vshrl.u32 v3, $0x3  }
0x6d: {  	v3 =	vshll.u32 v3, v1  }
0x6e: {  	v3 =	vbroadcast v3, $0x0;
	_ =	sdelay $0x1  }
0x6f: {  	s31 =	simm.s32 $0xE;
	v3 =	vadd.s32 v3, v2;
	[tilespmem:v4+s18+$0x0] =	vst.idx.msk $0xffff, v5  }
0x70: {  	v4 =	vmov s31;
	v3 =	vor.u32 $0x5, v3;
	v5 =	vld [tilespmem:s22+$0x50]  }
0x71: {  	v4 =	vshrl.u32 v4, $0x3  }
0x72: {  	s24 =	simm.s32 $0xF;
	v4 =	vshll.u32 v4, v1  }
0x73: {  	v6 =	vmov s24;
	v4 =	vbroadcast v4, $0x0  }
0x74: {  	v6 =	vshrl.u32 v6, $0x3  }
0x75: {  	v6 =	vshll.u32 v6, v1;
	v4 =	vadd.s32 v4, v2;
	[tilespmem:v3+s18+$0x0] =	vst.idx.msk $0xffff, v5  }
0x76: {  	v6 =	vbroadcast v6, $0x0;
	v3 =	vor.u32 $0x6, v4;
	v4 =	vld [tilespmem:s22+$0x60];
	_ =	sdelay $0x1  }
0x77: {  	s28 =	simm.s32 $0x1F;
	s23 =	simm.s32 $0x380;
	v2 =	vadd.s32 v6, v2  }
.LBB2_3:
0x78: {  	s24 =	sadd.s32 $0xFFFFFFF2, s28  }
0x79: {  	s26 =	sadd.s32 $0xFFFFFFF4, s28;
	s29 =	sadd.s32 $0xFFFFFFF8, s28;
	v2 =	vor.u32 $0x7, v2;
	s25 =	smov.u32 s28  }
0x7a: {  	s30 =	sadd.s32 $0xFFFFFFF1, s28;
	s31 =	sadd.s32 $0xFFFFFFF3, s28;
	v5 =	vmov s24;
	v6 =	vmov s26;
	v7 =	vmov s29;
	s26 =	sadd.s32 $0xFFFFFFFD, s28;
	[tilespmem:v3+s18+$0x0] =	vst.idx.msk $0xffff, v4  }
0x7b: {  	v3 =	vmov s30;
	s29 =	sadd.s32 $0xFFFFFFF5, s25;
	s30 =	sadd.s32 $0xFFFFFFFC, s25;
	s24 =	sadd.s32 $0x10, s28;
	v4 =	vshrl.u32 v5, $0x3;
	v5 =	vshrl.u32 v7, $0x3;
	v7 =	vld [tilespmem:s22+$0x70]  }
0x7c: {  	p0 =	sne.s32 s28, $0x1FF;
	s0 =	sadd.s32 $0xFFFFFFF6, s25;
	v3 =	vshrl.u32 v3, $0x3;
	v8 =	vmov s30;
	s22 =	smov.u32 s23;
	v4 =	vshll.u32 v4, v1  }
0x7d: {  	v9 =	vmov s31;
	v3 =	vshll.u32 v3, v1;
	v5 =	vshll.u32 v5, v1  }
0x7e: {  	s28 =	sadd.s32 $0xFFFFFFF7, s25;
	v6 =	vshrl.u32 v6, $0x3;
	v8 =	vshrl.u32 v8, $0x3;
	v3 =	vbroadcast v3, $0x0  }
0x7f: {  	v10 =	vmov s29;
	v6 =	vshll.u32 v6, v1  }
0x80: {  	v9 =	vshrl.u32 v9, $0x3;
	v10 =	vshrl.u32 v10, $0x3;
	v4 =	vbroadcast v4, $0x0;
	[tilespmem:v2+s18+$0x0] =	vst.idx.msk $0xffff, v7  }
0x81: {  	v6 =	vbroadcast v6, $0x0;
	v7 =	vmov s0;
	s0 =	sadd.s32 $0xFFFFFFFA, s25;
	v2 =	vld [tilespmem:$0x4200]  }
0x82: {  	s29 =	sadd.s32 $0xFFFFFFFB, s25;
	v10 =	vshll.u32 v10, v1;
	v5 =	vbroadcast v5, $0x0;
	v7 =	vshrl.u32 v7, $0x3  }
0x83: {  	v12 =	vmov s25;
	v10 =	vbroadcast v10, $0x0;
	v11 =	vmov s0  }
0x84: {  	v13 =	vmov s28;
	v12 =	vshrl.u32 v12, $0x3  }
0x85: {  	v13 =	vshrl.u32 v13, $0x3;
	v14 =	vmov s29;
	v11 =	vshrl.u32 v11, $0x3  }
0x86: {  	v15 =	vld [tilespmem:s23+$0xFFFFFF80];
	v16 =	vshll.u32 v2, $0x9;
	v2 =	vshll.u32 v7, v1;
	v7 =	vshll.u32 v13, v1  }
0x87: {  	s0 =	sadd.s32 $0xFFFFFFFE, s25;
	v11 =	vshll.u32 v11, v1;
	v3 =	vor.u32 v3, v16;
	v7 =	vbroadcast v7, $0x0  }
0x88: {  	v11 =	vbroadcast v11, $0x0;
	v13 =	vmov s0;
	v4 =	vadd.s32 v4, v16  }
0x89: {  	v9 =	vshll.u32 v9, v1;
	v14 =	vshrl.u32 v14, $0x3;
	v6 =	vadd.s32 v6, v16  }
0x8a: {  	v8 =	vshll.u32 v8, v1;
	s0 =	sadd.s32 $0xFFFFFFFF, s25;
	v13 =	vshrl.u32 v13, $0x3;
	v4 =	vor.u32 $0x1, v4  }
0x8b: {  	v14 =	vshll.u32 v14, v1;
	v17 =	vmov s0;
	v13 =	vshll.u32 v13, v1  }
0x8c: {  	v8 =	vbroadcast v8, $0x0;
	[tilespmem:v3+s18+$0x0] =	vst.idx.msk $0xffff, v15;
	v3 =	vbroadcast v9, $0x0;
	v9 =	vmov s26  }
0x8d: {  	v2 =	vbroadcast v2, $0x0;
	v17 =	vshrl.u32 v17, $0x3;
	v15 =	vld [tilespmem:s23+$0xFFFFFF90];
	v9 =	vshrl.u32 v9, $0x3  }
0x8e: {  	v10 =	vadd.s32 v10, v16;
	v3 =	vadd.s32 v3, v16;
	v9 =	vshll.u32 v9, v1  }
0x8f: {  	v18 =	vadd.s32 v2, v16;
	v7 =	vadd.s32 v7, v16;
	v2 =	vbroadcast v9, $0x0  }
0x90: {  	v5 =	vadd.s32 v5, v16;
	v9 =	vadd.s32 v11, v16;
	v11 =	vbroadcast v13, $0x0  }
0x91: {  	v8 =	vadd.s32 v8, v16;
	v13 =	vbroadcast v14, $0x0;
	v14 =	vadd.s32 v2, v16  }
0x92: {  	v3 =	vor.u32 $0x2, v3;
	v2 =	vshll.u32 v17, v1;
	[tilespmem:v4+s18+$0x0] =	vst.idx.msk $0xffff, v15;
	v4 =	vshll.u32 v12, v1  }
0x93: {  	v13 =	vadd.s32 v13, v16;
	v2 =	vbroadcast v2, $0x0;
	v12 =	vld [tilespmem:s23+$0xFFFFFFA0];
	v4 =	vbroadcast v4, $0x0  }
0x94: {  	v11 =	vadd.s32 v11, v16  }
0x95: {  	v15 =	vadd.s32 v2, v16;
	v2 =	vadd.s32 v4, v16;
	_ =	sdelay $0x2  }
0x96: {  	[tilespmem:v3+s18+$0x0] =	vst.idx.msk $0xffff, v12;
	v3 =	vor.u32 $0x3, v6  }
0x97: {  	v4 =	vld [tilespmem:s23+$0xFFFFFFB0];
	_ =	sdelay $0x4  }
0x98: {  	[tilespmem:v3+s18+$0x0] =	vst.idx.msk $0xffff, v4;
	v3 =	vor.u32 $0x4, v10  }
0x99: {  	v4 =	vld [tilespmem:s23+$0xFFFFFFC0];
	_ =	sdelay $0x4  }
0x9a: {  	[tilespmem:v3+s18+$0x0] =	vst.idx.msk $0xffff, v4;
	v3 =	vor.u32 $0x5, v18  }
0x9b: {  	v4 =	vld [tilespmem:s23+$0xFFFFFFD0];
	_ =	sdelay $0x4  }
0x9c: {  	s0 =	sadd.s32 $0xFFFFFFF9, s25;
	[tilespmem:v3+s18+$0x0] =	vst.idx.msk $0xffff, v4;
	v3 =	vor.u32 $0x6, v7  }
0x9d: {  	v6 =	vmov s0;
	v4 =	vld [tilespmem:s23+$0xFFFFFFE0]  }
0x9e: {  	v6 =	vshrl.u32 v6, $0x3  }
0x9f: {  	v6 =	vshll.u32 v6, v1  }
0xa0: {  	v6 =	vbroadcast v6, $0x0;
	_ =	sdelay $0x1  }
0xa1: {  	[tilespmem:v3+s18+$0x0] =	vst.idx.msk $0xffff, v4;
	v3 =	vor.u32 $0x7, v5;
	v4 =	vadd.s32 v6, v16  }
0xa2: {  	v5 =	vld [tilespmem:s23+$0xFFFFFFF0];
	_ =	sdelay $0x4  }
0xa3: {  	[tilespmem:v3+s18+$0x0] =	vst.idx.msk $0xffff, v5  }
0xa4: {  	v3 =	vld [tilespmem:s23+$0x0];
	_ =	sdelay $0x4  }
0xa5: {  	[tilespmem:v4+s18+$0x0] =	vst.idx.msk $0xffff, v3;
	v3 =	vor.u32 $0x1, v9  }
0xa6: {  	v4 =	vld [tilespmem:s23+$0x10];
	_ =	sdelay $0x4  }
0xa7: {  	[tilespmem:v3+s18+$0x0] =	vst.idx.msk $0xffff, v4;
	v3 =	vor.u32 $0x2, v13  }
0xa8: {  	v4 =	vld [tilespmem:s23+$0x20];
	_ =	sdelay $0x4  }
0xa9: {  	[tilespmem:v3+s18+$0x0] =	vst.idx.msk $0xffff, v4;
	v3 =	vor.u32 $0x3, v8  }
0xaa: {  	v4 =	vld [tilespmem:s23+$0x30];
	_ =	sdelay $0x4  }
0xab: {  	[tilespmem:v3+s18+$0x0] =	vst.idx.msk $0xffff, v4;
	v3 =	vor.u32 $0x4, v14  }
0xac: {  	v4 =	vld [tilespmem:s23+$0x40];
	_ =	sdelay $0x4  }
0xad: {  	[tilespmem:v3+s18+$0x0] =	vst.idx.msk $0xffff, v4;
	v3 =	vor.u32 $0x5, v11  }
0xae: {  	v4 =	vld [tilespmem:s23+$0x50];
	_ =	sdelay $0x4  }
.Ltmp0:
0xaf: {  	[tilespmem:v3+s18+$0x0] =	vst.idx.msk $0xffff, v4;
	v3 =	vor.u32 $0x6, v15;
	(pc) =	sbr.rel @p0 .LBB2_3-.Ltmp0, $2  }
0xb0: {  	v4 =	vld [tilespmem:s23+$0x60];
	_ =	sdelay $0x2  }
0xb1: {  	s28 =	smov.u32 s24;
	s23 =	sadd.s32 $0x100, s23  }
0xb2: {  	_ =	sdelay $0x3  }
0xb3: {  	[tilespmem:v3+s18+$0x0] =	vst.idx.msk $0xffff, v4  }
0xb4: {  	v2 =	vor.u32 $0x7, v2;
	v3 =	vld [tilespmem:s22+$0x70];
	_ =	sdelay $0x2  }
0xb5: {  	s0 =	sshll.u32 s21, $0xF;
	s21 =	sadd.s32 $0x1, s21  }
0xb6: {  	s0 =	sadd.s32 s6, s0;
	p0 =	sne.s32 s21, $0x1A  }
.Ltmp1:
0xb7: {  	s0 =	sadd.s32 s7, s0;
	[tilespmem:v2+s18+$0x0] =	vst.idx.msk $0xffff, v3;
	(pc) =	sbr.rel @p0 .LBB2_2-.Ltmp1, $4  }
0xb8: {  	[hbm4b:s0+s11] =	stream.strided.scatter [tilespmem:s18], [sflag:$0x2], $0x2000, s19, s11, $0x38;
	[tilespmem:$0x4210] =	vst v63  }
0xb9: {  	_ =	swait.ge [sflag:s9], $0x2000  }
0xba: {  	[sflag:s9] =	ssyncset.done $0x0  }
0xbb: {  	[sflag:s9] =	ssyncadd.s32 $0xFFFFE000  }
0xbc: {  	s20 =	sadd.s32 $0x1, s20  }
0xbd: {  	p0 =	sne.s32 s20, s8  }
.Ltmp2:
0xbe: {  	_ = 	snop;
	(pc) =	sbr.rel @p0 .LBB2_1-.Ltmp2, $1  }
0xbf: {  	_ =	sdelay $0x3  }
0xc0: {  	_ =	sfence.sel $0x180000  }
0xc1: {  	[bflag:$0x0] =	sbarrier.arrive $0xFFFF  }
0xc2: {  	_ =	strace $0x9000004D  }
0xc3: {  	[bflag:$0x2] =	sbarrier.arrive $0xFFFF  }
0xc4: {  	p0 =	sne.s32 s3, $0x0;
	s0 =	rddreg [dreg:$0x2]  }
0xc5: {  	s0 =	sadd.s32 @!p0 $0x100000, s0  }
0xc6: {  	[sflag:s0] =	ssyncadd.tile.s32 @!p0 $0x1;
	_ =	shalt  }
.Lfunc_end2:
_tile_overlayer_lowered:
.L_overlay_start_2:
0xc7: {  	(tag) =	ssettag $0x2  }
0xc8: {  	s0 =	rddreg [dreg:$0x0];
	s2 =	stileid.u32  }
0xc9: {  	s1 =	rddreg [dreg:$0x1];
	p0 =	sne.s32 s2, $0x0  }
0xca: {  	s3 =	rddreg [dreg:$0x2];
	[bflag:$0x3] =	sbarrier.arrive $0xFFFF;
	s2 =	simm.s32 @!p0 $0x1C02  }
0xcb: {  	[timem:s3], [sflag:s2] =	dma.local @!p0 [hbm:s0], s1  }
0xcc: {  	s0 =	simm.s32 @!p0 $0x2  }
0xcd: {  	_ =	swait.ge @!p0 [sflag:s0], s1  }
0xce: {  	s1 =	ssub.s32 @!p0 $0x0, s1;
	[sflag:s0] =	ssyncset.done @!p0 $0x0  }
0xcf: {  	[sflag:s0] =	ssyncadd.s32 @!p0 s1  }
0xd0: {  	[bflag:$0x3] =	sbarrier.arrive $0xFFFF  }
0xd1: {  	_ =	shalt  }

// kernel: kernel.5.cloned.1.call-start
scs
__scs_entry_jumppad:
0x0: {  	(pc) =	sbr.rel $0x88, $3  }
0x1: {  	(tag) =	ssettag $0x0;
	lr =	simm.s32 $0x1  }
0x2: {  	[smem:$0x3F9F] =	sst lr;
	_ =	strace $0xD0000000  }
0x3: {  	_ = 	snop  }
0x4: {  	_ = 	snop  }
0x5: {  	_ = 	snop  }
0x6: {  	_ = 	snop  }
0x7: {  	_ = 	snop  }
__scs_overlays_trampoline_lowered:
0x8: {  	[smem:$0x3FAE] =	sst s0  }
0x9: {  	[smem:$0x3FAF] =	sst s1  }
0xa: {  	[smem:$0x3FB0] =	sst s2  }
0xb: {  	[smem:$0x3FB1] =	sst s3  }
0xc: {  	[smem:$0x3FB2] =	sst s4  }
0xd: {  	[smem:$0x3FB3] =	sst s5  }
0xe: {  	[smem:$0x3FB4] =	sst s6  }
0xf: {  	[smem:$0x3FB5] =	sst s7  }
0x10: {  	[smem:$0x3FB6] =	sst s8  }
0x11: {  	[smem:$0x3FB7] =	sst s9;
	s0 =	simm.s32 @!p0 $0x0  }
0x12: {  	s1 =	sld [smem:$0x3F9D];
	s0 =	simm.s32 @p0 $0x1  }
0x13: {  	[smem:$0x3FB8] =	sst s0;
	s0 =	simm.s32 @!p1 $0x0  }
0x14: {  	s2 =	sld [smem:$0x3F9C];
	s0 =	simm.s32 @p1 $0x1  }
0x15: {  	[smem:$0x3FB9] =	sst s0;
	s0 =	simm.s32 @!p2 $0x0  }
0x16: {  	s3 =	sld [smem:$0x3FDB];
	s0 =	simm.s32 @p2 $0x1  }
0x17: {  	s4 =	simm.s32 $0x1BF5;
	[smem:$0x3FBB] =	sst s0  }
0x18: {  	s0 =	sld [smem:$0x3F9E];
	_ =	swait.ge [sflag:s4], $0x0  }
0x19: {  	s7 =	sld [smem:$0x3F9F]  }
0x1a: {  	s8 =	sadd.s32 $0xFFFFE003, lr  }
0x1b: {  	s9 =	sadd.s32 $0xFFFFFEF7, lr;
	s5 =	simm.s32 $0xFFFFFFFF;
	p2 =	slt.u32 s8, $0xFFFFF086  }
0x1c: {  	p1 =	slt.u32 s9, $0xF7A;
	s5 =	simm.s32 @!p2 $0x0  }
0x1d: {  	s5 =	simm.s32 @p1 $0x1;
	p0 =	seq.s32 s7, s2  }
0x1e: {  	s7 =	smul.u32 @!p0 $0xF7A, s2;
	p2 =	seq.s32 @!p0 s5, $0x0  }
0x1f: {  	s9 =	smul.u32 $0xF7A, s1;
	s8 =	simm.s32 @!p0 $0x1BF5;
	p2 =	por !p2, p0  }
0x20: {  	[sflag:s8] =	ssyncset.s32 @!p0 $0xFFFFF086;
	s6 =	sadd.s32 @!p0 s3, s7;
	s7 =	simm.s32 @!p0 $0x108  }
0x21: {  	s3 =	sadd.s32 s3, s9;
	s6 =	sadd.s32 @!p0 $0x88, s6;
	s7 =	simm.s32 @p2 $0x1082  }
0x22: {  	[simem:s7], [sflag:s8] =	dma.local @!p0 [hbm:s6], $0xF7A  }
0x23: {  	s9 =	sor.u32 $0xD0000000, s2;
	s6 =	simm.s32 $0x108;
	_ =	swait.ge @!p0 [sflag:s8], $0x0  }
0x24: {  	s3 =	sadd.s32 $0x88, s3;
	s6 =	simm.s32 @!p1 $0x1082;
	[sflag:s4] =	ssyncset.s32 $0xFFFFF086  }
0x25: {  	[simem:s6], [sflag:s4] =	dma.local [hbm:s3], $0xF7A  }
0x26: {  	[smem:$0x3F9F] =	sst s1;
	(tag) =	ssettag s2;
	_ =	strace s9  }
0x27: {  	s1 =	sld [smem:$0x3FAF]  }
0x28: {  	s2 =	sld [smem:$0x3FB0]  }
0x29: {  	s4 =	sld [smem:$0x3FB2]  }
0x2a: {  	p0 =	seq.s32 s5, $0x0;
	s5 =	sld [smem:$0x3FB3]  }
0x2b: {  	s6 =	sld [smem:$0x3FB4]  }
0x2c: {  	s7 =	sld [smem:$0x3FB5]  }
0x2d: {  	s3 =	simm.s32 $0x108;
	s8 =	sld [smem:$0x3FB6]  }
0x2e: {  	s3 =	simm.s32 @!p0 $0x1082;
	s9 =	sld [smem:$0x3FB7]  }
0x2f: {  	lr =	sadd.s32 s0, s3;
	s0 =	sld [smem:$0x3FAE]  }
0x30: {  	s3 =	sld [smem:$0x3FB1]  }
0x31: {  	[smem:$0x3FBA] =	sst s10  }
0x32: {  	s10 =	sld [smem:$0x3FB8];
	_ =	sdelay $0x3  }
0x33: {  	p0 =	seq.s32 s10, $0x1;
	s10 =	sld [smem:$0x3FBA];
	_ =	sdelay $0x3  }
0x34: {  	[smem:$0x3FBA] =	sst s10  }
0x35: {  	s10 =	sld [smem:$0x3FB9];
	_ =	sdelay $0x3  }
0x36: {  	p1 =	seq.s32 s10, $0x1;
	s10 =	sld [smem:$0x3FBA];
	_ =	sdelay $0x3  }
0x37: {  	[smem:$0x3FBA] =	sst s10  }
0x38: {  	s10 =	sld [smem:$0x3FBB]  }
0x39: {  	_ = 	snop;
	(pc) =	sbr.ind lr, $3  }
0x3a: {  	_ = 	snop  }
0x3b: {  	_ = 	snop  }
0x3c: {  	p2 =	seq.s32 s10, $0x1;
	s10 =	sld [smem:$0x3FBA]  }
0x3d: {  	_ =	shalt  }
0x3e: {  	_ =	shalt  }
0x3f: {  	_ =	shalt  }
0x40: {  	_ =	shalt  }
0x41: {  	_ =	shalt  }
0x42: {  	_ =	shalt  }
0x43: {  	_ =	shalt  }
0x44: {  	_ =	shalt  }
0x45: {  	_ =	shalt  }
0x46: {  	_ =	shalt  }
0x47: {  	_ =	shalt  }
0x48: {  	_ =	shalt  }
0x49: {  	_ =	shalt  }
0x4a: {  	_ =	shalt  }
0x4b: {  	_ =	shalt  }
0x4c: {  	_ =	shalt  }
0x4d: {  	_ =	shalt  }
0x4e: {  	_ =	shalt  }
0x4f: {  	_ =	shalt  }
0x50: {  	_ =	shalt  }
0x51: {  	_ =	shalt  }
0x52: {  	_ =	shalt  }
0x53: {  	_ =	shalt  }
0x54: {  	_ =	shalt  }
0x55: {  	_ =	shalt  }
0x56: {  	_ =	shalt  }
0x57: {  	_ =	shalt  }
0x58: {  	_ =	shalt  }
0x59: {  	_ =	shalt  }
0x5a: {  	_ =	shalt  }
0x5b: {  	_ =	shalt  }
0x5c: {  	_ =	shalt  }
0x5d: {  	_ =	shalt  }
0x5e: {  	_ =	shalt  }
0x5f: {  	_ =	shalt  }
0x60: {  	_ =	shalt  }
0x61: {  	_ =	shalt  }
0x62: {  	_ =	shalt  }
0x63: {  	_ =	shalt  }
0x64: {  	_ =	shalt  }
0x65: {  	_ =	shalt  }
0x66: {  	_ =	shalt  }
0x67: {  	_ =	shalt  }
0x68: {  	_ =	shalt  }
0x69: {  	_ =	shalt  }
0x6a: {  	_ =	shalt  }
0x6b: {  	_ =	shalt  }
0x6c: {  	_ =	shalt  }
0x6d: {  	_ =	shalt  }
0x6e: {  	_ =	shalt  }
0x6f: {  	_ =	shalt  }
0x70: {  	_ =	shalt  }
0x71: {  	_ =	shalt  }
0x72: {  	_ =	shalt  }
0x73: {  	_ =	shalt  }
0x74: {  	_ =	shalt  }
0x75: {  	_ =	shalt  }
0x76: {  	_ =	shalt  }
0x77: {  	_ =	shalt  }
0x78: {  	_ =	shalt  }
0x79: {  	_ =	shalt  }
0x7a: {  	_ =	shalt  }
0x7b: {  	_ =	shalt  }
0x7c: {  	_ =	shalt  }
0x7d: {  	_ =	shalt  }
0x7e: {  	_ =	shalt  }
0x7f: {  	_ =	shalt  }
0x80: {  	_ =	shalt  }
0x81: {  	_ =	shalt  }
0x82: {  	_ =	shalt  }
0x83: {  	_ =	shalt  }
0x84: {  	_ =	shalt  }
0x85: {  	_ =	shalt  }
0x86: {  	_ =	shalt  }
0x87: {  	_ =	shalt  }
.Lfunc_end0:
.L_simem_size_0:
called_computation_lowered:
.L_overlay_start_0:
0x88: {  	s2 =	sld [smem:$0x3FD9]  }
0x89: {  	s3 =	sld [smem:$0x3FFE];
	_ =	sdelay $0x1  }
0x8a: {  	s1 =	srdreg.scid  }
0x8b: {  	s0 =	sand.u32 $0x1, s1  }
0x8c: {  	s17 =	sshll.u32 s0, $0xA;
	s2 =	sadd.s32 s3, s2  }
0x8d: {  	s2 =	sadd.s32 s2, s17  }
0x8e: {  	[smem:$0x3FC6] =	sst s2  }
0x8f: {  	_ = 	snop  }
0x90: {  	s18 =	sld [smem:$0x3FC8];
	(tm) =	ssettm $0x1  }
0x91: {  	s19 =	sld [smem:$0x3FFB];
	_ =	sdelay $0x3  }
0x92: {  	_ =	strace s19  }
0x93: {  	s2 =	sld [smem:$0x3FFC];
	_ =	sdelay $0x3  }
0x94: {  	_ =	strace s2  }
0x95: {  	s2 =	sld [smem:$0x3FFD];
	_ =	sdelay $0x3  }
0x96: {  	_ =	strace s2  }
0x97: {  	_ =	strace $0x8FFFFFFF  }
0x98: {  	s20 =	sld [smem:$0x3FDB];
	_ =	sdelay $0x1  }
0x99: {  	s4 =	simm.s32 $_scs_section_size  }
0x9a: {  	s5 =	simm.s32 $_size__tile_overlayer_lowered;
	s6 =	simm.s32 $_tile_overlayer_lowered  }
0x9b: {  	s7 =	simm.s32 $0x1BFF;
	s21 =	sshll.u32 s6, $0x1;
	s4 =	sadd.s32 s4, s20  }
0x9c: {  	s22 =	simm.s32 $0x0;
	s5 =	sshll.u32 s5, $0x1;
	s6 =	sadd.s32 s21, s4  }
0x9d: {  	[timem:s22], [sflag:s7] =	dma.local [hbm:s6], s5  }
0x9e: {  	_ =	swait.ge [sflag:s7], s5  }
0x9f: {  	s5 =	ssub.s32 $0x0, s5;
	[sflag:s7] =	ssyncset.done $0x0  }
0xa0: {  	[sflag:s7] =	ssyncadd.s32 s5;
	_ =	sdelay $0x1  }
0xa1: {  	s23 =	simm.s32 $0x1B8B  }
0xa2: {  	_ =	swait.ge [sflag:s23], $0x1  }
0xa3: {  	[sflag:s23] =	ssyncset.done $0x0  }
0xa4: {  	[sflag:s23] =	ssyncadd.s32 $0xFFFFFFFF  }
0xa5: {  	s5 =	sld [smem:$0x0]  }
0xa6: {  	s6 =	sand.u32 $0xFFFFFFFE, s1  }
0xa7: {  	p0 =	sne.s32 s1, s6  }
0xa8: {  	s6 =	sshll.u32 @p0 s6, $0xE  }
0xa9: {  	s6 =	sadd.s32 @p0 $0x11B8D, s6;
	s7 =	sshll.u32 @p0 s5, $0x11  }
0xaa: {  	s6 =	sor.u32 @p0 s7, s6  }
0xab: {  	[sflag:s6] =	ssyncadd.remote.s32 @p0 $0x1;
	_ =	sdelay $0x1  }
0xac: {  	s6 =	simm.s32 @p0 $0x1B8D  }
0xad: {  	_ =	swait.eq @p0 [sflag:s6], $0x1  }
0xae: {  	[sflag:s6] =	ssyncadd.s32 @p0 $0xFFFFFFFF  }
0xaf: {  	s7 =	sshll.u32 @!p0 s1, $0xE  }
0xb0: {  	s7 =	sor.u32 @!p0 $0x4000, s7;
	s6 =	simm.s32 @!p0 $0x1B8D  }
0xb1: {  	s5 =	sshll.u32 @!p0 s5, $0x11;
	s7 =	sadd.s32 @!p0 $0x11B8D, s7;
	_ =	swait.eq @!p0 [sflag:s6], $0x1  }
0xb2: {  	s5 =	sor.u32 @!p0 s5, s7;
	[sflag:s6] =	ssyncadd.s32 @!p0 $0xFFFFFFFF  }
0xb3: {  	s25 =	simm.s32 $0x1B8E;
	s24 =	sld [smem:$0x3FFE];
	[sflag:s5] =	ssyncadd.remote.s32 @!p0 $0x1  }
0xb4: {  	s26 =	simm.s32 $execute0_lowered;
	[smem:$0x3FD2] =	sst s25  }
0xb5: {  	s6 =	sshll.u32 s26, $0x1;
	_ =	strace $0x80000049;
	[dreg:$0x1] =	wrdreg $0xFFFFFFFF  }
0xb6: {  	s28 =	simm.s32 $_size_execute0_lowered;
	s4 =	sadd.s32 s4, s6;
	[dreg:$0x0] =	wrdreg $0x0  }
0xb7: {  	s6 =	sshll.u32 s28, $0x1;
	[dreg:$0x2] =	wrdreg s4  }
0xb8: {  	[dreg:$0x3] =	wrdreg s6  }
0xb9: {  	[dreg:$0x4] =	wrdreg $0xC0  }
0xba: {  	_ =	task [dreg:s22], $0x5FFFF  }
0xbb: {  	[dreg:$0x1] =	wrdreg $0xFFFFFFFF  }
0xbc: {  	[dreg:$0x0] =	wrdreg $0x60  }
0xbd: {  	[dreg:$0x2] =	wrdreg s18  }
0xbe: {  	[dreg:$0x3] =	wrdreg s24  }
0xbf: {  	[dreg:$0x4] =	wrdreg $0x9  }
0xc0: {  	_ =	task.clear_ibuf [dreg:s22], $0x5FFFF;
	_ =	strace $0x90000049  }
0xc1: {  	s29 =	simm.s32 $0x9;
	_ =	strace $0x8000004B  }
0xc2: {  	_ =	swait.ge [sflag:s29], $0x1  }
0xc3: {  	[sflag:s29] =	ssyncadd.s32 $0xFFFFFFFF  }
0xc4: {  	_ =	strace $0x9000004B  }
0xc5: {  	_ =	sfence  }
0xc6: {  	s30 =	sld [smem:$0x0];
	_ =	sdelay $0x2  }
0xc7: {  	s31 =	sshll.u32 s1, $0xD;
	s1 =	sshrl.u32 s1, $0x2  }
0xc8: {  	s4 =	sand.u32 $0x4000, s31;
	s1 =	sadd.s32 s1, s30  }
0xc9: {  	s0 =	sor.u32 s4, s0;
	s1 =	sshll.u32 s1, $0x11  }
0xca: {  	s0 =	sor.u32 s1, s0  }
0xcb: {  	s0 =	sadd.s32 $0x8F2B, s0  }
0xcc: {  	[sflag:s0] =	ssyncadd.remote.s32 $0x1  }
0xcd: {  	_ =	sfence.sel $0xFFFF  }
0xce: {  	[dreg:$0x0] =	wrdreg $0xFFFFFFFF;
	(pc) =	sbr.abs _section_cstart, $3  }
0xcf: {  	[dreg:$0x1] =	wrdreg $0xFFFFFFFF  }
0xd0: {  	_ =	task.clear_ibuf [dreg:s22], $0x2FFFF;
	_ =	strace $0x9FFFFFFF  }
0xd1: {  	(tm) =	ssettm $0x7FFFFFFF  }
tec
execute0_lowered:
.L_overlay_start_1:
0x0: {  	(tag) =	ssettag $0x1  }
0x1: {  	v0 =	vlaneseq.u32  }
0x2: {  	v0 =	vmul.u32 $0x10, v0;
	_ =	sdelay $0x1  }
0x3: {  	v1 =	vor.u32 $0x1, v0;
	v3 =	vor.u32 $0x3, v0;
	v4 =	vor.u32 $0x4, v0  }
0x4: {  	v5 =	vor.u32 $0x5, v0;
	v6 =	vor.u32 $0x6, v0;
	v7 =	vor.u32 $0x7, v0  }
0x5: {  	v9 =	vor.u32 $0x9, v0;
	v10 =	vor.u32 $0xA, v0;
	v11 =	vor.u32 $0xB, v0  }
0x6: {  	v12 =	vor.u32 $0xC, v0;
	v13 =	vor.u32 $0xD, v0;
	v14 =	vor.u32 $0xE, v0  }
0x7: {  	v15 =	vor.u32 $0xF, v0;
	v16 =	vor.u32 $0x100, v0;
	v17 =	vor.u32 $0x101, v0  }
0x8: {  	v18 =	vor.u32 $0x102, v0;
	v19 =	vor.u32 $0x103, v0;
	v20 =	vor.u32 $0x104, v0  }
0x9: {  	s0 =	rddreg [dreg:$0x0];
	v21 =	vor.u32 $0x105, v0;
	v22 =	vor.u32 $0x106, v0;
	v23 =	vor.u32 $0x107, v0  }
0xa: {  	s8 =	rddreg [dreg:$0x1];
	v24 =	vor.u32 $0x108, v0;
	v25 =	vor.u32 $0x109, v0;
	v26 =	vor.u32 $0x10A, v0  }
0xb: {  	s3 =	srdreg.scid;
	s1 =	stileid.u32;
	v27 =	vor.u32 $0x10B, v0;
	v28 =	vor.u32 $0x10C, v0;
	v29 =	vor.u32 $0x10D, v0  }
0xc: {  	s2 =	simm.s32 $0x0;
	s10 =	simm.s32 $0x2000;
	s11 =	simm.s32 $0x13D6400;
	v30 =	vor.u32 $0x10E, v0;
	v31 =	vor.u32 $0x10F, v0;
	v32 =	vor.u32 $0x200, v0  }
0xd: {  	s12 =	simm.s32 $0x4000;
	s13 =	simm.s32 $0x1;
	s14 =	simm.s32 $0x8000;
	v33 =	vor.u32 $0x201, v0;
	v34 =	vor.u32 $0x202, v0;
	v35 =	vor.u32 $0x203, v0  }
0xe: {  	s15 =	simm.s32 $0x2;
	s16 =	simm.s32 $0xC000;
	s18 =	simm.s32 $0x4;
	v36 =	vor.u32 $0x204, v0;
	v37 =	vor.u32 $0x205, v0;
	v38 =	vor.u32 $0x206, v0  }
0xf: {  	s19 =	simm.s32 $0x400;
	s20 =	simm.s32 $0x10000;
	s21 =	simm.s32 $0x5;
	v39 =	vor.u32 $0x207, v0;
	v40 =	vor.u32 $0x208, v0;
	v41 =	vor.u32 $0x209, v0  }
0x10: {  	s22 =	simm.s32 $0x0;
	s3 =	sand.u32 $0x1, s3;
	s4 =	sshll.u32 s1, $0x1;
	v42 =	vor.u32 $0x20A, v0;
	v43 =	vor.u32 $0x20B, v0;
	v44 =	vor.u32 $0x20C, v0  }
0x11: {  	[smem:$0x7FF] =	sst s2;
	s17 =	sor.u32 s3, s4;
	s5 =	ssub.s32 $0x2, s3;
	v45 =	vor.u32 $0x20D, v0;
	v46 =	vor.u32 $0x20E, v0;
	v47 =	vor.u32 $0x20F, v0  }
0x12: {  	s3 =	simm.s32 $0x50;
	s4 =	sshll.u32 s17, $0xB;
	s6 =	sshrl.u32 s5, $0x1;
	v48 =	vor.u32 $0x300, v0;
	v49 =	vor.u32 $0x301, v0;
	v50 =	vor.u32 $0x302, v0  }
.Ltmp0:
0x13: {  	s31 =	sshll.u32 s17, $0xA;
	p0 =	slt.u32 s17, $0xB;
	v51 =	vor.u32 $0x303, v0;
	v52 =	vor.u32 $0x304, v0;
	v53 =	vor.u32 $0x305, v0;
	(pc) =	sbr.rel .LBB2_1-.Ltmp0, $4  }
0x14: {  	v54 =	vor.u32 $0x306, v0;
	v55 =	vor.u32 $0x307, v0;
	v56 =	vor.u32 $0x308, v0;
	s7 =	sadd.s32 s4, s8;
	s4 =	sadd.s32 s0, s31;
	s9 =	ssub.s32 s5, s6  }
0x15: {  	v8 =	vor.u32 $0x8, v0;
	v57 =	vor.u32 $0x309, v0;
	[tilespmem:$0x1FFE0] =	vst v1;
	v1 =	vor.u32 $0x2, v0;
	s6 =	sadd.s32 $0x27AC00, s0;
	s3 =	simm.s32 @!p0 $0x4F;
	s8 =	sadd.s32 $0x4F6400, s8  }
0x16: {  	v58 =	vor.u32 $0x30A, v0;
	v59 =	vor.u32 $0x30B, v0;
	v60 =	vor.u32 $0x30C, v0;
	p0 =	sne.s32 s17, $0x1F;
	s17 =	simm.s32 $0x3;
	[tilespmem:$0x1FFF0] =	vst v1;
	s5 =	sadd.s32 $0x8000, s4  }
0x17: {  	v61 =	vor.u32 $0x30D, v0;
	v62 =	vor.u32 $0x30E, v0;
	v63 =	vor.u32 $0x30F, v0;
	s7 =	sadd.s32 $0xC00, s7;
	s9 =	smax.u32 s9, $0x1;
	_ =	strace $0x8000004A  }
.LBB2_13:
0x18: {  	s22 =	sadd.s32 $0x1, s22  }
0x19: {  	p1 =	sne.s32 s22, s9  }
.Ltmp1:
0x1a: {  	_ = 	snop;
	(pc) =	sbr.rel @!p1 .LBB2_14-.Ltmp1, $1  }
0x1b: {  	_ =	sdelay $0x3  }
.LBB2_1:
.Ltmp2:
0x1c: {  	(pc) =	sbr.rel .LBB2_2-.Ltmp2, $4  }
0x1d: {  	[tilespmem:$0x10800] =	vst v0  }
0x1e: {  	[tilespmem:s2], [sflag:$0x1] =	stream.strided.gather [hbm4b:s4+s10], $0x4000, s11, s10, $0x38;
	[tilespmem:$0x10880] =	vst v63  }
0x1f: {  	s23 =	simm.s32 $0x0  }
0x20: {  	[tilespmem:s12], [sflag:$0x2] =	stream.strided.gather [hbm4b:s5+s10], $0x4000, s11, s10, $0x38;
	[tilespmem:$0x10880] =	vst v63  }
.LBB2_10:
0x21: {  	s23 =	sadd.s32 $0x1, s23  }
0x22: {  	p1 =	sne.s32 s23, $0x28  }
.Ltmp3:
0x23: {  	_ = 	snop;
	(pc) =	sbr.rel @!p1 .LBB2_11-.Ltmp3, $1  }
0x24: {  	_ =	sdelay $0x3  }
.LBB2_2:
0x25: {  	s24 =	sshll.u32 s23, $0x1  }
0x26: {  	p2 =	sge.u32 s24, s3  }
.Ltmp4:
0x27: {  	_ = 	snop;
	(pc) =	sbr.rel @p2 .LBB2_6-.Ltmp4, $2  }
0x28: {  	_ =	sdelay $0x2  }
0x29: {  	p1 =	seq.s32 s23, $0x0  }
0x2a: {  	_ =	swait.ge [sflag:s13], $0x4000  }
0x2b: {  	[sflag:s13] =	ssyncset.done $0x0  }
0x2c: {  	s0 =	simm.s32 @!p1 $0x3;
	[sflag:s13] =	ssyncadd.s32 $0xFFFFC000  }
0x2d: {  	s25 =	simm.s32 $0x0;
	_ =	swait.ge @!p1 [sflag:s0], $0x4000  }
0x2e: {  	s26 =	sand.u32 $0x70, s25;
	s28 =	sand.u32 $0x1C00, s25;
	[sflag:s0] =	ssyncset.done @!p1 $0x0  }
0x2f: {  	s1 =	simm.s32 $0x0;
	s29 =	sor.u32 s26, s28;
	[sflag:s0] =	ssyncadd.s32 @!p1 $0xFFFFC000  }
0x30: {  	v2 =	vor.u32 s1, v0;
	v1 =	vld [tilespmem:s29+$0x0];
	_ =	sdelay $0x4  }
0x31: {  	s26 =	simm.s32 $0x1;
	[tilespmem:v2+s14+$0x0] =	vst.idx.msk $0xffff, v1  }
0x32: {  	v1 =	vor.u32 s26, v0;
	v2 =	vld [tilespmem:s29+$0x80];
	_ =	sdelay $0x4  }
0x33: {  	s1 =	simm.s32 $0x2;
	[tilespmem:v1+s14+$0x0] =	vst.idx.msk $0xffff, v2  }
0x34: {  	v1 =	vor.u32 s1, v0;
	v2 =	vld [tilespmem:s29+$0x100];
	_ =	sdelay $0x4  }
0x35: {  	s26 =	simm.s32 $0x3;
	[tilespmem:v1+s14+$0x0] =	vst.idx.msk $0xffff, v2  }
0x36: {  	v1 =	vor.u32 s26, v0;
	v2 =	vld [tilespmem:s29+$0x180];
	_ =	sdelay $0x4  }
0x37: {  	s1 =	simm.s32 $0x4;
	[tilespmem:v1+s14+$0x0] =	vst.idx.msk $0xffff, v2  }
0x38: {  	v1 =	vor.u32 s1, v0;
	v2 =	vld [tilespmem:s29+$0x200];
	_ =	sdelay $0x4  }
0x39: {  	s26 =	simm.s32 $0x5;
	[tilespmem:v1+s14+$0x0] =	vst.idx.msk $0xffff, v2  }
0x3a: {  	v1 =	vor.u32 s26, v0;
	v2 =	vld [tilespmem:s29+$0x280];
	_ =	sdelay $0x4  }
0x3b: {  	s1 =	simm.s32 $0x6;
	[tilespmem:v1+s14+$0x0] =	vst.idx.msk $0xffff, v2  }
0x3c: {  	v1 =	vor.u32 s1, v0;
	v2 =	vld [tilespmem:s29+$0x300];
	_ =	sdelay $0x3  }
0x3d: {  	s26 =	sor.u32 s25, s25  }
0x3e: {  	s0 =	sor.u32 $0x380, s26;
	s1 =	simm.s32 $0x7;
	[tilespmem:v1+s14+$0x0] =	vst.idx.msk $0xffff, v2  }
0x3f: {  	v1 =	vor.u32 s1, v0;
	v2 =	vld [tilespmem:s0+$0x0];
	_ =	sdelay $0x4  }
0x40: {  	s26 =	simm.s32 $0x8;
	[tilespmem:v1+s14+$0x0] =	vst.idx.msk $0xffff, v2  }
0x41: {  	v1 =	vor.u32 s26, v0;
	v2 =	vld [tilespmem:s29+$0x2000];
	_ =	sdelay $0x4  }
0x42: {  	s1 =	simm.s32 $0x9;
	[tilespmem:v1+s14+$0x0] =	vst.idx.msk $0xffff, v2  }
0x43: {  	v1 =	vor.u32 s1, v0;
	v2 =	vld [tilespmem:s29+$0x2080];
	_ =	sdelay $0x4  }
0x44: {  	s25 =	simm.s32 $0xA;
	[tilespmem:v1+s14+$0x0] =	vst.idx.msk $0xffff, v2  }
0x45: {  	v1 =	vor.u32 s25, v0;
	v2 =	vld [tilespmem:s29+$0x2100];
	_ =	sdelay $0x4  }
0x46: {  	s26 =	simm.s32 $0xB;
	[tilespmem:v1+s14+$0x0] =	vst.idx.msk $0xffff, v2  }
0x47: {  	v1 =	vor.u32 s26, v0;
	v2 =	vld [tilespmem:s29+$0x2180];
	_ =	sdelay $0x4  }
0x48: {  	s1 =	simm.s32 $0xC;
	[tilespmem:v1+s14+$0x0] =	vst.idx.msk $0xffff, v2  }
0x49: {  	v1 =	vor.u32 s1, v0;
	v2 =	vld [tilespmem:s29+$0x2200];
	_ =	sdelay $0x4  }
0x4a: {  	s25 =	simm.s32 $0xD;
	[tilespmem:v1+s14+$0x0] =	vst.idx.msk $0xffff, v2  }
0x4b: {  	v1 =	vor.u32 s25, v0;
	v2 =	vld [tilespmem:s29+$0x2280];
	_ =	sdelay $0x4  }
0x4c: {  	s26 =	simm.s32 $0xE;
	[tilespmem:v1+s14+$0x0] =	vst.idx.msk $0xffff, v2  }
0x4d: {  	v1 =	vor.u32 s26, v0;
	v2 =	vld [tilespmem:s29+$0x2300];
	_ =	sdelay $0x4  }
0x4e: {  	s1 =	simm.s32 $0xF;
	[tilespmem:v1+s14+$0x0] =	vst.idx.msk $0xffff, v2  }
0x4f: {  	v1 =	vor.u32 s1, v0;
	v2 =	vld [tilespmem:s29+$0x2380];
	_ =	sdelay $0x1  }
0x50: {  	s28 =	simm.s32 $0x10  }
0x51: {  	s30 =	sand.u32 $0x70, s28;
	s26 =	simm.s32 $0x80  }
0x52: {  	s25 =	simm.s32 $0x10F;
	s31 =	sand.u32 $0x1C00, s26;
	s29 =	simm.s32 $0x20F  }
.LBB2_4:
0x53: {  	p2 =	sne.s32 s29, $0x3F0F;
	s0 =	sadd.s32 $0xFFFFFFF1, s25;
	s30 =	sor.u32 s30, s31;
	[tilespmem:v1+s14+$0x0] =	vst.idx.msk $0xffff, v2  }
0x54: {  	v1 =	vld [tilespmem:s30+$0x0];
	v2 =	vor.u32 s0, v0;
	_ =	sdelay $0x4  }
0x55: {  	s0 =	sadd.s32 $0xFFFFFFF2, s25;
	[tilespmem:v2+s14+$0x0] =	vst.idx.msk $0xffff, v1  }
0x56: {  	v1 =	vor.u32 s0, v0;
	v2 =	vld [tilespmem:s30+$0x80];
	_ =	sdelay $0x4  }
0x57: {  	s0 =	sadd.s32 $0xFFFFFFF3, s25;
	[tilespmem:v1+s14+$0x0] =	vst.idx.msk $0xffff, v2  }
0x58: {  	v1 =	vor.u32 s0, v0;
	v2 =	vld [tilespmem:s30+$0x100];
	_ =	sdelay $0x4  }
0x59: {  	s0 =	sadd.s32 $0xFFFFFFF4, s25;
	[tilespmem:v1+s14+$0x0] =	vst.idx.msk $0xffff, v2  }
0x5a: {  	v1 =	vor.u32 s0, v0;
	v2 =	vld [tilespmem:s30+$0x180];
	_ =	sdelay $0x4  }
0x5b: {  	s0 =	sadd.s32 $0xFFFFFFF5, s25;
	[tilespmem:v1+s14+$0x0] =	vst.idx.msk $0xffff, v2  }
0x5c: {  	v1 =	vor.u32 s0, v0;
	v2 =	vld [tilespmem:s30+$0x200];
	_ =	sdelay $0x4  }
0x5d: {  	s0 =	sadd.s32 $0xFFFFFFF6, s25;
	[tilespmem:v1+s14+$0x0] =	vst.idx.msk $0xffff, v2  }
0x5e: {  	v1 =	vor.u32 s0, v0;
	v2 =	vld [tilespmem:s30+$0x280];
	_ =	sdelay $0x4  }
0x5f: {  	s0 =	sadd.s32 $0xFFFFFFF7, s25;
	[tilespmem:v1+s14+$0x0] =	vst.idx.msk $0xffff, v2  }
0x60: {  	v1 =	vor.u32 s0, v0;
	v2 =	vld [tilespmem:s30+$0x300];
	_ =	sdelay $0x3  }
0x61: {  	s0 =	sor.u32 s26, s28  }
0x62: {  	s31 =	sadd.s32 $0xFFFFFFF8, s25;
	s0 =	sor.u32 $0x380, s0;
	[tilespmem:v1+s14+$0x0] =	vst.idx.msk $0xffff, v2  }
0x63: {  	v1 =	vor.u32 s31, v0;
	v2 =	vld [tilespmem:s0+$0x0];
	_ =	sdelay $0x4  }
0x64: {  	s0 =	sadd.s32 $0xFFFFFFF9, s25;
	[tilespmem:v1+s14+$0x0] =	vst.idx.msk $0xffff, v2  }
0x65: {  	v1 =	vor.u32 s0, v0;
	v2 =	vld [tilespmem:s30+$0x2000];
	_ =	sdelay $0x4  }
0x66: {  	s0 =	sadd.s32 $0xFFFFFFFA, s25;
	[tilespmem:v1+s14+$0x0] =	vst.idx.msk $0xffff, v2  }
0x67: {  	v1 =	vor.u32 s0, v0;
	v2 =	vld [tilespmem:s30+$0x2080];
	_ =	sdelay $0x4  }
0x68: {  	s0 =	sadd.s32 $0xFFFFFFFB, s25;
	[tilespmem:v1+s14+$0x0] =	vst.idx.msk $0xffff, v2  }
0x69: {  	v1 =	vor.u32 s0, v0;
	v2 =	vld [tilespmem:s30+$0x2100];
	_ =	sdelay $0x4  }
0x6a: {  	s0 =	sadd.s32 $0xFFFFFFFC, s25;
	[tilespmem:v1+s14+$0x0] =	vst.idx.msk $0xffff, v2  }
0x6b: {  	v1 =	vor.u32 s0, v0;
	v2 =	vld [tilespmem:s30+$0x2180];
	_ =	sdelay $0x4  }
0x6c: {  	s0 =	sadd.s32 $0xFFFFFFFD, s25;
	[tilespmem:v1+s14+$0x0] =	vst.idx.msk $0xffff, v2  }
0x6d: {  	v1 =	vor.u32 s0, v0;
	v2 =	vld [tilespmem:s30+$0x2200];
	_ =	sdelay $0x4  }
0x6e: {  	s0 =	sadd.s32 $0xFFFFFFFE, s25;
	[tilespmem:v1+s14+$0x0] =	vst.idx.msk $0xffff, v2  }
0x6f: {  	v1 =	vor.u32 s0, v0;
	v2 =	vld [tilespmem:s30+$0x2280];
	_ =	sdelay $0x4  }
0x70: {  	s0 =	sadd.s32 $0xFFFFFFFF, s25;
	[tilespmem:v1+s14+$0x0] =	vst.idx.msk $0xffff, v2  }
0x71: {  	v1 =	vor.u32 s0, v0;
	v2 =	vld [tilespmem:s30+$0x2300];
	_ =	sdelay $0x4  }
0x72: {  	[tilespmem:v1+s14+$0x0] =	vst.idx.msk $0xffff, v2  }
.Ltmp5:
0x73: {  	v1 =	vor.u32 s25, v0;
	s25 =	smov.u32 s29;
	v2 =	vld [tilespmem:s30+$0x2380];
	(pc) =	sbr.rel @p2 .LBB2_4-.Ltmp5, $3  }
0x74: {  	_ =	sdelay $0x1  }
0x75: {  	s26 =	sadd.s32 $0x80, s26;
	s28 =	sadd.s32 $0x10, s28  }
0x76: {  	s31 =	sand.u32 $0x1C00, s26;
	s29 =	sadd.s32 $0x100, s29;
	s30 =	sand.u32 $0x70, s28  }
0x77: {  	_ =	sdelay $0x3  }
0x78: {  	s0 =	sadd.s32 $0xFFFFFFF1, s25;
	s29 =	sor.u32 s30, s31;
	[tilespmem:v1+s14+$0x0] =	vst.idx.msk $0xffff, v2  }
0x79: {  	v1 =	vld [tilespmem:s29+$0x0];
	v2 =	vor.u32 s0, v0;
	_ =	sdelay $0x4  }
0x7a: {  	s31 =	sadd.s32 $0xFFFFFFF2, s25;
	[tilespmem:v2+s14+$0x0] =	vst.idx.msk $0xffff, v1  }
0x7b: {  	v1 =	vor.u32 s31, v0;
	v2 =	vld [tilespmem:s29+$0x80];
	_ =	sdelay $0x4  }
0x7c: {  	s1 =	sadd.s32 $0xFFFFFFF3, s25;
	[tilespmem:v1+s14+$0x0] =	vst.idx.msk $0xffff, v2  }
0x7d: {  	v1 =	vor.u32 s1, v0;
	v2 =	vld [tilespmem:s29+$0x100];
	_ =	sdelay $0x4  }
0x7e: {  	s30 =	sadd.s32 $0xFFFFFFF4, s25;
	[tilespmem:v1+s14+$0x0] =	vst.idx.msk $0xffff, v2  }
0x7f: {  	v1 =	vor.u32 s30, v0;
	v2 =	vld [tilespmem:s29+$0x180];
	_ =	sdelay $0x4  }
0x80: {  	s31 =	sadd.s32 $0xFFFFFFF5, s25;
	[tilespmem:v1+s14+$0x0] =	vst.idx.msk $0xffff, v2  }
0x81: {  	v1 =	vor.u32 s31, v0;
	v2 =	vld [tilespmem:s29+$0x200];
	_ =	sdelay $0x4  }
0x82: {  	s1 =	sadd.s32 $0xFFFFFFF6, s25;
	[tilespmem:v1+s14+$0x0] =	vst.idx.msk $0xffff, v2  }
0x83: {  	v1 =	vor.u32 s1, v0;
	v2 =	vld [tilespmem:s29+$0x280];
	_ =	sdelay $0x4  }
0x84: {  	s30 =	sadd.s32 $0xFFFFFFF7, s25;
	[tilespmem:v1+s14+$0x0] =	vst.idx.msk $0xffff, v2  }
0x85: {  	v1 =	vor.u32 s30, v0;
	v2 =	vld [tilespmem:s29+$0x300];
	_ =	sdelay $0x3  }
0x86: {  	s31 =	sor.u32 s26, s28  }
0x87: {  	s0 =	sor.u32 $0x380, s31;
	s1 =	sadd.s32 $0xFFFFFFF8, s25;
	[tilespmem:v1+s14+$0x0] =	vst.idx.msk $0xffff, v2  }
0x88: {  	v1 =	vor.u32 s1, v0;
	v2 =	vld [tilespmem:s0+$0x0];
	_ =	sdelay $0x4  }
0x89: {  	s28 =	sadd.s32 $0xFFFFFFF9, s25;
	[tilespmem:v1+s14+$0x0] =	vst.idx.msk $0xffff, v2  }
0x8a: {  	v1 =	vor.u32 s28, v0;
	v2 =	vld [tilespmem:s29+$0x2000];
	_ =	sdelay $0x4  }
0x8b: {  	s30 =	sadd.s32 $0xFFFFFFFA, s25;
	[tilespmem:v1+s14+$0x0] =	vst.idx.msk $0xffff, v2  }
0x8c: {  	v1 =	vor.u32 s30, v0;
	v2 =	vld [tilespmem:s29+$0x2080];
	_ =	sdelay $0x4  }
0x8d: {  	s31 =	sadd.s32 $0xFFFFFFFB, s25;
	[tilespmem:v1+s14+$0x0] =	vst.idx.msk $0xffff, v2  }
0x8e: {  	v1 =	vor.u32 s31, v0;
	v2 =	vld [tilespmem:s29+$0x2100];
	_ =	sdelay $0x4  }
0x8f: {  	s1 =	sadd.s32 $0xFFFFFFFC, s25;
	[tilespmem:v1+s14+$0x0] =	vst.idx.msk $0xffff, v2  }
0x90: {  	v1 =	vor.u32 s1, v0;
	v2 =	vld [tilespmem:s29+$0x2180];
	_ =	sdelay $0x4  }
0x91: {  	s26 =	sadd.s32 $0xFFFFFFFD, s25;
	[tilespmem:v1+s14+$0x0] =	vst.idx.msk $0xffff, v2  }
0x92: {  	v1 =	vor.u32 s26, v0;
	v2 =	vld [tilespmem:s29+$0x2200];
	_ =	sdelay $0x4  }
0x93: {  	s28 =	sadd.s32 $0xFFFFFFFE, s25;
	[tilespmem:v1+s14+$0x0] =	vst.idx.msk $0xffff, v2  }
0x94: {  	v1 =	vor.u32 s28, v0;
	v2 =	vld [tilespmem:s29+$0x2280];
	_ =	sdelay $0x4  }
0x95: {  	s30 =	sadd.s32 $0xFFFFFFFF, s25;
	[tilespmem:v1+s14+$0x0] =	vst.idx.msk $0xffff, v2  }
0x96: {  	v1 =	vor.u32 s30, v0;
	v2 =	vld [tilespmem:s29+$0x2300];
	_ =	sdelay $0x4  }
0x97: {  	[tilespmem:v1+s14+$0x0] =	vst.idx.msk $0xffff, v2  }
0x98: {  	v1 =	vor.u32 s25, v0;
	v2 =	vld [tilespmem:s29+$0x2380];
	_ =	sdelay $0x3  }
0x99: {  	s31 =	sshll.u32 s23, $0x11  }
0x9a: {  	s0 =	sadd.s32 s31, s7;
	[tilespmem:v1+s14+$0x0] =	vst.idx.msk $0xffff, v2  }
0x9b: {  	[hbm4b:s0+s2] =	stream.linear.scatter [tilespmem:s14], [sflag:$0x3], $0x4000, $0x38;
	[tilespmem:$0x10880] =	vst v63  }
0x9c: {  	s0 =	sadd.s32 $0x2, s24  }
0x9d: {  	p2 =	sge.u32 s0, s3  }
0x9e: {  	s0 =	sshll.u32 @!p2 s0, $0xF;
	s25 =	simm.s32 @!p2 $0x2000  }
0x9f: {  	s26 =	simm.s32 @!p2 $0x13D6400;
	s28 =	simm.s32 @!p2 $0x0;
	s0 =	sadd.s32 @!p2 s0, s4  }
0xa0: {  	[tilespmem:s28], [sflag:$0x1] =	stream.strided.gather @!p2 [hbm4b:s0+s25], $0x4000, s26, s25, $0x38;
	[tilespmem:$0x10880] =	vst v63  }
.LBB2_6:
0xa1: {  	s25 =	sor.u32 $0x1, s24  }
0xa2: {  	p2 =	sge.u32 s25, s3  }
.Ltmp6:
0xa3: {  	_ = 	snop;
	(pc) =	sbr.rel @p2 .LBB2_10-.Ltmp6, $1  }
0xa4: {  	_ =	sdelay $0x3  }
0xa5: {  	_ =	swait.ge [sflag:s15], $0x4000  }
0xa6: {  	[sflag:s15] =	ssyncset.done $0x0  }
0xa7: {  	s0 =	simm.s32 @!p1 $0x4;
	[sflag:s15] =	ssyncadd.s32 $0xFFFFC000  }
0xa8: {  	s26 =	simm.s32 $0x0;
	_ =	swait.ge @!p1 [sflag:s0], $0x4000  }
0xa9: {  	s28 =	sand.u32 $0x70, s26;
	s29 =	sand.u32 $0x1C00, s26;
	[sflag:s0] =	ssyncset.done @!p1 $0x0  }
0xaa: {  	s1 =	simm.s32 $0x0;
	s30 =	sor.u32 s28, s29;
	[sflag:s0] =	ssyncadd.s32 @!p1 $0xFFFFC000  }
0xab: {  	v2 =	vor.u32 s1, v0;
	v1 =	vld [tilespmem:s30+$0x4000];
	_ =	sdelay $0x4  }
0xac: {  	s1 =	simm.s32 $0x1;
	[tilespmem:v2+s16+$0x0] =	vst.idx.msk $0xffff, v1  }
0xad: {  	v1 =	vor.u32 s1, v0;
	v2 =	vld [tilespmem:s30+$0x4080];
	_ =	sdelay $0x4  }
0xae: {  	s1 =	simm.s32 $0x2;
	[tilespmem:v1+s16+$0x0] =	vst.idx.msk $0xffff, v2  }
0xaf: {  	v1 =	vor.u32 s1, v0;
	v2 =	vld [tilespmem:s30+$0x4100];
	_ =	sdelay $0x4  }
0xb0: {  	s1 =	simm.s32 $0x3;
	[tilespmem:v1+s16+$0x0] =	vst.idx.msk $0xffff, v2  }
0xb1: {  	v1 =	vor.u32 s1, v0;
	v2 =	vld [tilespmem:s30+$0x4180];
	_ =	sdelay $0x4  }
0xb2: {  	s1 =	simm.s32 $0x4;
	[tilespmem:v1+s16+$0x0] =	vst.idx.msk $0xffff, v2  }
0xb3: {  	v1 =	vor.u32 s1, v0;
	v2 =	vld [tilespmem:s30+$0x4200];
	_ =	sdelay $0x4  }
0xb4: {  	s1 =	simm.s32 $0x5;
	[tilespmem:v1+s16+$0x0] =	vst.idx.msk $0xffff, v2  }
0xb5: {  	v1 =	vor.u32 s1, v0;
	v2 =	vld [tilespmem:s30+$0x4280];
	_ =	sdelay $0x4  }
0xb6: {  	s1 =	simm.s32 $0x6;
	[tilespmem:v1+s16+$0x0] =	vst.idx.msk $0xffff, v2  }
0xb7: {  	v1 =	vor.u32 s1, v0;
	v2 =	vld [tilespmem:s30+$0x4300];
	_ =	sdelay $0x3  }
0xb8: {  	s26 =	sor.u32 s26, s26  }
0xb9: {  	s0 =	sor.u32 $0x380, s26;
	s1 =	simm.s32 $0x7;
	[tilespmem:v1+s16+$0x0] =	vst.idx.msk $0xffff, v2  }
0xba: {  	v1 =	vor.u32 s1, v0;
	v2 =	vld [tilespmem:s0+$0x4000];
	_ =	sdelay $0x4  }
0xbb: {  	s26 =	simm.s32 $0x8;
	[tilespmem:v1+s16+$0x0] =	vst.idx.msk $0xffff, v2  }
0xbc: {  	v1 =	vor.u32 s26, v0;
	v2 =	vld [tilespmem:s30+$0x6000];
	_ =	sdelay $0x4  }
0xbd: {  	s1 =	simm.s32 $0x9;
	[tilespmem:v1+s16+$0x0] =	vst.idx.msk $0xffff, v2  }
0xbe: {  	v1 =	vor.u32 s1, v0;
	v2 =	vld [tilespmem:s30+$0x6080];
	_ =	sdelay $0x4  }
0xbf: {  	s26 =	simm.s32 $0xA;
	[tilespmem:v1+s16+$0x0] =	vst.idx.msk $0xffff, v2  }
0xc0: {  	v1 =	vor.u32 s26, v0;
	v2 =	vld [tilespmem:s30+$0x6100];
	_ =	sdelay $0x4  }
0xc1: {  	s1 =	simm.s32 $0xB;
	[tilespmem:v1+s16+$0x0] =	vst.idx.msk $0xffff, v2  }
0xc2: {  	v1 =	vor.u32 s1, v0;
	v2 =	vld [tilespmem:s30+$0x6180];
	_ =	sdelay $0x4  }
0xc3: {  	s26 =	simm.s32 $0xC;
	[tilespmem:v1+s16+$0x0] =	vst.idx.msk $0xffff, v2  }
0xc4: {  	v1 =	vor.u32 s26, v0;
	v2 =	vld [tilespmem:s30+$0x6200];
	_ =	sdelay $0x4  }
0xc5: {  	s1 =	simm.s32 $0xD;
	[tilespmem:v1+s16+$0x0] =	vst.idx.msk $0xffff, v2  }
0xc6: {  	v1 =	vor.u32 s1, v0;
	v2 =	vld [tilespmem:s30+$0x6280];
	_ =	sdelay $0x4  }
0xc7: {  	s26 =	simm.s32 $0xE;
	[tilespmem:v1+s16+$0x0] =	vst.idx.msk $0xffff, v2  }
0xc8: {  	v1 =	vor.u32 s26, v0;
	v2 =	vld [tilespmem:s30+$0x6300];
	_ =	sdelay $0x4  }
0xc9: {  	s1 =	simm.s32 $0xF;
	[tilespmem:v1+s16+$0x0] =	vst.idx.msk $0xffff, v2  }
0xca: {  	v1 =	vor.u32 s1, v0;
	v2 =	vld [tilespmem:s30+$0x6380];
	_ =	sdelay $0x1  }
0xcb: {  	s29 =	simm.s32 $0x10  }
0xcc: {  	s28 =	simm.s32 $0x80;
	s31 =	sand.u32 $0x70, s29  }
0xcd: {  	s0 =	sand.u32 $0x1C00, s28;
	s26 =	simm.s32 $0x10F;
	s30 =	simm.s32 $0x20F  }
.LBB2_8:
0xce: {  	p1 =	sne.s32 s30, $0x3F0F;
	s1 =	sadd.s32 $0xFFFFFFF1, s26;
	s31 =	sor.u32 s31, s0;
	[tilespmem:v1+s16+$0x0] =	vst.idx.msk $0xffff, v2  }
0xcf: {  	v1 =	vld [tilespmem:s31+$0x4000];
	v2 =	vor.u32 s1, v0;
	_ =	sdelay $0x4  }
0xd0: {  	s0 =	sadd.s32 $0xFFFFFFF2, s26;
	[tilespmem:v2+s16+$0x0] =	vst.idx.msk $0xffff, v1  }
0xd1: {  	v1 =	vor.u32 s0, v0;
	v2 =	vld [tilespmem:s31+$0x4080];
	_ =	sdelay $0x4  }
0xd2: {  	s0 =	sadd.s32 $0xFFFFFFF3, s26;
	[tilespmem:v1+s16+$0x0] =	vst.idx.msk $0xffff, v2  }
0xd3: {  	v1 =	vor.u32 s0, v0;
	v2 =	vld [tilespmem:s31+$0x4100];
	_ =	sdelay $0x4  }
0xd4: {  	s0 =	sadd.s32 $0xFFFFFFF4, s26;
	[tilespmem:v1+s16+$0x0] =	vst.idx.msk $0xffff, v2  }
0xd5: {  	v1 =	vor.u32 s0, v0;
	v2 =	vld [tilespmem:s31+$0x4180];
	_ =	sdelay $0x4  }
0xd6: {  	s0 =	sadd.s32 $0xFFFFFFF5, s26;
	[tilespmem:v1+s16+$0x0] =	vst.idx.msk $0xffff, v2  }
0xd7: {  	v1 =	vor.u32 s0, v0;
	v2 =	vld [tilespmem:s31+$0x4200];
	_ =	sdelay $0x4  }
0xd8: {  	s0 =	sadd.s32 $0xFFFFFFF6, s26;
	[tilespmem:v1+s16+$0x0] =	vst.idx.msk $0xffff, v2  }
0xd9: {  	v1 =	vor.u32 s0, v0;
	v2 =	vld [tilespmem:s31+$0x4280];
	_ =	sdelay $0x4  }
0xda: {  	s0 =	sadd.s32 $0xFFFFFFF7, s26;
	[tilespmem:v1+s16+$0x0] =	vst.idx.msk $0xffff, v2  }
0xdb: {  	v1 =	vor.u32 s0, v0;
	v2 =	vld [tilespmem:s31+$0x4300];
	_ =	sdelay $0x3  }
0xdc: {  	s0 =	sor.u32 s28, s29  }
0xdd: {  	s1 =	sadd.s32 $0xFFFFFFF8, s26;
	s0 =	sor.u32 $0x380, s0;
	[tilespmem:v1+s16+$0x0] =	vst.idx.msk $0xffff, v2  }
0xde: {  	v1 =	vor.u32 s1, v0;
	v2 =	vld [tilespmem:s0+$0x4000];
	_ =	sdelay $0x4  }
0xdf: {  	s0 =	sadd.s32 $0xFFFFFFF9, s26;
	[tilespmem:v1+s16+$0x0] =	vst.idx.msk $0xffff, v2  }
0xe0: {  	v1 =	vor.u32 s0, v0;
	v2 =	vld [tilespmem:s31+$0x6000];
	_ =	sdelay $0x4  }
0xe1: {  	s0 =	sadd.s32 $0xFFFFFFFA, s26;
	[tilespmem:v1+s16+$0x0] =	vst.idx.msk $0xffff, v2  }
0xe2: {  	v1 =	vor.u32 s0, v0;
	v2 =	vld [tilespmem:s31+$0x6080];
	_ =	sdelay $0x4  }
0xe3: {  	s0 =	sadd.s32 $0xFFFFFFFB, s26;
	[tilespmem:v1+s16+$0x0] =	vst.idx.msk $0xffff, v2  }
0xe4: {  	v1 =	vor.u32 s0, v0;
	v2 =	vld [tilespmem:s31+$0x6100];
	_ =	sdelay $0x4  }
0xe5: {  	s0 =	sadd.s32 $0xFFFFFFFC, s26;
	[tilespmem:v1+s16+$0x0] =	vst.idx.msk $0xffff, v2  }
0xe6: {  	v1 =	vor.u32 s0, v0;
	v2 =	vld [tilespmem:s31+$0x6180];
	_ =	sdelay $0x4  }
0xe7: {  	s0 =	sadd.s32 $0xFFFFFFFD, s26;
	[tilespmem:v1+s16+$0x0] =	vst.idx.msk $0xffff, v2  }
0xe8: {  	v1 =	vor.u32 s0, v0;
	v2 =	vld [tilespmem:s31+$0x6200];
	_ =	sdelay $0x4  }
0xe9: {  	s0 =	sadd.s32 $0xFFFFFFFE, s26;
	[tilespmem:v1+s16+$0x0] =	vst.idx.msk $0xffff, v2  }
0xea: {  	v1 =	vor.u32 s0, v0;
	v2 =	vld [tilespmem:s31+$0x6280];
	_ =	sdelay $0x4  }
0xeb: {  	s0 =	sadd.s32 $0xFFFFFFFF, s26;
	[tilespmem:v1+s16+$0x0] =	vst.idx.msk $0xffff, v2  }
0xec: {  	v1 =	vor.u32 s0, v0;
	v2 =	vld [tilespmem:s31+$0x6300];
	_ =	sdelay $0x4  }
0xed: {  	[tilespmem:v1+s16+$0x0] =	vst.idx.msk $0xffff, v2  }
.Ltmp7:
0xee: {  	v1 =	vor.u32 s26, v0;
	s26 =	smov.u32 s30;
	v2 =	vld [tilespmem:s31+$0x6380];
	(pc) =	sbr.rel @p1 .LBB2_8-.Ltmp7, $3  }
0xef: {  	_ =	sdelay $0x1  }
0xf0: {  	s28 =	sadd.s32 $0x80, s28;
	s29 =	sadd.s32 $0x10, s29  }
0xf1: {  	s0 =	sand.u32 $0x1C00, s28;
	s30 =	sadd.s32 $0x100, s30;
	s31 =	sand.u32 $0x70, s29  }
0xf2: {  	_ =	sdelay $0x3  }
0xf3: {  	s1 =	sadd.s32 $0xFFFFFFF1, s26;
	s30 =	sor.u32 s31, s0;
	[tilespmem:v1+s16+$0x0] =	vst.idx.msk $0xffff, v2  }
0xf4: {  	v1 =	vld [tilespmem:s30+$0x4000];
	v2 =	vor.u32 s1, v0;
	_ =	sdelay $0x4  }
0xf5: {  	s31 =	sadd.s32 $0xFFFFFFF2, s26;
	[tilespmem:v2+s16+$0x0] =	vst.idx.msk $0xffff, v1  }
0xf6: {  	v1 =	vor.u32 s31, v0;
	v2 =	vld [tilespmem:s30+$0x4080];
	_ =	sdelay $0x4  }
0xf7: {  	s1 =	sadd.s32 $0xFFFFFFF3, s26;
	[tilespmem:v1+s16+$0x0] =	vst.idx.msk $0xffff, v2  }
0xf8: {  	v1 =	vor.u32 s1, v0;
	v2 =	vld [tilespmem:s30+$0x4100];
	_ =	sdelay $0x4  }
0xf9: {  	s31 =	sadd.s32 $0xFFFFFFF4, s26;
	[tilespmem:v1+s16+$0x0] =	vst.idx.msk $0xffff, v2  }
0xfa: {  	v1 =	vor.u32 s31, v0;
	v2 =	vld [tilespmem:s30+$0x4180];
	_ =	sdelay $0x4  }
0xfb: {  	s1 =	sadd.s32 $0xFFFFFFF5, s26;
	[tilespmem:v1+s16+$0x0] =	vst.idx.msk $0xffff, v2  }
0xfc: {  	v1 =	vor.u32 s1, v0;
	v2 =	vld [tilespmem:s30+$0x4200];
	_ =	sdelay $0x4  }
0xfd: {  	s31 =	sadd.s32 $0xFFFFFFF6, s26;
	[tilespmem:v1+s16+$0x0] =	vst.idx.msk $0xffff, v2  }
0xfe: {  	v1 =	vor.u32 s31, v0;
	v2 =	vld [tilespmem:s30+$0x4280];
	_ =	sdelay $0x4  }
0xff: {  	s1 =	sadd.s32 $0xFFFFFFF7, s26;
	[tilespmem:v1+s16+$0x0] =	vst.idx.msk $0xffff, v2  }
0x100: {  	v1 =	vor.u32 s1, v0;
	v2 =	vld [tilespmem:s30+$0x4300];
	_ =	sdelay $0x3  }
0x101: {  	s29 =	sor.u32 s28, s29  }
0x102: {  	s0 =	sor.u32 $0x380, s29;
	s31 =	sadd.s32 $0xFFFFFFF8, s26;
	[tilespmem:v1+s16+$0x0] =	vst.idx.msk $0xffff, v2  }
0x103: {  	v1 =	vor.u32 s31, v0;
	v2 =	vld [tilespmem:s0+$0x4000];
	_ =	sdelay $0x4  }
0x104: {  	s1 =	sadd.s32 $0xFFFFFFF9, s26;
	[tilespmem:v1+s16+$0x0] =	vst.idx.msk $0xffff, v2  }
0x105: {  	v1 =	vor.u32 s1, v0;
	v2 =	vld [tilespmem:s30+$0x6000];
	_ =	sdelay $0x4  }
0x106: {  	s28 =	sadd.s32 $0xFFFFFFFA, s26;
	[tilespmem:v1+s16+$0x0] =	vst.idx.msk $0xffff, v2  }
0x107: {  	v1 =	vor.u32 s28, v0;
	v2 =	vld [tilespmem:s30+$0x6080];
	_ =	sdelay $0x4  }
0x108: {  	s29 =	sadd.s32 $0xFFFFFFFB, s26;
	[tilespmem:v1+s16+$0x0] =	vst.idx.msk $0xffff, v2  }
0x109: {  	v1 =	vor.u32 s29, v0;
	v2 =	vld [tilespmem:s30+$0x6100];
	_ =	sdelay $0x4  }
0x10a: {  	s31 =	sadd.s32 $0xFFFFFFFC, s26;
	[tilespmem:v1+s16+$0x0] =	vst.idx.msk $0xffff, v2  }
0x10b: {  	v1 =	vor.u32 s31, v0;
	v2 =	vld [tilespmem:s30+$0x6180];
	_ =	sdelay $0x4  }
0x10c: {  	s1 =	sadd.s32 $0xFFFFFFFD, s26;
	[tilespmem:v1+s16+$0x0] =	vst.idx.msk $0xffff, v2  }
0x10d: {  	v1 =	vor.u32 s1, v0;
	v2 =	vld [tilespmem:s30+$0x6200];
	_ =	sdelay $0x4  }
0x10e: {  	s28 =	sadd.s32 $0xFFFFFFFE, s26;
	[tilespmem:v1+s16+$0x0] =	vst.idx.msk $0xffff, v2  }
0x10f: {  	v1 =	vor.u32 s28, v0;
	v2 =	vld [tilespmem:s30+$0x6280];
	_ =	sdelay $0x4  }
0x110: {  	s29 =	sadd.s32 $0xFFFFFFFF, s26;
	[tilespmem:v1+s16+$0x0] =	vst.idx.msk $0xffff, v2  }
0x111: {  	v1 =	vor.u32 s29, v0;
	v2 =	vld [tilespmem:s30+$0x6300];
	_ =	sdelay $0x4  }
0x112: {  	[tilespmem:v1+s16+$0x0] =	vst.idx.msk $0xffff, v2  }
0x113: {  	v1 =	vor.u32 s26, v0;
	v2 =	vld [tilespmem:s30+$0x6380];
	_ =	sdelay $0x3  }
0x114: {  	s31 =	sshll.u32 s25, $0x10  }
0x115: {  	s0 =	sadd.s32 s31, s7;
	[tilespmem:v1+s16+$0x0] =	vst.idx.msk $0xffff, v2  }
0x116: {  	[hbm4b:s0+s2] =	stream.linear.scatter [tilespmem:s16], [sflag:$0x4], $0x4000, $0x38;
	[tilespmem:$0x10880] =	vst v63  }
.Ltmp8:
0x117: {  	s0 =	sadd.s32 $0x3, s24;
	(pc) =	sbr.rel .LBB2_10-.Ltmp8, $4  }
0x118: {  	p1 =	sge.u32 s0, s3  }
0x119: {  	s0 =	sshll.u32 @!p1 s0, $0xF;
	s1 =	simm.s32 @!p1 $0x2000  }
0x11a: {  	s24 =	simm.s32 @!p1 $0x13D6400;
	s25 =	simm.s32 @!p1 $0x4000;
	s0 =	sadd.s32 @!p1 s0, s4  }
0x11b: {  	[tilespmem:s25], [sflag:$0x2] =	stream.strided.gather @!p1 [hbm4b:s0+s1], $0x4000, s24, s1, $0x38;
	[tilespmem:$0x10880] =	vst v63  }
.LBB2_11:
0x11c: {  	_ =	swait.ge [sflag:s17], $0x4000  }
.Ltmp9:
0x11d: {  	[sflag:s17] =	ssyncset.done $0x0;
	(pc) =	sbr.rel @p0 .LBB2_13-.Ltmp9, $4  }
0x11e: {  	[sflag:s17] =	ssyncadd.s32 $0xFFFFC000  }
0x11f: {  	_ =	swait.ge [sflag:s18], $0x4000  }
0x120: {  	[sflag:s18] =	ssyncset.done $0x0  }
0x121: {  	[sflag:s18] =	ssyncadd.s32 $0xFFFFC000  }
0x122: {  	[tilespmem:s20], [sflag:$0x5] =	stream.strided.gather [hbm4b:s6+s19], $0x800, s11, s19, $0x38;
	[tilespmem:$0x10880] =	vst v63  }
0x123: {  	_ =	swait.ge [sflag:s21], $0x800  }
0x124: {  	[sflag:s21] =	ssyncset.done $0x0  }
0x125: {  	[sflag:s21] =	ssyncadd.s32 $0xFFFFF800  }
0x126: {  	v1 =	vld [tilespmem:$0x10000];
	_ =	sdelay $0x2  }
0x127: {  	v2 =	vld [tilespmem:$0x1FFE0];
	_ =	sdelay $0x1  }
0x128: {  	[tilespmem:v0+s14+$0x0] =	vst.idx.msk $0xffff, v1  }
0x129: {  	v1 =	vld [tilespmem:$0x10080];
	_ =	sdelay $0x4  }
0x12a: {  	[tilespmem:v2+s14+$0x0] =	vst.idx.msk $0xffff, v1;
	v2 =	vld [tilespmem:$0x1FFF0];
	_ =	sdelay $0x2  }
0x12b: {  	v1 =	vld [tilespmem:$0x10100];
	_ =	sdelay $0x4  }
0x12c: {  	[tilespmem:v2+s14+$0x0] =	vst.idx.msk $0xffff, v1  }
0x12d: {  	v1 =	vld [tilespmem:$0x10180];
	_ =	sdelay $0x4  }
0x12e: {  	[tilespmem:v3+s14+$0x0] =	vst.idx.msk $0xffff, v1  }
0x12f: {  	v1 =	vld [tilespmem:$0x10200];
	_ =	sdelay $0x4  }
0x130: {  	[tilespmem:v4+s14+$0x0] =	vst.idx.msk $0xffff, v1  }
0x131: {  	v1 =	vld [tilespmem:$0x10280];
	_ =	sdelay $0x4  }
0x132: {  	[tilespmem:v5+s14+$0x0] =	vst.idx.msk $0xffff, v1  }
0x133: {  	v1 =	vld [tilespmem:$0x10300];
	_ =	sdelay $0x4  }
0x134: {  	[tilespmem:v6+s14+$0x0] =	vst.idx.msk $0xffff, v1  }
0x135: {  	v1 =	vld [tilespmem:$0x10380];
	_ =	sdelay $0x4  }
0x136: {  	[tilespmem:v7+s14+$0x0] =	vst.idx.msk $0xffff, v1  }
0x137: {  	v1 =	vld [tilespmem:$0x10400];
	_ =	sdelay $0x4  }
0x138: {  	[tilespmem:v8+s14+$0x0] =	vst.idx.msk $0xffff, v1  }
0x139: {  	v1 =	vld [tilespmem:$0x10480];
	_ =	sdelay $0x4  }
0x13a: {  	[tilespmem:v9+s14+$0x0] =	vst.idx.msk $0xffff, v1  }
0x13b: {  	v1 =	vld [tilespmem:$0x10500];
	_ =	sdelay $0x4  }
0x13c: {  	[tilespmem:v10+s14+$0x0] =	vst.idx.msk $0xffff, v1  }
0x13d: {  	v1 =	vld [tilespmem:$0x10580];
	_ =	sdelay $0x4  }
0x13e: {  	[tilespmem:v11+s14+$0x0] =	vst.idx.msk $0xffff, v1  }
0x13f: {  	v1 =	vld [tilespmem:$0x10600];
	_ =	sdelay $0x4  }
0x140: {  	[tilespmem:v12+s14+$0x0] =	vst.idx.msk $0xffff, v1  }
0x141: {  	v1 =	vld [tilespmem:$0x10680];
	_ =	sdelay $0x4  }
0x142: {  	[tilespmem:v13+s14+$0x0] =	vst.idx.msk $0xffff, v1  }
0x143: {  	v1 =	vld [tilespmem:$0x10700];
	_ =	sdelay $0x4  }
0x144: {  	[tilespmem:v14+s14+$0x0] =	vst.idx.msk $0xffff, v1  }
0x145: {  	v1 =	vld [tilespmem:$0x10780];
	_ =	sdelay $0x4  }
0x146: {  	[tilespmem:v15+s14+$0x0] =	vst.idx.msk $0xffff, v1  }
0x147: {  	v1 =	vld [tilespmem:$0x10010];
	_ =	sdelay $0x4  }
0x148: {  	[tilespmem:v16+s14+$0x0] =	vst.idx.msk $0xffff, v1  }
0x149: {  	v1 =	vld [tilespmem:$0x10090];
	_ =	sdelay $0x4  }
0x14a: {  	[tilespmem:v17+s14+$0x0] =	vst.idx.msk $0xffff, v1  }
0x14b: {  	v1 =	vld [tilespmem:$0x10110];
	_ =	sdelay $0x4  }
0x14c: {  	[tilespmem:v18+s14+$0x0] =	vst.idx.msk $0xffff, v1  }
0x14d: {  	v1 =	vld [tilespmem:$0x10190];
	_ =	sdelay $0x4  }
0x14e: {  	[tilespmem:v19+s14+$0x0] =	vst.idx.msk $0xffff, v1  }
0x14f: {  	v1 =	vld [tilespmem:$0x10210];
	_ =	sdelay $0x4  }
0x150: {  	[tilespmem:v20+s14+$0x0] =	vst.idx.msk $0xffff, v1  }
0x151: {  	v1 =	vld [tilespmem:$0x10290];
	_ =	sdelay $0x4  }
0x152: {  	[tilespmem:v21+s14+$0x0] =	vst.idx.msk $0xffff, v1  }
0x153: {  	v1 =	vld [tilespmem:$0x10310];
	_ =	sdelay $0x4  }
0x154: {  	[tilespmem:v22+s14+$0x0] =	vst.idx.msk $0xffff, v1  }
0x155: {  	v1 =	vld [tilespmem:$0x10390];
	_ =	sdelay $0x4  }
0x156: {  	[tilespmem:v23+s14+$0x0] =	vst.idx.msk $0xffff, v1  }
0x157: {  	v1 =	vld [tilespmem:$0x10410];
	_ =	sdelay $0x4  }
0x158: {  	[tilespmem:v24+s14+$0x0] =	vst.idx.msk $0xffff, v1  }
0x159: {  	v1 =	vld [tilespmem:$0x10490];
	_ =	sdelay $0x4  }
0x15a: {  	[tilespmem:v25+s14+$0x0] =	vst.idx.msk $0xffff, v1  }
0x15b: {  	v1 =	vld [tilespmem:$0x10510];
	_ =	sdelay $0x4  }
0x15c: {  	[tilespmem:v26+s14+$0x0] =	vst.idx.msk $0xffff, v1  }
0x15d: {  	v1 =	vld [tilespmem:$0x10590];
	_ =	sdelay $0x4  }
0x15e: {  	[tilespmem:v27+s14+$0x0] =	vst.idx.msk $0xffff, v1  }
0x15f: {  	v1 =	vld [tilespmem:$0x10610];
	_ =	sdelay $0x4  }
0x160: {  	[tilespmem:v28+s14+$0x0] =	vst.idx.msk $0xffff, v1  }
0x161: {  	v1 =	vld [tilespmem:$0x10690];
	_ =	sdelay $0x4  }
0x162: {  	[tilespmem:v29+s14+$0x0] =	vst.idx.msk $0xffff, v1  }
0x163: {  	v1 =	vld [tilespmem:$0x10710];
	_ =	sdelay $0x4  }
0x164: {  	[tilespmem:v30+s14+$0x0] =	vst.idx.msk $0xffff, v1  }
0x165: {  	v1 =	vld [tilespmem:$0x10790];
	_ =	sdelay $0x4  }
0x166: {  	[tilespmem:v31+s14+$0x0] =	vst.idx.msk $0xffff, v1  }
0x167: {  	v1 =	vld [tilespmem:$0x10020];
	_ =	sdelay $0x4  }
0x168: {  	[tilespmem:v32+s14+$0x0] =	vst.idx.msk $0xffff, v1  }
0x169: {  	v1 =	vld [tilespmem:$0x100A0];
	_ =	sdelay $0x4  }
0x16a: {  	[tilespmem:v33+s14+$0x0] =	vst.idx.msk $0xffff, v1  }
0x16b: {  	v1 =	vld [tilespmem:$0x10120];
	_ =	sdelay $0x4  }
0x16c: {  	[tilespmem:v34+s14+$0x0] =	vst.idx.msk $0xffff, v1  }
0x16d: {  	v1 =	vld [tilespmem:$0x101A0];
	_ =	sdelay $0x4  }
0x16e: {  	[tilespmem:v35+s14+$0x0] =	vst.idx.msk $0xffff, v1  }
0x16f: {  	v1 =	vld [tilespmem:$0x10220];
	_ =	sdelay $0x4  }
0x170: {  	[tilespmem:v36+s14+$0x0] =	vst.idx.msk $0xffff, v1  }
0x171: {  	v1 =	vld [tilespmem:$0x102A0];
	_ =	sdelay $0x4  }
0x172: {  	[tilespmem:v37+s14+$0x0] =	vst.idx.msk $0xffff, v1  }
0x173: {  	v1 =	vld [tilespmem:$0x10320];
	_ =	sdelay $0x4  }
0x174: {  	[tilespmem:v38+s14+$0x0] =	vst.idx.msk $0xffff, v1  }
0x175: {  	v1 =	vld [tilespmem:$0x103A0];
	_ =	sdelay $0x4  }
0x176: {  	[tilespmem:v39+s14+$0x0] =	vst.idx.msk $0xffff, v1  }
0x177: {  	v1 =	vld [tilespmem:$0x10420];
	_ =	sdelay $0x4  }
0x178: {  	[tilespmem:v40+s14+$0x0] =	vst.idx.msk $0xffff, v1  }
0x179: {  	v1 =	vld [tilespmem:$0x104A0];
	_ =	sdelay $0x4  }
0x17a: {  	[tilespmem:v41+s14+$0x0] =	vst.idx.msk $0xffff, v1  }
0x17b: {  	v1 =	vld [tilespmem:$0x10520];
	_ =	sdelay $0x4  }
0x17c: {  	[tilespmem:v42+s14+$0x0] =	vst.idx.msk $0xffff, v1  }
0x17d: {  	v1 =	vld [tilespmem:$0x105A0];
	_ =	sdelay $0x4  }
0x17e: {  	[tilespmem:v43+s14+$0x0] =	vst.idx.msk $0xffff, v1  }
0x17f: {  	v1 =	vld [tilespmem:$0x10620];
	_ =	sdelay $0x4  }
0x180: {  	[tilespmem:v44+s14+$0x0] =	vst.idx.msk $0xffff, v1  }
0x181: {  	v1 =	vld [tilespmem:$0x106A0];
	_ =	sdelay $0x4  }
0x182: {  	[tilespmem:v45+s14+$0x0] =	vst.idx.msk $0xffff, v1  }
0x183: {  	v1 =	vld [tilespmem:$0x10720];
	_ =	sdelay $0x4  }
0x184: {  	[tilespmem:v46+s14+$0x0] =	vst.idx.msk $0xffff, v1  }
0x185: {  	v1 =	vld [tilespmem:$0x107A0];
	_ =	sdelay $0x4  }
0x186: {  	[tilespmem:v47+s14+$0x0] =	vst.idx.msk $0xffff, v1  }
0x187: {  	v1 =	vld [tilespmem:$0x10030];
	_ =	sdelay $0x4  }
0x188: {  	[tilespmem:v48+s14+$0x0] =	vst.idx.msk $0xffff, v1  }
0x189: {  	v1 =	vld [tilespmem:$0x100B0];
	_ =	sdelay $0x4  }
0x18a: {  	[tilespmem:v49+s14+$0x0] =	vst.idx.msk $0xffff, v1  }
0x18b: {  	v1 =	vld [tilespmem:$0x10130];
	_ =	sdelay $0x4  }
0x18c: {  	[tilespmem:v50+s14+$0x0] =	vst.idx.msk $0xffff, v1  }
0x18d: {  	v1 =	vld [tilespmem:$0x101B0];
	_ =	sdelay $0x4  }
0x18e: {  	[tilespmem:v51+s14+$0x0] =	vst.idx.msk $0xffff, v1  }
0x18f: {  	v1 =	vld [tilespmem:$0x10230];
	_ =	sdelay $0x4  }
0x190: {  	[tilespmem:v52+s14+$0x0] =	vst.idx.msk $0xffff, v1  }
0x191: {  	v1 =	vld [tilespmem:$0x102B0];
	_ =	sdelay $0x4  }
0x192: {  	[tilespmem:v53+s14+$0x0] =	vst.idx.msk $0xffff, v1  }
0x193: {  	v1 =	vld [tilespmem:$0x10330];
	_ =	sdelay $0x4  }
0x194: {  	[tilespmem:v54+s14+$0x0] =	vst.idx.msk $0xffff, v1  }
0x195: {  	v1 =	vld [tilespmem:$0x103B0];
	_ =	sdelay $0x4  }
0x196: {  	[tilespmem:v55+s14+$0x0] =	vst.idx.msk $0xffff, v1  }
0x197: {  	v1 =	vld [tilespmem:$0x10430];
	_ =	sdelay $0x4  }
0x198: {  	[tilespmem:v56+s14+$0x0] =	vst.idx.msk $0xffff, v1  }
0x199: {  	v1 =	vld [tilespmem:$0x104B0];
	_ =	sdelay $0x4  }
0x19a: {  	[tilespmem:v57+s14+$0x0] =	vst.idx.msk $0xffff, v1  }
0x19b: {  	v1 =	vld [tilespmem:$0x10530];
	_ =	sdelay $0x4  }
0x19c: {  	[tilespmem:v58+s14+$0x0] =	vst.idx.msk $0xffff, v1  }
0x19d: {  	v1 =	vld [tilespmem:$0x105B0];
	_ =	sdelay $0x4  }
0x19e: {  	[tilespmem:v59+s14+$0x0] =	vst.idx.msk $0xffff, v1  }
0x19f: {  	v1 =	vld [tilespmem:$0x10630];
	_ =	sdelay $0x4  }
0x1a0: {  	[tilespmem:v60+s14+$0x0] =	vst.idx.msk $0xffff, v1  }
0x1a1: {  	v1 =	vld [tilespmem:$0x106B0];
	_ =	sdelay $0x4  }
0x1a2: {  	[tilespmem:v61+s14+$0x0] =	vst.idx.msk $0xffff, v1  }
0x1a3: {  	v1 =	vld [tilespmem:$0x10730];
	_ =	sdelay $0x4  }
0x1a4: {  	[tilespmem:v62+s14+$0x0] =	vst.idx.msk $0xffff, v1  }
0x1a5: {  	v1 =	vld [tilespmem:$0x107B0];
	_ =	sdelay $0x4  }
0x1a6: {  	[tilespmem:v63+s14+$0x0] =	vst.idx.msk $0xffff, v1  }
0x1a7: {  	v2 =	vadd.s32 $0x310, v0;
	v1 =	vld [tilespmem:$0x10031];
	_ =	sdelay $0x4  }
0x1a8: {  	[tilespmem:v2+s14+$0x0] =	vst.idx.msk $0xffff, v1  }
0x1a9: {  	v2 =	vadd.s32 $0x311, v0;
	v1 =	vld [tilespmem:$0x100B1];
	_ =	sdelay $0x4  }
0x1aa: {  	[tilespmem:v2+s14+$0x0] =	vst.idx.msk $0xffff, v1  }
0x1ab: {  	v2 =	vadd.s32 $0x312, v0;
	v1 =	vld [tilespmem:$0x10131];
	_ =	sdelay $0x4  }
0x1ac: {  	[tilespmem:v2+s14+$0x0] =	vst.idx.msk $0xffff, v1  }
0x1ad: {  	v2 =	vadd.s32 $0x313, v0;
	v1 =	vld [tilespmem:$0x101B1];
	_ =	sdelay $0x4  }
0x1ae: {  	[tilespmem:v2+s14+$0x0] =	vst.idx.msk $0xffff, v1  }
0x1af: {  	v2 =	vadd.s32 $0x314, v0;
	v1 =	vld [tilespmem:$0x10231];
	_ =	sdelay $0x4  }
0x1b0: {  	[tilespmem:v2+s14+$0x0] =	vst.idx.msk $0xffff, v1  }
0x1b1: {  	v2 =	vadd.s32 $0x315, v0;
	v1 =	vld [tilespmem:$0x102B1];
	_ =	sdelay $0x4  }
0x1b2: {  	[tilespmem:v2+s14+$0x0] =	vst.idx.msk $0xffff, v1  }
0x1b3: {  	v2 =	vadd.s32 $0x316, v0;
	v1 =	vld [tilespmem:$0x10331];
	_ =	sdelay $0x4  }
0x1b4: {  	[tilespmem:v2+s14+$0x0] =	vst.idx.msk $0xffff, v1  }
0x1b5: {  	v2 =	vadd.s32 $0x317, v0;
	v1 =	vld [tilespmem:$0x103B1];
	_ =	sdelay $0x4  }
0x1b6: {  	[tilespmem:v2+s14+$0x0] =	vst.idx.msk $0xffff, v1  }
0x1b7: {  	v2 =	vadd.s32 $0x318, v0;
	v1 =	vld [tilespmem:$0x10431];
	_ =	sdelay $0x4  }
0x1b8: {  	[tilespmem:v2+s14+$0x0] =	vst.idx.msk $0xffff, v1  }
0x1b9: {  	v2 =	vadd.s32 $0x319, v0;
	v1 =	vld [tilespmem:$0x104B1];
	_ =	sdelay $0x4  }
0x1ba: {  	[tilespmem:v2+s14+$0x0] =	vst.idx.msk $0xffff, v1  }
0x1bb: {  	v2 =	vadd.s32 $0x31A, v0;
	v1 =	vld [tilespmem:$0x10531];
	_ =	sdelay $0x4  }
0x1bc: {  	[tilespmem:v2+s14+$0x0] =	vst.idx.msk $0xffff, v1  }
0x1bd: {  	v2 =	vadd.s32 $0x31B, v0;
	v1 =	vld [tilespmem:$0x105B1];
	_ =	sdelay $0x4  }
0x1be: {  	[tilespmem:v2+s14+$0x0] =	vst.idx.msk $0xffff, v1  }
0x1bf: {  	v2 =	vadd.s32 $0x31C, v0;
	v1 =	vld [tilespmem:$0x10631];
	_ =	sdelay $0x4  }
0x1c0: {  	[tilespmem:v2+s14+$0x0] =	vst.idx.msk $0xffff, v1  }
0x1c1: {  	v2 =	vadd.s32 $0x31D, v0;
	v1 =	vld [tilespmem:$0x106B1];
	_ =	sdelay $0x4  }
0x1c2: {  	[tilespmem:v2+s14+$0x0] =	vst.idx.msk $0xffff, v1  }
0x1c3: {  	v2 =	vadd.s32 $0x31E, v0;
	v1 =	vld [tilespmem:$0x10731];
	_ =	sdelay $0x4  }
0x1c4: {  	[tilespmem:v2+s14+$0x0] =	vst.idx.msk $0xffff, v1  }
0x1c5: {  	v2 =	vadd.s32 $0x31F, v0;
	v1 =	vld [tilespmem:$0x107B1];
	_ =	sdelay $0x4  }
.Ltmp10:
0x1c6: {  	[tilespmem:v2+s14+$0x0] =	vst.idx.msk $0xffff, v1;
	(pc) =	sbr.rel .LBB2_13-.Ltmp10, $4  }
0x1c7: {  	[hbm4b:s8+s2] =	stream.linear.scatter [tilespmem:s14], [sflag:$0x5], $0x410, $0x38;
	[tilespmem:$0x10880] =	vst v63  }
0x1c8: {  	_ =	swait.ge [sflag:s21], $0x410  }
0x1c9: {  	[sflag:s21] =	ssyncset.done $0x0  }
0x1ca: {  	[sflag:s21] =	ssyncadd.s32 $0xFFFFFBF0  }
.LBB2_14:
0x1cb: {  	_ =	sfence.sel $0x180000  }
0x1cc: {  	[bflag:$0x0] =	sbarrier.arrive $0xFFFF  }
0x1cd: {  	_ =	strace $0x9000004A  }
0x1ce: {  	s0 =	stileid.u32;
	[bflag:$0x2] =	sbarrier.arrive $0xFFFF  }
0x1cf: {  	p0 =	sne.s32 s0, $0x0;
	s0 =	rddreg [dreg:$0x2]  }
0x1d0: {  	s0 =	sadd.s32 @!p0 $0x100000, s0  }
0x1d1: {  	[sflag:s0] =	ssyncadd.tile.s32 @!p0 $0x1;
	_ =	shalt  }
.Lfunc_end2:
_tile_overlayer_lowered:
.L_overlay_start_2:
0x1d2: {  	(tag) =	ssettag $0x2  }
0x1d3: {  	s0 =	rddreg [dreg:$0x0];
	s2 =	stileid.u32  }
0x1d4: {  	s1 =	rddreg [dreg:$0x1];
	p0 =	sne.s32 s2, $0x0  }
0x1d5: {  	s3 =	rddreg [dreg:$0x2];
	[bflag:$0x3] =	sbarrier.arrive $0xFFFF;
	s2 =	simm.s32 @!p0 $0x1C05  }
0x1d6: {  	[timem:s3], [sflag:s2] =	dma.local @!p0 [hbm:s0], s1  }
0x1d7: {  	s0 =	simm.s32 @!p0 $0x5  }
0x1d8: {  	_ =	swait.ge @!p0 [sflag:s0], s1  }
0x1d9: {  	s1 =	ssub.s32 @!p0 $0x0, s1;
	[sflag:s0] =	ssyncset.done @!p0 $0x0  }
0x1da: {  	[sflag:s0] =	ssyncadd.s32 @!p0 s1  }
0x1db: {  	[bflag:$0x3] =	sbarrier.arrive $0xFFFF  }
0x1dc: {  	_ =	shalt  }

// kernel: kernel.8.cloned.1.call-start
scs
__scs_entry_jumppad:
0x0: {  	(pc) =	sbr.rel $0x88, $3  }
0x1: {  	(tag) =	ssettag $0x0;
	lr =	simm.s32 $0x1  }
0x2: {  	[smem:$0x3F9F] =	sst lr;
	_ =	strace $0xD0000000  }
0x3: {  	_ = 	snop  }
0x4: {  	_ = 	snop  }
0x5: {  	_ = 	snop  }
0x6: {  	_ = 	snop  }
0x7: {  	_ = 	snop  }
__scs_overlays_trampoline_lowered:
0x8: {  	[smem:$0x3FAE] =	sst s0  }
0x9: {  	[smem:$0x3FAF] =	sst s1  }
0xa: {  	[smem:$0x3FB0] =	sst s2  }
0xb: {  	[smem:$0x3FB1] =	sst s3  }
0xc: {  	[smem:$0x3FB2] =	sst s4  }
0xd: {  	[smem:$0x3FB3] =	sst s5  }
0xe: {  	[smem:$0x3FB4] =	sst s6  }
0xf: {  	[smem:$0x3FB5] =	sst s7  }
0x10: {  	[smem:$0x3FB6] =	sst s8  }
0x11: {  	[smem:$0x3FB7] =	sst s9;
	s0 =	simm.s32 @!p0 $0x0  }
0x12: {  	s1 =	sld [smem:$0x3F9D];
	s0 =	simm.s32 @p0 $0x1  }
0x13: {  	[smem:$0x3FB8] =	sst s0;
	s0 =	simm.s32 @!p1 $0x0  }
0x14: {  	s2 =	sld [smem:$0x3F9C];
	s0 =	simm.s32 @p1 $0x1  }
0x15: {  	[smem:$0x3FB9] =	sst s0;
	s0 =	simm.s32 @!p2 $0x0  }
0x16: {  	s3 =	sld [smem:$0x3FDB];
	s0 =	simm.s32 @p2 $0x1  }
0x17: {  	s4 =	simm.s32 $0x1BF5;
	[smem:$0x3FBB] =	sst s0  }
0x18: {  	s0 =	sld [smem:$0x3F9E];
	_ =	swait.ge [sflag:s4], $0x0  }
0x19: {  	s7 =	sld [smem:$0x3F9F]  }
0x1a: {  	s8 =	sadd.s32 $0xFFFFE003, lr  }
0x1b: {  	s9 =	sadd.s32 $0xFFFFFEF7, lr;
	s5 =	simm.s32 $0xFFFFFFFF;
	p2 =	slt.u32 s8, $0xFFFFF086  }
0x1c: {  	p1 =	slt.u32 s9, $0xF7A;
	s5 =	simm.s32 @!p2 $0x0  }
0x1d: {  	s5 =	simm.s32 @p1 $0x1;
	p0 =	seq.s32 s7, s2  }
0x1e: {  	s7 =	smul.u32 @!p0 $0xF7A, s2;
	p2 =	seq.s32 @!p0 s5, $0x0  }
0x1f: {  	s9 =	smul.u32 $0xF7A, s1;
	s8 =	simm.s32 @!p0 $0x1BF5;
	p2 =	por !p2, p0  }
0x20: {  	[sflag:s8] =	ssyncset.s32 @!p0 $0xFFFFF086;
	s6 =	sadd.s32 @!p0 s3, s7;
	s7 =	simm.s32 @!p0 $0x108  }
0x21: {  	s3 =	sadd.s32 s3, s9;
	s6 =	sadd.s32 @!p0 $0x88, s6;
	s7 =	simm.s32 @p2 $0x1082  }
0x22: {  	[simem:s7], [sflag:s8] =	dma.local @!p0 [hbm:s6], $0xF7A  }
0x23: {  	s9 =	sor.u32 $0xD0000000, s2;
	s6 =	simm.s32 $0x108;
	_ =	swait.ge @!p0 [sflag:s8], $0x0  }
0x24: {  	s3 =	sadd.s32 $0x88, s3;
	s6 =	simm.s32 @!p1 $0x1082;
	[sflag:s4] =	ssyncset.s32 $0xFFFFF086  }
0x25: {  	[simem:s6], [sflag:s4] =	dma.local [hbm:s3], $0xF7A  }
0x26: {  	[smem:$0x3F9F] =	sst s1;
	(tag) =	ssettag s2;
	_ =	strace s9  }
0x27: {  	s1 =	sld [smem:$0x3FAF]  }
0x28: {  	s2 =	sld [smem:$0x3FB0]  }
0x29: {  	s4 =	sld [smem:$0x3FB2]  }
0x2a: {  	p0 =	seq.s32 s5, $0x0;
	s5 =	sld [smem:$0x3FB3]  }
0x2b: {  	s6 =	sld [smem:$0x3FB4]  }
0x2c: {  	s7 =	sld [smem:$0x3FB5]  }
0x2d: {  	s3 =	simm.s32 $0x108;
	s8 =	sld [smem:$0x3FB6]  }
0x2e: {  	s3 =	simm.s32 @!p0 $0x1082;
	s9 =	sld [smem:$0x3FB7]  }
0x2f: {  	lr =	sadd.s32 s0, s3;
	s0 =	sld [smem:$0x3FAE]  }
0x30: {  	s3 =	sld [smem:$0x3FB1]  }
0x31: {  	[smem:$0x3FBA] =	sst s10  }
0x32: {  	s10 =	sld [smem:$0x3FB8];
	_ =	sdelay $0x3  }
0x33: {  	p0 =	seq.s32 s10, $0x1;
	s10 =	sld [smem:$0x3FBA];
	_ =	sdelay $0x3  }
0x34: {  	[smem:$0x3FBA] =	sst s10  }
0x35: {  	s10 =	sld [smem:$0x3FB9];
	_ =	sdelay $0x3  }
0x36: {  	p1 =	seq.s32 s10, $0x1;
	s10 =	sld [smem:$0x3FBA];
	_ =	sdelay $0x3  }
0x37: {  	[smem:$0x3FBA] =	sst s10  }
0x38: {  	s10 =	sld [smem:$0x3FBB]  }
0x39: {  	_ = 	snop;
	(pc) =	sbr.ind lr, $3  }
0x3a: {  	_ = 	snop  }
0x3b: {  	_ = 	snop  }
0x3c: {  	p2 =	seq.s32 s10, $0x1;
	s10 =	sld [smem:$0x3FBA]  }
0x3d: {  	_ =	shalt  }
0x3e: {  	_ =	shalt  }
0x3f: {  	_ =	shalt  }
0x40: {  	_ =	shalt  }
0x41: {  	_ =	shalt  }
0x42: {  	_ =	shalt  }
0x43: {  	_ =	shalt  }
0x44: {  	_ =	shalt  }
0x45: {  	_ =	shalt  }
0x46: {  	_ =	shalt  }
0x47: {  	_ =	shalt  }
0x48: {  	_ =	shalt  }
0x49: {  	_ =	shalt  }
0x4a: {  	_ =	shalt  }
0x4b: {  	_ =	shalt  }
0x4c: {  	_ =	shalt  }
0x4d: {  	_ =	shalt  }
0x4e: {  	_ =	shalt  }
0x4f: {  	_ =	shalt  }
0x50: {  	_ =	shalt  }
0x51: {  	_ =	shalt  }
0x52: {  	_ =	shalt  }
0x53: {  	_ =	shalt  }
0x54: {  	_ =	shalt  }
0x55: {  	_ =	shalt  }
0x56: {  	_ =	shalt  }
0x57: {  	_ =	shalt  }
0x58: {  	_ =	shalt  }
0x59: {  	_ =	shalt  }
0x5a: {  	_ =	shalt  }
0x5b: {  	_ =	shalt  }
0x5c: {  	_ =	shalt  }
0x5d: {  	_ =	shalt  }
0x5e: {  	_ =	shalt  }
0x5f: {  	_ =	shalt  }
0x60: {  	_ =	shalt  }
0x61: {  	_ =	shalt  }
0x62: {  	_ =	shalt  }
0x63: {  	_ =	shalt  }
0x64: {  	_ =	shalt  }
0x65: {  	_ =	shalt  }
0x66: {  	_ =	shalt  }
0x67: {  	_ =	shalt  }
0x68: {  	_ =	shalt  }
0x69: {  	_ =	shalt  }
0x6a: {  	_ =	shalt  }
0x6b: {  	_ =	shalt  }
0x6c: {  	_ =	shalt  }
0x6d: {  	_ =	shalt  }
0x6e: {  	_ =	shalt  }
0x6f: {  	_ =	shalt  }
0x70: {  	_ =	shalt  }
0x71: {  	_ =	shalt  }
0x72: {  	_ =	shalt  }
0x73: {  	_ =	shalt  }
0x74: {  	_ =	shalt  }
0x75: {  	_ =	shalt  }
0x76: {  	_ =	shalt  }
0x77: {  	_ =	shalt  }
0x78: {  	_ =	shalt  }
0x79: {  	_ =	shalt  }
0x7a: {  	_ =	shalt  }
0x7b: {  	_ =	shalt  }
0x7c: {  	_ =	shalt  }
0x7d: {  	_ =	shalt  }
0x7e: {  	_ =	shalt  }
0x7f: {  	_ =	shalt  }
0x80: {  	_ =	shalt  }
0x81: {  	_ =	shalt  }
0x82: {  	_ =	shalt  }
0x83: {  	_ =	shalt  }
0x84: {  	_ =	shalt  }
0x85: {  	_ =	shalt  }
0x86: {  	_ =	shalt  }
0x87: {  	_ =	shalt  }
.Lfunc_end0:
.L_simem_size_0:
called_computation.1_lowered:
.L_overlay_start_0:
0x88: {  	s2 =	sld [smem:$0x3FD9]  }
0x89: {  	s3 =	sld [smem:$0x3FFE];
	_ =	sdelay $0x1  }
0x8a: {  	s1 =	srdreg.scid  }
0x8b: {  	s0 =	sand.u32 $0x1, s1  }
0x8c: {  	s18 =	sshll.u32 s0, $0xA;
	s2 =	sadd.s32 s3, s2  }
0x8d: {  	s2 =	sadd.s32 s2, s18  }
0x8e: {  	[smem:$0x3FC6] =	sst s2  }
0x8f: {  	_ = 	snop  }
0x90: {  	s2 =	sld [smem:$0x3FC9]  }
0x91: {  	s19 =	sld [smem:$0x3FD0];
	(tm) =	ssettm $0x1  }
0x92: {  	s4 =	sld [smem:$0x3FFB];
	_ =	sdelay $0x3  }
0x93: {  	_ =	strace s4  }
0x94: {  	s4 =	sld [smem:$0x3FFC];
	_ =	sdelay $0x3  }
0x95: {  	_ =	strace s4  }
0x96: {  	s4 =	sld [smem:$0x3FFD];
	_ =	sdelay $0x3  }
0x97: {  	_ =	strace s4  }
0x98: {  	_ =	strace $0x8FFFFFFF  }
0x99: {  	s20 =	sld [smem:$0x3FDB];
	_ =	sdelay $0x1  }
0x9a: {  	s5 =	simm.s32 $_scs_section_size  }
0x9b: {  	s6 =	simm.s32 $_size__tile_overlayer_lowered;
	s7 =	simm.s32 $_tile_overlayer_lowered  }
0x9c: {  	s23 =	simm.s32 $0x1BFF;
	s22 =	sshll.u32 s7, $0x1;
	s4 =	sadd.s32 s5, s20  }
0x9d: {  	s8 =	simm.s32 $0x0;
	s21 =	sshll.u32 s6, $0x1;
	s6 =	sadd.s32 s22, s4  }
0x9e: {  	[timem:s8], [sflag:s23] =	dma.local [hbm:s6], s21  }
0x9f: {  	_ =	swait.ge [sflag:s23], s21  }
0xa0: {  	s5 =	ssub.s32 $0x0, s21;
	[sflag:s23] =	ssyncset.done $0x0  }
0xa1: {  	[sflag:s23] =	ssyncadd.s32 s5;
	_ =	sdelay $0x1  }
0xa2: {  	s24 =	simm.s32 $0x1B8B  }
0xa3: {  	_ =	swait.ge [sflag:s24], $0x1  }
0xa4: {  	[sflag:s24] =	ssyncset.done $0x0  }
0xa5: {  	s25 =	simm.s32 $0x1B8E;
	[sflag:s24] =	ssyncadd.s32 $0xFFFFFFFF  }
0xa6: {  	s26 =	simm.s32 $execute0_lowered;
	[smem:$0x3FD2] =	sst s25  }
0xa7: {  	s5 =	sshll.u32 s26, $0x1;
	_ =	strace $0x80000046;
	[dreg:$0x1] =	wrdreg $0xFFFFFFFF  }
0xa8: {  	s28 =	simm.s32 $_size_execute0_lowered;
	s4 =	sadd.s32 s4, s5;
	[dreg:$0x0] =	wrdreg $0x0  }
0xa9: {  	s5 =	sshll.u32 s28, $0x1;
	[dreg:$0x2] =	wrdreg s4  }
0xaa: {  	[dreg:$0x3] =	wrdreg s5  }
0xab: {  	[dreg:$0x4] =	wrdreg $0xC0  }
0xac: {  	_ =	task [dreg:s8], $0x5FFFF  }
0xad: {  	[dreg:$0x1] =	wrdreg $0xFFFFFFFF  }
0xae: {  	[dreg:$0x0] =	wrdreg $0x60  }
0xaf: {  	[dreg:$0x2] =	wrdreg s2  }
0xb0: {  	[dreg:$0x3] =	wrdreg s19  }
0xb1: {  	[dreg:$0x4] =	wrdreg $0xA  }
0xb2: {  	_ =	task.clear_ibuf [dreg:s8], $0x5FFFF;
	_ =	strace $0x90000046  }
0xb3: {  	s29 =	simm.s32 $0xA;
	_ =	strace $0x80000048  }
0xb4: {  	_ =	swait.ge [sflag:s29], $0x1  }
0xb5: {  	[sflag:s29] =	ssyncadd.s32 $0xFFFFFFFF  }
0xb6: {  	_ =	strace $0x90000048  }
0xb7: {  	_ =	sfence  }
0xb8: {  	s30 =	sld [smem:$0x0];
	_ =	sdelay $0x2  }
0xb9: {  	s31 =	sshll.u32 s1, $0xD;
	s1 =	sshrl.u32 s1, $0x2  }
0xba: {  	s3 =	sand.u32 $0x4000, s31;
	s1 =	sadd.s32 s1, s30  }
0xbb: {  	s0 =	sor.u32 s3, s0;
	s1 =	sshll.u32 s1, $0x11  }
0xbc: {  	s0 =	sor.u32 s1, s0  }
0xbd: {  	s0 =	sadd.s32 $0x8F2B, s0  }
0xbe: {  	[sflag:s0] =	ssyncadd.remote.s32 $0x1  }
0xbf: {  	_ =	sfence.sel $0xFFFF  }
0xc0: {  	[dreg:$0x0] =	wrdreg $0xFFFFFFFF;
	(pc) =	sbr.abs _section_cstart, $3  }
0xc1: {  	[dreg:$0x1] =	wrdreg $0xFFFFFFFF  }
0xc2: {  	_ =	task.clear_ibuf [dreg:s8], $0x2FFFF;
	_ =	strace $0x9FFFFFFF  }
0xc3: {  	(tm) =	ssettm $0x7FFFFFFF  }
tec
execute0_lowered:
.L_overlay_start_1:
0x0: {  	(tag) =	ssettag $0x1  }
0x1: {  	s1 =	rddreg [dreg:$0x0]  }
0x2: {  	s2 =	rddreg [dreg:$0x1];
	s3 =	srdreg.scid  }
0x3: {  	s0 =	rddreg [dreg:$0x2];
	s4 =	simm.s32 $0x0;
	s9 =	simm.s32 $0x1  }
0x4: {  	s10 =	simm.s32 $0x200;
	s11 =	simm.s32 $0x0;
	s5 =	sand.u32 $0x1, s3  }
0x5: {  	[smem:$0x7FF] =	sst s4;
	s3 =	stileid.u32;
	s6 =	ssub.s32 $0x2, s5  }
0x6: {  	s8 =	sshll.u32 s3, $0xA;
	s5 =	sshll.u32 s5, $0x9;
	s7 =	sshrl.u32 s6, $0x1  }
0x7: {  	_ =	strace $0x80000047;
	s5 =	sor.u32 s5, s8;
	s6 =	ssub.s32 s6, s7  }
0x8: {  	s8 =	simm.s32 $0x400;
	s7 =	simm.s32 $0x80;
	s6 =	smax.u32 s6, $0x1  }
.LBB2_1:
0x9: {  	s12 =	simm.s32 $0x0  }
.LBB2_2:
0xa: {  	s13 =	sshll.u32 s12, $0x4  }
0xb: {  	s14 =	sshll.u32 s12, $0xB;
	s13 =	sand.u32 $0x70, s13  }
0xc: {  	s14 =	sand.u32 $0xC000, s14;
	s13 =	sadd.s32 s1, s13  }
0xd: {  	s13 =	sadd.s32 s14, s13  }
0xe: {  	s30 =	simm.s32 $0x0;
	s13 =	sadd.s32 s5, s13  }
0xf: {  	[tilespmem:s30], [sflag:$0x1] =	stream.strided.gather [hbm4b:s13+s7], $0x200, s8, s7, $0x38;
	[tilespmem:$0x400] =	vst v63  }
0x10: {  	_ =	swait.ge [sflag:s9], $0x200  }
0x11: {  	[sflag:s9] =	ssyncset.done $0x0  }
0x12: {  	s31 =	smul.u32 $0x186A0, s12;
	s13 =	simm.s32 $0x0;
	[sflag:s9] =	ssyncadd.s32 $0xFFFFFE00  }
0x13: {  	v1 =	vld [tilespmem:s13+$0x0]  }
0x14: {  	v0 =	vmov s31;
	s14 =	simm.s32 $0x40  }
.LBB2_3:
0x15: {  	p0 =	sne.s32 s14, $0x7C0  }
.Ltmp0:
0x16: {  	_ = 	snop;
	(pc) =	sbr.rel @p0 .LBB2_3-.Ltmp0, $4  }
0x17: {  	_ = 	snop  }
0x18: {  	s15 =	sshra.s32 s14, $0x2;
	s14 =	sadd.s32 $0x40, s14;
	vm0 =	veq.s32 v1, $0x0;
	v2 =	vadd.s32 v0, v1  }
0x19: {  	v1 =	vld [tilespmem:s15+$0x0];
	v2 =	vsel vm0, $0x0, v2  }
0x1a: {  	[tilespmem:s13+$0x200] =	vst v2;
	s13 =	smov.u32 s15  }
0x1b: {  	_ =	sdelay $0x1  }
0x1c: {  	s14 =	sshll.u32 s12, $0xE  }
0x1d: {  	s12 =	sadd.s32 $0x1, s12;
	s14 =	sor.u32 s5, s14;
	vm0 =	veq.s32 v1, $0x0;
	v0 =	vadd.s32 v0, v1  }
0x1e: {  	p0 =	sne.s32 s12, $0x1A;
	s14 =	sshrl.u32 s14, $0x3;
	v0 =	vsel vm0, $0x0, v0  }
.Ltmp1:
0x1f: {  	s31 =	sadd.s32 s2, s14;
	[tilespmem:s13+$0x200] =	vst v0;
	(pc) =	sbr.rel @p0 .LBB2_2-.Ltmp1, $4  }
0x20: {  	[hbm4b:s31+s4] =	stream.linear.scatter [tilespmem:s10], [sflag:$0x1], $0x200, $0x38;
	[tilespmem:$0x400] =	vst v63  }
0x21: {  	_ =	swait.ge [sflag:s9], $0x200  }
0x22: {  	[sflag:s9] =	ssyncset.done $0x0  }
0x23: {  	[sflag:s9] =	ssyncadd.s32 $0xFFFFFE00  }
0x24: {  	s11 =	sadd.s32 $0x1, s11  }
0x25: {  	p0 =	sne.s32 s11, s6  }
.Ltmp2:
0x26: {  	_ = 	snop;
	(pc) =	sbr.rel @p0 .LBB2_1-.Ltmp2, $1  }
0x27: {  	_ =	sdelay $0x3  }
0x28: {  	_ =	sfence.sel $0x180000  }
0x29: {  	[bflag:$0x0] =	sbarrier.arrive $0xFFFF  }
0x2a: {  	p0 =	sne.s32 s3, $0x0;
	_ =	strace $0x90000047  }
0x2b: {  	s0 =	sadd.s32 @!p0 $0x100000, s0;
	[bflag:$0x2] =	sbarrier.arrive $0xFFFF  }
0x2c: {  	[sflag:s0] =	ssyncadd.tile.s32 @!p0 $0x1;
	_ =	shalt  }
.Lfunc_end2:
_tile_overlayer_lowered:
.L_overlay_start_2:
0x2d: {  	(tag) =	ssettag $0x2  }
0x2e: {  	s0 =	rddreg [dreg:$0x0];
	s2 =	stileid.u32  }
0x2f: {  	s1 =	rddreg [dreg:$0x1];
	p0 =	sne.s32 s2, $0x0  }
0x30: {  	s3 =	rddreg [dreg:$0x2];
	[bflag:$0x3] =	sbarrier.arrive $0xFFFF;
	s2 =	simm.s32 @!p0 $0x1C01  }
0x31: {  	[timem:s3], [sflag:s2] =	dma.local @!p0 [hbm:s0], s1  }
0x32: {  	s0 =	simm.s32 @!p0 $0x1  }
0x33: {  	_ =	swait.ge @!p0 [sflag:s0], s1  }
0x34: {  	s1 =	ssub.s32 @!p0 $0x0, s1;
	[sflag:s0] =	ssyncset.done @!p0 $0x0  }
0x35: {  	[sflag:s0] =	ssyncadd.s32 @!p0 s1  }
0x36: {  	[bflag:$0x3] =	sbarrier.arrive $0xFFFF  }
0x37: {  	_ =	shalt  }

</sc_bundles>
